<compile_context>
chip_gen: v7x
topology: tpu7x:2x2x1
jax: 0.10.2.dev20260603
libtpu: 0.0.44.dev20260713+nightly
codegen_flags: <defaults>
</compile_context>

<pallas_src>
import functools

import jax
import jax.numpy as jnp
from jax import lax
from jax.experimental import pallas as pl
from jax.experimental.pallas import tpu as pltpu
from jax.experimental.pallas import tpu_sc as plsc

N = 10000
E = 320000
D = 128
V = 128
G = 256
NUM_LAYERS = 3

NC = 2
NS = 16
NW = NC * NS
K = 128
NCHUNK = 80
E_PAD = NW * NCHUNK * K
STAGE = 40
NSTAGE = NCHUNK // STAGE
KG = 80
NCHUNKS_ALL = E_PAD // KG
C_CORE0 = 128
C_CORE1 = 128
OFF_CORE1 = NS * C_CORE0
GSTAGE = 32
NBUF = 4
N_PAD = 10240
ROWS_PER_TILE = N_PAD // NS
PAD_DST = N + 8

TB = 400
NTB = N // TB


def _make_segsum():
    mesh = plsc.VectorSubcoreMesh(core_axis_name="c", subcore_axis_name="s",
                                  num_cores=NC, num_subcores=NS)

    @functools.partial(
        pl.kernel,
        out_type=jax.ShapeDtypeStruct((NC, N_PAD, D), jnp.float32),
        mesh=mesh,
        scratch_types=[
            pltpu.VMEM((GSTAGE, KG), jnp.int32),
            pltpu.VMEM((GSTAGE, KG), jnp.int32),
            [pltpu.VMEM((KG, D), jnp.float32) for _ in range(NBUF)],
            pltpu.VMEM_SHARED((N_PAD, D), jnp.float32),
            pltpu.SemaphoreType.DMA,
            pltpu.SemaphoreType.DMA,
        ],
    )
    def segsum(h_hbm, src_hbm, dst_hbm, out_hbm,
               src_v, dst_v, rows, agg_sh, gsem, ssem):
        c = lax.axis_index("c")
        s = lax.axis_index("s")
        chunk_base = (c * NS + s) * C_CORE0

        def zrow(i, _):
            for j in range(D // 16):
                rows[0][i, pl.ds(j * 16, 16)] = jnp.zeros((16,), jnp.float32)
            return 0
        lax.fori_loop(0, KG, zrow, 0)
        for f in range(ROWS_PER_TILE // KG):
            pltpu.sync_copy(rows[0],
                            agg_sh.at[pl.ds(s * ROWS_PER_TILE + f * KG, KG)])
        plsc.subcore_barrier()

        def stage_body(t, _):
            off = pl.multiple_of(chunk_base + t * GSTAGE, 8)
            pltpu.sync_copy(src_hbm.at[pl.ds(off, GSTAGE)], src_v)
            pltpu.sync_copy(dst_hbm.at[pl.ds(off, GSTAGE)], dst_v)

            def chunk(i, _):
                gs = [pltpu.async_copy(h_hbm.at[src_v.at[NBUF * i + b]],
                                       rows[b], gsem)
                      for b in range(NBUF)]
                ss = []
                for b in range(NBUF):
                    gs[b].wait()
                    ss.append(pltpu.async_copy(
                        rows[b], agg_sh.at[dst_v.at[NBUF * i + b]],
                        ssem, add=True))
                for b in range(NBUF):
                    ss[b].wait()
                return 0
            lax.fori_loop(0, GSTAGE // NBUF, chunk, 0)
            return 0
        lax.fori_loop(0, C_CORE0 // GSTAGE, stage_body, 0)
        plsc.subcore_barrier()

        pltpu.sync_copy(agg_sh.at[pl.ds(s * ROWS_PER_TILE, ROWS_PER_TILE)],
                        out_hbm.at[c, pl.ds(s * ROWS_PER_TILE, ROWS_PER_TILE)])

    return segsum


_segsum = _make_segsum()


ZCH = 8192
CPT = N_PAD * V // NS


def _make_count():
    mesh = plsc.VectorSubcoreMesh(core_axis_name="c", subcore_axis_name="s",
                                  num_cores=NC, num_subcores=NS)

    @functools.partial(
        pl.kernel,
        out_type=jax.ShapeDtypeStruct((NC, N_PAD * V), jnp.float32),
        mesh=mesh,
        scratch_types=[
            pltpu.VMEM((STAGE, K), jnp.int32),
            pltpu.VMEM((STAGE, K), jnp.int32),
            pltpu.VMEM((K,), jnp.int32),
            pltpu.VMEM((K,), jnp.int32),
            pltpu.VMEM((K,), jnp.float32),
            pltpu.VMEM((ZCH,), jnp.float32),
            pltpu.VMEM_SHARED((N_PAD * V,), jnp.float32),
        ],
    )
    def count(x_hbm, src_hbm, dst_hbm, out_hbm,
              src_v, dst_v, xvals_v, fidx_v, ones_v, zero_v, c_sh):
        c = lax.axis_index("c")
        s = lax.axis_index("s")
        wid = s * NC + c

        def zfill(i, _):
            zero_v[pl.ds(i * 16, 16)] = jnp.zeros((16,), jnp.float32)
            return 0
        lax.fori_loop(0, ZCH // 16, zfill, 0)
        for j in range(K // 16):
            ones_v[pl.ds(j * 16, 16)] = jnp.ones((16,), jnp.float32)
        for q in range(CPT // ZCH):
            pltpu.sync_copy(zero_v, c_sh.at[pl.ds(s * CPT + q * ZCH, ZCH)])
        plsc.subcore_barrier()

        def stage_body(t, _):
            pltpu.sync_copy(src_hbm.at[wid, pl.ds(t * STAGE, STAGE)], src_v)
            pltpu.sync_copy(dst_hbm.at[wid, pl.ds(t * STAGE, STAGE)], dst_v)

            def chunk(i, _):
                pltpu.sync_copy(x_hbm.at[src_v.at[i]], xvals_v)
                for j in range(K // 16):
                    dv = dst_v[i, pl.ds(j * 16, 16)]
                    xv = xvals_v[pl.ds(j * 16, 16)]
                    fidx_v[pl.ds(j * 16, 16)] = dv * V + xv
                pltpu.sync_copy(ones_v, c_sh.at[fidx_v], add=True)
                return 0
            lax.fori_loop(0, STAGE, chunk, 0)
            return 0
        lax.fori_loop(0, NSTAGE, stage_body, 0)
        plsc.subcore_barrier()

        pltpu.sync_copy(c_sh.at[pl.ds(s * CPT, CPT)],
                        out_hbm.at[c, pl.ds(s * CPT, CPT)])

    return count


_count = _make_count()


def _mlp0_body(x_ref, c_ref, embd_ref, w1_ref, b1_ref, w2_ref, b2_ref, out_ref):
    xb = x_ref[0, 0, :]
    iota = lax.broadcasted_iota(jnp.int32, (TB, V), 1)
    oh = (xb[:, None] == iota).astype(jnp.float32)
    q = oh + c_ref[0] + c_ref[1]
    z = jnp.dot(q, embd_ref[...], preferred_element_type=jnp.float32)
    z = jnp.dot(z, w1_ref[...], preferred_element_type=jnp.float32) + b1_ref[...]
    z = jnp.maximum(z, 0.0)
    z = jnp.dot(z, w2_ref[...], preferred_element_type=jnp.float32) + b2_ref[...]
    out_ref[...] = jnp.maximum(z, 0.0)


def _mlp0(x_r, counts, embd, w1, b1, w2, b2):
    return pl.pallas_call(
        _mlp0_body,
        grid=(NTB,),
        in_specs=[
            pl.BlockSpec((1, 1, TB), lambda i: (i, 0, 0)),
            pl.BlockSpec((NC, TB, V), lambda i: (0, i, 0)),
            pl.BlockSpec((V, D), lambda i: (0, 0)),
            pl.BlockSpec((D, D), lambda i: (0, 0)),
            pl.BlockSpec((1, D), lambda i: (0, 0)),
            pl.BlockSpec((D, D), lambda i: (0, 0)),
            pl.BlockSpec((1, D), lambda i: (0, 0)),
        ],
        out_specs=pl.BlockSpec((TB, D), lambda i: (i, 0)),
        out_shape=jax.ShapeDtypeStruct((N, D), jnp.float32),
    )(x_r, counts, embd, w1, b1, w2, b2)


def _mlp_block(h_ref, agg_ref, w1_ref, b1_ref, w2_ref, b2_ref):
    z = h_ref[...] + agg_ref[0] + agg_ref[1]
    z = jnp.dot(z, w1_ref[...], preferred_element_type=jnp.float32) + b1_ref[...]
    z = jnp.maximum(z, 0.0)
    return jnp.dot(z, w2_ref[...], preferred_element_type=jnp.float32) + b2_ref[...]


def _mlp_body(h_ref, agg_ref, w1_ref, b1_ref, w2_ref, b2_ref, out_ref, *, relu_out):
    z = _mlp_block(h_ref, agg_ref, w1_ref, b1_ref, w2_ref, b2_ref)
    if relu_out:
        z = jnp.maximum(z, 0.0)
    out_ref[...] = z


def _mlp(h, agg, w1, b1, w2, b2, relu_out):
    return pl.pallas_call(
        functools.partial(_mlp_body, relu_out=relu_out),
        grid=(NTB,),
        in_specs=[
            pl.BlockSpec((TB, D), lambda i: (i, 0)),
            pl.BlockSpec((NC, TB, D), lambda i: (0, i, 0)),
            pl.BlockSpec((D, D), lambda i: (0, 0)),
            pl.BlockSpec((1, D), lambda i: (0, 0)),
            pl.BlockSpec((D, D), lambda i: (0, 0)),
            pl.BlockSpec((1, D), lambda i: (0, 0)),
        ],
        out_specs=pl.BlockSpec((TB, D), lambda i: (i, 0)),
        out_shape=jax.ShapeDtypeStruct((N, D), jnp.float32),
    )(h, agg, w1, b1, w2, b2)


def _final_body(h_ref, agg_ref, w1_ref, b1_ref, w2_ref, b2_ref,
                batch_ref, linw_ref, linb_ref, wpw_ref, wpb_ref,
                out_ref, sums_scr, counts_scr):
    i = pl.program_id(0)

    @pl.when(i == 0)
    def _init():
        sums_scr[...] = jnp.zeros((G, D), jnp.float32)
        counts_scr[...] = jnp.zeros((G, 1), jnp.float32)

    z = _mlp_block(h_ref, agg_ref, w1_ref, b1_ref, w2_ref, b2_ref)

    seg = batch_ref[0, 0, :]
    gio = lax.broadcasted_iota(jnp.int32, (G, TB), 0)
    p = (gio == seg[None, :]).astype(jnp.float32)
    sums_scr[...] += jnp.dot(p, z, preferred_element_type=jnp.float32)
    counts_scr[...] += jnp.dot(p, jnp.ones((TB, 1), jnp.float32),
                               preferred_element_type=jnp.float32)

    @pl.when(i == NTB - 1)
    def _head():
        m = sums_scr[...] / jnp.maximum(counts_scr[...], 1.0)
        lb = linb_ref[...]
        m = jnp.maximum(jnp.dot(m, linw_ref[0], preferred_element_type=jnp.float32)
                        + lb[0:1, :], 0.0)
        m = jnp.maximum(jnp.dot(m, linw_ref[1], preferred_element_type=jnp.float32)
                        + lb[1:2, :], 0.0)
        out_ref[...] = (jnp.dot(m, wpw_ref[...], preferred_element_type=jnp.float32)
                        + wpb_ref[...])

    del _init, _head


def _final(h, agg, w1, b1, w2, b2, batch_r, lin_W, lin_b, wp_W, wp_b):
    return pl.pallas_call(
        _final_body,
        grid=(NTB,),
        in_specs=[
            pl.BlockSpec((TB, D), lambda i: (i, 0)),
            pl.BlockSpec((NC, TB, D), lambda i: (0, i, 0)),
            pl.BlockSpec((D, D), lambda i: (0, 0)),
            pl.BlockSpec((1, D), lambda i: (0, 0)),
            pl.BlockSpec((D, D), lambda i: (0, 0)),
            pl.BlockSpec((1, D), lambda i: (0, 0)),
            pl.BlockSpec((1, 1, TB), lambda i: (i, 0, 0)),
            pl.BlockSpec((2, D, D), lambda i: (0, 0, 0)),
            pl.BlockSpec((2, D), lambda i: (0, 0)),
            pl.BlockSpec((D, 1), lambda i: (0, 0)),
            pl.BlockSpec((1, 1), lambda i: (0, 0)),
        ],
        out_specs=pl.BlockSpec((G, 1), lambda i: (0, 0)),
        out_shape=jax.ShapeDtypeStruct((G, 1), jnp.float32),
        scratch_shapes=[
            pltpu.VMEM((G, D), jnp.float32),
            pltpu.VMEM((G, 1), jnp.float32),
        ],
    )(h, agg, w1, b1, w2, b2, batch_r, lin_W, lin_b, wp_W, wp_b)


def kernel(x, edge_index, batch, embd, gin_W1, gin_b1, gin_W2, gin_b2,
           lin_W, lin_b, wp_W, wp_b):
    x_r = x.astype(jnp.int32).reshape(NTB, 1, TB)
    npad = E_PAD - E
    src_r = jnp.concatenate(
        [edge_index[0].astype(jnp.int32),
         jnp.zeros((npad,), jnp.int32)]).reshape(NW, NCHUNK, K)
    dst_r = jnp.concatenate(
        [edge_index[1].astype(jnp.int32),
         jnp.full((npad,), PAD_DST, jnp.int32)]).reshape(NW, NCHUNK, K)
    batch_r = batch.astype(jnp.int32).reshape(NTB, 1, TB)

    x_pad = jnp.concatenate(
        [x.astype(jnp.int32), jnp.zeros((N_PAD - N,), jnp.int32)])
    src_f = src_r.reshape(NCHUNKS_ALL, KG)
    dst_f = dst_r.reshape(NCHUNKS_ALL, KG)
    counts = _count(x_pad, src_r, dst_r).reshape(NC, N_PAD, V)
    h = _mlp0(x_r, counts, embd, gin_W1[0], gin_b1[0][None, :],
              gin_W2[0], gin_b2[0][None, :])
    agg = _segsum(h, src_f, dst_f)
    h = _mlp(h, agg, gin_W1[1], gin_b1[1][None, :],
             gin_W2[1], gin_b2[1][None, :], relu_out=True)
    agg = _segsum(h, src_f, dst_f)
    props = _final(h, agg, gin_W1[2], gin_b1[2][None, :],
                   gin_W2[2], gin_b2[2][None, :],
                   batch_r, lin_W, lin_b, wp_W, wp_b.reshape(1, 1))
    return props[:, 0]

# --- scband reference (transcript-rebuilt; emitter-appended) ---
"""Pipeline reference for scband-molecular-gin-51754355917402 (READ-ONLY COPY).

The authoritative reference and input builder live on the scoring server;
editing this copy changes nothing except your own understanding.
"""

import jax, jax.numpy as jnp
import numpy as np

N = 10000
E = 320000
D = 128
V = 128
G = 256
L = 3
OUT_L = 2


def setup_inputs(seed: int = 0) -> dict:
    key = jax.random.key(seed)
    ks = jax.random.split(key, 16)
    x = jax.random.randint(ks[0], (N,), 0, V)
    edge_index = jax.random.randint(ks[1], (2, E), 0, N)
    batch = jnp.sort(jax.random.randint(ks[2], (N,), 0, G))
    embd = jax.random.normal(ks[3], (V, D), dtype=jnp.float32) * 0.02
    gin_W1 = jax.random.normal(ks[4], (L, D, D), dtype=jnp.float32) * (1.0 / np.sqrt(D))
    gin_b1 = jnp.zeros((L, D), dtype=jnp.float32)
    gin_W2 = jax.random.normal(ks[5], (L, D, D), dtype=jnp.float32) * (1.0 / np.sqrt(D))
    gin_b2 = jnp.zeros((L, D), dtype=jnp.float32)
    lin_W = jax.random.normal(ks[6], (OUT_L, D, D), dtype=jnp.float32) * (1.0 / np.sqrt(D))
    lin_b = jnp.zeros((OUT_L, D), dtype=jnp.float32)
    wp_W = jax.random.normal(ks[7], (D, 1), dtype=jnp.float32) * (1.0 / np.sqrt(D))
    wp_b = jnp.zeros((1,), dtype=jnp.float32)
    return {"x": x, "edge_index": edge_index, "batch": batch, "embd": embd,
            "gin_W1": gin_W1, "gin_b1": gin_b1, "gin_W2": gin_W2, "gin_b2": gin_b2,
            "lin_W": lin_W, "lin_b": lin_b, "wp_W": wp_W, "wp_b": wp_b}


def reference(x, edge_index, batch, embd, gin_W1, gin_b1, gin_W2, gin_b2, lin_W, lin_b, wp_W, wp_b):
    # atom-type embedding lookup
    h = jnp.take(embd, x, axis=0)  # [N, D]
    src = edge_index[0]
    dst = edge_index[1]
    n_nodes = h.shape[0]
    # GIN message passing: h' = MLP((1+eps)*h + sum_{j in N(i)} h_j), eps=0
    for i in range(L):
        msg = jnp.take(h, src, axis=0)                      # gather [E, D]
        agg = jax.ops.segment_sum(msg, dst, num_segments=n_nodes)  # scatter-add [N, D]
        z = h + agg
        z = jnp.dot(z, gin_W1[i]) + gin_b1[i]
        z = jax.nn.relu(z)
        z = jnp.dot(z, gin_W2[i]) + gin_b2[i]
        if i < L - 1:
            z = jax.nn.relu(z)
        h = z
    # scatter_mean over molecule assignment (graph-level readout)
    sums = jax.ops.segment_sum(h, batch, num_segments=G)
    counts = jax.ops.segment_sum(jnp.ones((n_nodes,), dtype=jnp.float32), batch, num_segments=G)
    m = sums / jnp.maximum(counts, 1.0)[:, None]
    # dense output head
    for j in range(OUT_L):
        m = jax.nn.relu(jnp.dot(m, lin_W[j]) + lin_b[j])
    props = jnp.dot(m, wp_W) + wp_b  # [G, 1]
    return jnp.squeeze(props, axis=1)  # [G]

if __name__ == "__main__":
    import jax
    _d = setup_inputs()
    print(jax.jit(kernel)(*tuple(_d.values())))

</pallas_src>

<mosaic_0001>
#map = affine_map<(d0, d1) -> (0, 0)>
#map1 = affine_map<(d0, d1) -> (0, 0, 0)>
module attributes {stable_mosaic.version = 14 : i64} {
  func.func @segsum(%arg0: i32, %arg1: i32, %arg2: memref<10000x128xf32, #tpu.memory_space<hbm>>, %arg3: memref<4096x80xi32, #tpu.memory_space<hbm>>, %arg4: memref<4096x80xi32, #tpu.memory_space<hbm>>, %arg5: memref<2x10240x128xf32, #tpu.memory_space<hbm>>, %arg6: memref<32x80xi32, #tpu.memory_space<vmem>>, %arg7: memref<32x80xi32, #tpu.memory_space<vmem>>, %arg8: memref<80x128xf32, #tpu.memory_space<vmem>>, %arg9: memref<80x128xf32, #tpu.memory_space<vmem>>, %arg10: memref<80x128xf32, #tpu.memory_space<vmem>>, %arg11: memref<80x128xf32, #tpu.memory_space<vmem>>, %arg12: memref<10240x128xf32, #tpu.memory_space<vmem_shared>>, %arg13: memref<!tpu.dma_semaphore, #tpu.memory_space<semaphore_mem>>, %arg14: memref<!tpu.dma_semaphore, #tpu.memory_space<semaphore_mem>>) attributes {dimension_semantics = [#tpu.dimension_semantics<core_parallel>, #tpu.dimension_semantics<subcore_parallel>], iteration_bounds = array<i64: 2, 16>, scalar_prefetch = 0 : i64, scratch_operands = 9 : i64, tpu.core_type = #tpu.core_type<sc_vector_subcore>, window_params = [{transform_indices = #map}, {transform_indices = #map}, {transform_indices = #map}, {transform_indices = #map1}]} {
    %mul3A = arith.constant 16 : i32
    %mul3A_0 = arith.muli %arg0, %mul3A : i32
    %add3A = arith.addi %mul3A_0, %arg1 : i32
    %mul3A_1 = arith.constant 128 : i32
    %mul3A_2 = arith.muli %add3A, %mul3A_1 : i32
    %scan3A = arith.constant 0 : i32
    %scan3A_3 = arith.constant 0 : i32
    %scan3A_4 = arith.constant 80 : i32
    %scan3A_5 = arith.addi %scan3A_3, %scan3A_4 : i32
    %scan3A_6 = arith.constant 1 : i32
    %scan3A_7 = scf.for %scan3A_53 = %scan3A_3 to %scan3A_5 step %scan3A_6 iter_args(%scan3A_54 = %scan3A) -> (i32)  : i32 {
      %broadcast_in_dim3A = arith.constant 0.000000e+00 : f32
      %broadcast_in_dim3A_55 = vector.broadcast %broadcast_in_dim3A : f32 to vector<16xf32>
      %swap3A = arith.index_cast %scan3A_53 : i32 to index
      %swap3A_56 = arith.constant 0 : index
      %swap3A_57 = tpu.vector_load %arg8[%swap3A, %swap3A_56] {strides = array<i32>} : memref<80x128xf32, #tpu.memory_space<vmem>>, vector<1x16xf32>,
      %swap3A_58 = vector.shape_cast %swap3A_57 : vector<1x16xf32> to vector<16xf32>
      %swap3A_59 = vector.shape_cast %broadcast_in_dim3A_55 : vector<16xf32> to vector<1x16xf32>
      tpu.vector_store %arg8[%swap3A, %swap3A_56], %swap3A_59 {strides = array<i32>} : memref<80x128xf32, #tpu.memory_space<vmem>>, vector<1x16xf32>,
      %broadcast_in_dim3A_60 = arith.constant 0.000000e+00 : f32
      %broadcast_in_dim3A_61 = vector.broadcast %broadcast_in_dim3A_60 : f32 to vector<16xf32>
      %swap3A_62 = arith.index_cast %scan3A_53 : i32 to index
      %swap3A_63 = arith.constant 16 : index
      %swap3A_64 = tpu.vector_load %arg8[%swap3A_62, %swap3A_63] {strides = array<i32>} : memref<80x128xf32, #tpu.memory_space<vmem>>, vector<1x16xf32>,
      %swap3A_65 = vector.shape_cast %swap3A_64 : vector<1x16xf32> to vector<16xf32>
      %swap3A_66 = vector.shape_cast %broadcast_in_dim3A_61 : vector<16xf32> to vector<1x16xf32>
      tpu.vector_store %arg8[%swap3A_62, %swap3A_63], %swap3A_66 {strides = array<i32>} : memref<80x128xf32, #tpu.memory_space<vmem>>, vector<1x16xf32>,
      %broadcast_in_dim3A_67 = arith.constant 0.000000e+00 : f32
      %broadcast_in_dim3A_68 = vector.broadcast %broadcast_in_dim3A_67 : f32 to vector<16xf32>
      %swap3A_69 = arith.index_cast %scan3A_53 : i32 to index
      %swap3A_70 = arith.constant 32 : index
      %swap3A_71 = tpu.vector_load %arg8[%swap3A_69, %swap3A_70] {strides = array<i32>} : memref<80x128xf32, #tpu.memory_space<vmem>>, vector<1x16xf32>,
      %swap3A_72 = vector.shape_cast %swap3A_71 : vector<1x16xf32> to vector<16xf32>
      %swap3A_73 = vector.shape_cast %broadcast_in_dim3A_68 : vector<16xf32> to vector<1x16xf32>
      tpu.vector_store %arg8[%swap3A_69, %swap3A_70], %swap3A_73 {strides = array<i32>} : memref<80x128xf32, #tpu.memory_space<vmem>>, vector<1x16xf32>,
      %broadcast_in_dim3A_74 = arith.constant 0.000000e+00 : f32
      %broadcast_in_dim3A_75 = vector.broadcast %broadcast_in_dim3A_74 : f32 to vector<16xf32>
      %swap3A_76 = arith.index_cast %scan3A_53 : i32 to index
      %swap3A_77 = arith.constant 48 : index
      %swap3A_78 = tpu.vector_load %arg8[%swap3A_76, %swap3A_77] {strides = array<i32>} : memref<80x128xf32, #tpu.memory_space<vmem>>, vector<1x16xf32>,
      %swap3A_79 = vector.shape_cast %swap3A_78 : vector<1x16xf32> to vector<16xf32>
      %swap3A_80 = vector.shape_cast %broadcast_in_dim3A_75 : vector<16xf32> to vector<1x16xf32>
      tpu.vector_store %arg8[%swap3A_76, %swap3A_77], %swap3A_80 {strides = array<i32>} : memref<80x128xf32, #tpu.memory_space<vmem>>, vector<1x16xf32>,
      %broadcast_in_dim3A_81 = arith.constant 0.000000e+00 : f32
      %broadcast_in_dim3A_82 = vector.broadcast %broadcast_in_dim3A_81 : f32 to vector<16xf32>
      %swap3A_83 = arith.index_cast %scan3A_53 : i32 to index
      %swap3A_84 = arith.constant 64 : index
      %swap3A_85 = tpu.vector_load %arg8[%swap3A_83, %swap3A_84] {strides = array<i32>} : memref<80x128xf32, #tpu.memory_space<vmem>>, vector<1x16xf32>,
      %swap3A_86 = vector.shape_cast %swap3A_85 : vector<1x16xf32> to vector<16xf32>
      %swap3A_87 = vector.shape_cast %broadcast_in_dim3A_82 : vector<16xf32> to vector<1x16xf32>
      tpu.vector_store %arg8[%swap3A_83, %swap3A_84], %swap3A_87 {strides = array<i32>} : memref<80x128xf32, #tpu.memory_space<vmem>>, vector<1x16xf32>,
      %broadcast_in_dim3A_88 = arith.constant 0.000000e+00 : f32
      %broadcast_in_dim3A_89 = vector.broadcast %broadcast_in_dim3A_88 : f32 to vector<16xf32>
      %swap3A_90 = arith.index_cast %scan3A_53 : i32 to index
      %swap3A_91 = arith.constant 80 : index
      %swap3A_92 = tpu.vector_load %arg8[%swap3A_90, %swap3A_91] {strides = array<i32>} : memref<80x128xf32, #tpu.memory_space<vmem>>, vector<1x16xf32>,
      %swap3A_93 = vector.shape_cast %swap3A_92 : vector<1x16xf32> to vector<16xf32>
      %swap3A_94 = vector.shape_cast %broadcast_in_dim3A_89 : vector<16xf32> to vector<1x16xf32>
      tpu.vector_store %arg8[%swap3A_90, %swap3A_91], %swap3A_94 {strides = array<i32>} : memref<80x128xf32, #tpu.memory_space<vmem>>, vector<1x16xf32>,
      %broadcast_in_dim3A_95 = arith.constant 0.000000e+00 : f32
      %broadcast_in_dim3A_96 = vector.broadcast %broadcast_in_dim3A_95 : f32 to vector<16xf32>
      %swap3A_97 = arith.index_cast %scan3A_53 : i32 to index
      %swap3A_98 = arith.constant 96 : index
      %swap3A_99 = tpu.vector_load %arg8[%swap3A_97, %swap3A_98] {strides = array<i32>} : memref<80x128xf32, #tpu.memory_space<vmem>>, vector<1x16xf32>,
      %swap3A_100 = vector.shape_cast %swap3A_99 : vector<1x16xf32> to vector<16xf32>
      %swap3A_101 = vector.shape_cast %broadcast_in_dim3A_96 : vector<16xf32> to vector<1x16xf32>
      tpu.vector_store %arg8[%swap3A_97, %swap3A_98], %swap3A_101 {strides = array<i32>} : memref<80x128xf32, #tpu.memory_space<vmem>>, vector<1x16xf32>,
      %broadcast_in_dim3A_102 = arith.constant 0.000000e+00 : f32
      %broadcast_in_dim3A_103 = vector.broadcast %broadcast_in_dim3A_102 : f32 to vector<16xf32>
      %swap3A_104 = arith.index_cast %scan3A_53 : i32 to index
      %swap3A_105 = arith.constant 112 : index
      %swap3A_106 = tpu.vector_load %arg8[%swap3A_104, %swap3A_105] {strides = array<i32>} : memref<80x128xf32, #tpu.memory_space<vmem>>, vector<1x16xf32>,
      %swap3A_107 = vector.shape_cast %swap3A_106 : vector<1x16xf32> to vector<16xf32>
      %swap3A_108 = vector.shape_cast %broadcast_in_dim3A_103 : vector<16xf32> to vector<1x16xf32>
      tpu.vector_store %arg8[%swap3A_104, %swap3A_105], %swap3A_108 {strides = array<i32>} : memref<80x128xf32, #tpu.memory_space<vmem>>, vector<1x16xf32>,
      %scan3A_109 = arith.constant 0 : i32
      scf.yield %scan3A_109 : i32
    }
    %scan3A_8 = arith.constant 80 : i32
    %mul3A_9 = arith.constant 640 : i32
    %mul3A_10 = arith.muli %arg1, %mul3A_9 : i32
    %add3A_11 = arith.constant 0 : i32
    %add3A_12 = arith.addi %mul3A_10, %add3A_11 : i32
    "tpu.region"() ({
      %run_scoped3A = tpu.sem_alloc : memref<!tpu.dma_semaphore, #tpu.memory_space<semaphore_mem>>
      %dma_start3A = arith.constant 0 : i32
      %dma_start3A_53 = tpu.memref_slice %arg12[%add3A_12, %dma_start3A] : memref<10240x128xf32, #tpu.memory_space<vmem_shared>> -> memref<80x128xf32, #tpu.memory_space<vmem_shared>>
      %dma_start3A_54 = arith.constant 0 : i32
      %dma_start3A_55 = tpu.memref_slice %arg12[%add3A_12, %dma_start3A_54] : memref<10240x128xf32, #tpu.memory_space<vmem_shared>> -> memref<80x128xf32, #tpu.memory_space<vmem_shared>>
      tpu.enqueue_dma source(%arg8 : memref<80x128xf32, #tpu.memory_space<vmem>>) target(%dma_start3A_55 : memref<80x128xf32, #tpu.memory_space<vmem_shared>>) target_semaphore(%run_scoped3A : memref<!tpu.dma_semaphore, #tpu.memory_space<semaphore_mem>>)
      %dma_wait3A = arith.constant 0 : i32
      %dma_wait3A_56 = tpu.memref_slice %arg12[%add3A_12, %dma_wait3A] : memref<10240x128xf32, #tpu.memory_space<vmem_shared>> -> memref<80x128xf32, #tpu.memory_space<vmem_shared>>
      %dma_wait3A_57 = arith.constant 0 : i32
      %dma_wait3A_58 = tpu.memref_slice %arg12[%add3A_12, %dma_wait3A_57] : memref<10240x128xf32, #tpu.memory_space<vmem_shared>> -> memref<80x128xf32, #tpu.memory_space<vmem_shared>>
      tpu.wait_dma2 semaphore(%run_scoped3A : memref<!tpu.dma_semaphore, #tpu.memory_space<semaphore_mem>>) src(%arg8 : memref<80x128xf32, #tpu.memory_space<vmem>>) dst(%dma_wait3A_58 : memref<80x128xf32, #tpu.memory_space<vmem_shared>>)
      tpu.yield
    }) : () -> ()
    %mul3A_13 = arith.constant 640 : i32
    %mul3A_14 = arith.muli %arg1, %mul3A_13 : i32
    %add3A_15 = arith.constant 80 : i32
    %add3A_16 = arith.addi %mul3A_14, %add3A_15 : i32
    "tpu.region"() ({
      %run_scoped3A = tpu.sem_alloc : memref<!tpu.dma_semaphore, #tpu.memory_space<semaphore_mem>>
      %dma_start3A = arith.constant 0 : i32
      %dma_start3A_53 = tpu.memref_slice %arg12[%add3A_16, %dma_start3A] : memref<10240x128xf32, #tpu.memory_space<vmem_shared>> -> memref<80x128xf32, #tpu.memory_space<vmem_shared>>
      %dma_start3A_54 = arith.constant 0 : i32
      %dma_start3A_55 = tpu.memref_slice %arg12[%add3A_16, %dma_start3A_54] : memref<10240x128xf32, #tpu.memory_space<vmem_shared>> -> memref<80x128xf32, #tpu.memory_space<vmem_shared>>
      tpu.enqueue_dma source(%arg8 : memref<80x128xf32, #tpu.memory_space<vmem>>) target(%dma_start3A_55 : memref<80x128xf32, #tpu.memory_space<vmem_shared>>) target_semaphore(%run_scoped3A : memref<!tpu.dma_semaphore, #tpu.memory_space<semaphore_mem>>)
      %dma_wait3A = arith.constant 0 : i32
      %dma_wait3A_56 = tpu.memref_slice %arg12[%add3A_16, %dma_wait3A] : memref<10240x128xf32, #tpu.memory_space<vmem_shared>> -> memref<80x128xf32, #tpu.memory_space<vmem_shared>>
      %dma_wait3A_57 = arith.constant 0 : i32
      %dma_wait3A_58 = tpu.memref_slice %arg12[%add3A_16, %dma_wait3A_57] : memref<10240x128xf32, #tpu.memory_space<vmem_shared>> -> memref<80x128xf32, #tpu.memory_space<vmem_shared>>
      tpu.wait_dma2 semaphore(%run_scoped3A : memref<!tpu.dma_semaphore, #tpu.memory_space<semaphore_mem>>) src(%arg8 : memref<80x128xf32, #tpu.memory_space<vmem>>) dst(%dma_wait3A_58 : memref<80x128xf32, #tpu.memory_space<vmem_shared>>)
      tpu.yield
    }) : () -> ()
    %mul3A_17 = arith.constant 640 : i32
    %mul3A_18 = arith.muli %arg1, %mul3A_17 : i32
    %add3A_19 = arith.constant 160 : i32
    %add3A_20 = arith.addi %mul3A_18, %add3A_19 : i32
    "tpu.region"() ({
      %run_scoped3A = tpu.sem_alloc : memref<!tpu.dma_semaphore, #tpu.memory_space<semaphore_mem>>
      %dma_start3A = arith.constant 0 : i32
      %dma_start3A_53 = tpu.memref_slice %arg12[%add3A_20, %dma_start3A] : memref<10240x128xf32, #tpu.memory_space<vmem_shared>> -> memref<80x128xf32, #tpu.memory_space<vmem_shared>>
      %dma_start3A_54 = arith.constant 0 : i32
      %dma_start3A_55 = tpu.memref_slice %arg12[%add3A_20, %dma_start3A_54] : memref<10240x128xf32, #tpu.memory_space<vmem_shared>> -> memref<80x128xf32, #tpu.memory_space<vmem_shared>>
      tpu.enqueue_dma source(%arg8 : memref<80x128xf32, #tpu.memory_space<vmem>>) target(%dma_start3A_55 : memref<80x128xf32, #tpu.memory_space<vmem_shared>>) target_semaphore(%run_scoped3A : memref<!tpu.dma_semaphore, #tpu.memory_space<semaphore_mem>>)
      %dma_wait3A = arith.constant 0 : i32
      %dma_wait3A_56 = tpu.memref_slice %arg12[%add3A_20, %dma_wait3A] : memref<10240x128xf32, #tpu.memory_space<vmem_shared>> -> memref<80x128xf32, #tpu.memory_space<vmem_shared>>
      %dma_wait3A_57 = arith.constant 0 : i32
      %dma_wait3A_58 = tpu.memref_slice %arg12[%add3A_20, %dma_wait3A_57] : memref<10240x128xf32, #tpu.memory_space<vmem_shared>> -> memref<80x128xf32, #tpu.memory_space<vmem_shared>>
      tpu.wait_dma2 semaphore(%run_scoped3A : memref<!tpu.dma_semaphore, #tpu.memory_space<semaphore_mem>>) src(%arg8 : memref<80x128xf32, #tpu.memory_space<vmem>>) dst(%dma_wait3A_58 : memref<80x128xf32, #tpu.memory_space<vmem_shared>>)
      tpu.yield
    }) : () -> ()
    %mul3A_21 = arith.constant 640 : i32
    %mul3A_22 = arith.muli %arg1, %mul3A_21 : i32
    %add3A_23 = arith.constant 240 : i32
    %add3A_24 = arith.addi %mul3A_22, %add3A_23 : i32
    "tpu.region"() ({
      %run_scoped3A = tpu.sem_alloc : memref<!tpu.dma_semaphore, #tpu.memory_space<semaphore_mem>>
      %dma_start3A = arith.constant 0 : i32
      %dma_start3A_53 = tpu.memref_slice %arg12[%add3A_24, %dma_start3A] : memref<10240x128xf32, #tpu.memory_space<vmem_shared>> -> memref<80x128xf32, #tpu.memory_space<vmem_shared>>
      %dma_start3A_54 = arith.constant 0 : i32
      %dma_start3A_55 = tpu.memref_slice %arg12[%add3A_24, %dma_start3A_54] : memref<10240x128xf32, #tpu.memory_space<vmem_shared>> -> memref<80x128xf32, #tpu.memory_space<vmem_shared>>
      tpu.enqueue_dma source(%arg8 : memref<80x128xf32, #tpu.memory_space<vmem>>) target(%dma_start3A_55 : memref<80x128xf32, #tpu.memory_space<vmem_shared>>) target_semaphore(%run_scoped3A : memref<!tpu.dma_semaphore, #tpu.memory_space<semaphore_mem>>)
      %dma_wait3A = arith.constant 0 : i32
      %dma_wait3A_56 = tpu.memref_slice %arg12[%add3A_24, %dma_wait3A] : memref<10240x128xf32, #tpu.memory_space<vmem_shared>> -> memref<80x128xf32, #tpu.memory_space<vmem_shared>>
      %dma_wait3A_57 = arith.constant 0 : i32
      %dma_wait3A_58 = tpu.memref_slice %arg12[%add3A_24, %dma_wait3A_57] : memref<10240x128xf32, #tpu.memory_space<vmem_shared>> -> memref<80x128xf32, #tpu.memory_space<vmem_shared>>
      tpu.wait_dma2 semaphore(%run_scoped3A : memref<!tpu.dma_semaphore, #tpu.memory_space<semaphore_mem>>) src(%arg8 : memref<80x128xf32, #tpu.memory_space<vmem>>) dst(%dma_wait3A_58 : memref<80x128xf32, #tpu.memory_space<vmem_shared>>)
      tpu.yield
    }) : () -> ()
    %mul3A_25 = arith.constant 640 : i32
    %mul3A_26 = arith.muli %arg1, %mul3A_25 : i32
    %add3A_27 = arith.constant 320 : i32
    %add3A_28 = arith.addi %mul3A_26, %add3A_27 : i32
    "tpu.region"() ({
      %run_scoped3A = tpu.sem_alloc : memref<!tpu.dma_semaphore, #tpu.memory_space<semaphore_mem>>
      %dma_start3A = arith.constant 0 : i32
      %dma_start3A_53 = tpu.memref_slice %arg12[%add3A_28, %dma_start3A] : memref<10240x128xf32, #tpu.memory_space<vmem_shared>> -> memref<80x128xf32, #tpu.memory_space<vmem_shared>>
      %dma_start3A_54 = arith.constant 0 : i32
      %dma_start3A_55 = tpu.memref_slice %arg12[%add3A_28, %dma_start3A_54] : memref<10240x128xf32, #tpu.memory_space<vmem_shared>> -> memref<80x128xf32, #tpu.memory_space<vmem_shared>>
      tpu.enqueue_dma source(%arg8 : memref<80x128xf32, #tpu.memory_space<vmem>>) target(%dma_start3A_55 : memref<80x128xf32, #tpu.memory_space<vmem_shared>>) target_semaphore(%run_scoped3A : memref<!tpu.dma_semaphore, #tpu.memory_space<semaphore_mem>>)
      %dma_wait3A = arith.constant 0 : i32
      %dma_wait3A_56 = tpu.memref_slice %arg12[%add3A_28, %dma_wait3A] : memref<10240x128xf32, #tpu.memory_space<vmem_shared>> -> memref<80x128xf32, #tpu.memory_space<vmem_shared>>
      %dma_wait3A_57 = arith.constant 0 : i32
      %dma_wait3A_58 = tpu.memref_slice %arg12[%add3A_28, %dma_wait3A_57] : memref<10240x128xf32, #tpu.memory_space<vmem_shared>> -> memref<80x128xf32, #tpu.memory_space<vmem_shared>>
      tpu.wait_dma2 semaphore(%run_scoped3A : memref<!tpu.dma_semaphore, #tpu.memory_space<semaphore_mem>>) src(%arg8 : memref<80x128xf32, #tpu.memory_space<vmem>>) dst(%dma_wait3A_58 : memref<80x128xf32, #tpu.memory_space<vmem_shared>>)
      tpu.yield
    }) : () -> ()
    %mul3A_29 = arith.constant 640 : i32
    %mul3A_30 = arith.muli %arg1, %mul3A_29 : i32
    %add3A_31 = arith.constant 400 : i32
    %add3A_32 = arith.addi %mul3A_30, %add3A_31 : i32
    "tpu.region"() ({
      %run_scoped3A = tpu.sem_alloc : memref<!tpu.dma_semaphore, #tpu.memory_space<semaphore_mem>>
      %dma_start3A = arith.constant 0 : i32
      %dma_start3A_53 = tpu.memref_slice %arg12[%add3A_32, %dma_start3A] : memref<10240x128xf32, #tpu.memory_space<vmem_shared>> -> memref<80x128xf32, #tpu.memory_space<vmem_shared>>
      %dma_start3A_54 = arith.constant 0 : i32
      %dma_start3A_55 = tpu.memref_slice %arg12[%add3A_32, %dma_start3A_54] : memref<10240x128xf32, #tpu.memory_space<vmem_shared>> -> memref<80x128xf32, #tpu.memory_space<vmem_shared>>
      tpu.enqueue_dma source(%arg8 : memref<80x128xf32, #tpu.memory_space<vmem>>) target(%dma_start3A_55 : memref<80x128xf32, #tpu.memory_space<vmem_shared>>) target_semaphore(%run_scoped3A : memref<!tpu.dma_semaphore, #tpu.memory_space<semaphore_mem>>)
      %dma_wait3A = arith.constant 0 : i32
      %dma_wait3A_56 = tpu.memref_slice %arg12[%add3A_32, %dma_wait3A] : memref<10240x128xf32, #tpu.memory_space<vmem_shared>> -> memref<80x128xf32, #tpu.memory_space<vmem_shared>>
      %dma_wait3A_57 = arith.constant 0 : i32
      %dma_wait3A_58 = tpu.memref_slice %arg12[%add3A_32, %dma_wait3A_57] : memref<10240x128xf32, #tpu.memory_space<vmem_shared>> -> memref<80x128xf32, #tpu.memory_space<vmem_shared>>
      tpu.wait_dma2 semaphore(%run_scoped3A : memref<!tpu.dma_semaphore, #tpu.memory_space<semaphore_mem>>) src(%arg8 : memref<80x128xf32, #tpu.memory_space<vmem>>) dst(%dma_wait3A_58 : memref<80x128xf32, #tpu.memory_space<vmem_shared>>)
      tpu.yield
    }) : () -> ()
    %mul3A_33 = arith.constant 640 : i32
    %mul3A_34 = arith.muli %arg1, %mul3A_33 : i32
    %add3A_35 = arith.constant 480 : i32
    %add3A_36 = arith.addi %mul3A_34, %add3A_35 : i32
    "tpu.region"() ({
      %run_scoped3A = tpu.sem_alloc : memref<!tpu.dma_semaphore, #tpu.memory_space<semaphore_mem>>
      %dma_start3A = arith.constant 0 : i32
      %dma_start3A_53 = tpu.memref_slice %arg12[%add3A_36, %dma_start3A] : memref<10240x128xf32, #tpu.memory_space<vmem_shared>> -> memref<80x128xf32, #tpu.memory_space<vmem_shared>>
      %dma_start3A_54 = arith.constant 0 : i32
      %dma_start3A_55 = tpu.memref_slice %arg12[%add3A_36, %dma_start3A_54] : memref<10240x128xf32, #tpu.memory_space<vmem_shared>> -> memref<80x128xf32, #tpu.memory_space<vmem_shared>>
      tpu.enqueue_dma source(%arg8 : memref<80x128xf32, #tpu.memory_space<vmem>>) target(%dma_start3A_55 : memref<80x128xf32, #tpu.memory_space<vmem_shared>>) target_semaphore(%run_scoped3A : memref<!tpu.dma_semaphore, #tpu.memory_space<semaphore_mem>>)
      %dma_wait3A = arith.constant 0 : i32
      %dma_wait3A_56 = tpu.memref_slice %arg12[%add3A_36, %dma_wait3A] : memref<10240x128xf32, #tpu.memory_space<vmem_shared>> -> memref<80x128xf32, #tpu.memory_space<vmem_shared>>
      %dma_wait3A_57 = arith.constant 0 : i32
      %dma_wait3A_58 = tpu.memref_slice %arg12[%add3A_36, %dma_wait3A_57] : memref<10240x128xf32, #tpu.memory_space<vmem_shared>> -> memref<80x128xf32, #tpu.memory_space<vmem_shared>>
      tpu.wait_dma2 semaphore(%run_scoped3A : memref<!tpu.dma_semaphore, #tpu.memory_space<semaphore_mem>>) src(%arg8 : memref<80x128xf32, #tpu.memory_space<vmem>>) dst(%dma_wait3A_58 : memref<80x128xf32, #tpu.memory_space<vmem_shared>>)
      tpu.yield
    }) : () -> ()
    %mul3A_37 = arith.constant 640 : i32
    %mul3A_38 = arith.muli %arg1, %mul3A_37 : i32
    %add3A_39 = arith.constant 560 : i32
    %add3A_40 = arith.addi %mul3A_38, %add3A_39 : i32
    "tpu.region"() ({
      %run_scoped3A = tpu.sem_alloc : memref<!tpu.dma_semaphore, #tpu.memory_space<semaphore_mem>>
      %dma_start3A = arith.constant 0 : i32
      %dma_start3A_53 = tpu.memref_slice %arg12[%add3A_40, %dma_start3A] : memref<10240x128xf32, #tpu.memory_space<vmem_shared>> -> memref<80x128xf32, #tpu.memory_space<vmem_shared>>
      %dma_start3A_54 = arith.constant 0 : i32
      %dma_start3A_55 = tpu.memref_slice %arg12[%add3A_40, %dma_start3A_54] : memref<10240x128xf32, #tpu.memory_space<vmem_shared>> -> memref<80x128xf32, #tpu.memory_space<vmem_shared>>
      tpu.enqueue_dma source(%arg8 : memref<80x128xf32, #tpu.memory_space<vmem>>) target(%dma_start3A_55 : memref<80x128xf32, #tpu.memory_space<vmem_shared>>) target_semaphore(%run_scoped3A : memref<!tpu.dma_semaphore, #tpu.memory_space<semaphore_mem>>)
      %dma_wait3A = arith.constant 0 : i32
      %dma_wait3A_56 = tpu.memref_slice %arg12[%add3A_40, %dma_wait3A] : memref<10240x128xf32, #tpu.memory_space<vmem_shared>> -> memref<80x128xf32, #tpu.memory_space<vmem_shared>>
      %dma_wait3A_57 = arith.constant 0 : i32
      %dma_wait3A_58 = tpu.memref_slice %arg12[%add3A_40, %dma_wait3A_57] : memref<10240x128xf32, #tpu.memory_space<vmem_shared>> -> memref<80x128xf32, #tpu.memory_space<vmem_shared>>
      tpu.wait_dma2 semaphore(%run_scoped3A : memref<!tpu.dma_semaphore, #tpu.memory_space<semaphore_mem>>) src(%arg8 : memref<80x128xf32, #tpu.memory_space<vmem>>) dst(%dma_wait3A_58 : memref<80x128xf32, #tpu.memory_space<vmem_shared>>)
      tpu.yield
    }) : () -> ()
    %barrier3A = arith.constant 0 : index
    tpu.barrier barrier_id(%barrier3A)
    %scan3A_41 = arith.constant 0 : i32
    %scan3A_42 = arith.constant 0 : i32
    %scan3A_43 = arith.constant 4 : i32
    %scan3A_44 = arith.addi %scan3A_42, %scan3A_43 : i32
    %scan3A_45 = arith.constant 1 : i32
    %scan3A_46 = scf.for %scan3A_53 = %scan3A_42 to %scan3A_44 step %scan3A_45 iter_args(%scan3A_54 = %scan3A_41) -> (i32)  : i32 {
      %mul3A_55 = arith.constant 32 : i32
      %mul3A_56 = arith.muli %scan3A_53, %mul3A_55 : i32
      %add3A_57 = arith.addi %mul3A_2, %mul3A_56 : i32
      %multiple_of3A = tpu.assume_multiple %add3A_57, 8 : i32
      "tpu.region"() ({
        %run_scoped3A = tpu.sem_alloc : memref<!tpu.dma_semaphore, #tpu.memory_space<semaphore_mem>>
        %dma_start3A = arith.constant 0 : i32
        %dma_start3A_66 = tpu.memref_slice %arg3[%multiple_of3A, %dma_start3A] : memref<4096x80xi32, #tpu.memory_space<hbm>> -> memref<32x80xi32, #tpu.memory_space<hbm>>
        %dma_start3A_67 = arith.constant 0 : i32
        %dma_start3A_68 = tpu.memref_slice %arg3[%multiple_of3A, %dma_start3A_67] : memref<4096x80xi32, #tpu.memory_space<hbm>> -> memref<32x80xi32, #tpu.memory_space<hbm>>
        tpu.enqueue_dma source(%dma_start3A_68 : memref<32x80xi32, #tpu.memory_space<hbm>>) target(%arg6 : memref<32x80xi32, #tpu.memory_space<vmem>>) target_semaphore(%run_scoped3A : memref<!tpu.dma_semaphore, #tpu.memory_space<semaphore_mem>>)
        %dma_wait3A = arith.constant 0 : i32
        %dma_wait3A_69 = tpu.memref_slice %arg3[%multiple_of3A, %dma_wait3A] : memref<4096x80xi32, #tpu.memory_space<hbm>> -> memref<32x80xi32, #tpu.memory_space<hbm>>
        %dma_wait3A_70 = arith.constant 0 : i32
        %dma_wait3A_71 = tpu.memref_slice %arg3[%multiple_of3A, %dma_wait3A_70] : memref<4096x80xi32, #tpu.memory_space<hbm>> -> memref<32x80xi32, #tpu.memory_space<hbm>>
        tpu.wait_dma2 semaphore(%run_scoped3A : memref<!tpu.dma_semaphore, #tpu.memory_space<semaphore_mem>>) src(%dma_wait3A_71 : memref<32x80xi32, #tpu.memory_space<hbm>>) dst(%arg6 : memref<32x80xi32, #tpu.memory_space<vmem>>)
        tpu.yield
      }) : () -> ()
      "tpu.region"() ({
        %run_scoped3A = tpu.sem_alloc : memref<!tpu.dma_semaphore, #tpu.memory_space<semaphore_mem>>
        %dma_start3A = arith.constant 0 : i32
        %dma_start3A_66 = tpu.memref_slice %arg4[%multiple_of3A, %dma_start3A] : memref<4096x80xi32, #tpu.memory_space<hbm>> -> memref<32x80xi32, #tpu.memory_space<hbm>>
        %dma_start3A_67 = arith.constant 0 : i32
        %dma_start3A_68 = tpu.memref_slice %arg4[%multiple_of3A, %dma_start3A_67] : memref<4096x80xi32, #tpu.memory_space<hbm>> -> memref<32x80xi32, #tpu.memory_space<hbm>>
        tpu.enqueue_dma source(%dma_start3A_68 : memref<32x80xi32, #tpu.memory_space<hbm>>) target(%arg7 : memref<32x80xi32, #tpu.memory_space<vmem>>) target_semaphore(%run_scoped3A : memref<!tpu.dma_semaphore, #tpu.memory_space<semaphore_mem>>)
        %dma_wait3A = arith.constant 0 : i32
        %dma_wait3A_69 = tpu.memref_slice %arg4[%multiple_of3A, %dma_wait3A] : memref<4096x80xi32, #tpu.memory_space<hbm>> -> memref<32x80xi32, #tpu.memory_space<hbm>>
        %dma_wait3A_70 = arith.constant 0 : i32
        %dma_wait3A_71 = tpu.memref_slice %arg4[%multiple_of3A, %dma_wait3A_70] : memref<4096x80xi32, #tpu.memory_space<hbm>> -> memref<32x80xi32, #tpu.memory_space<hbm>>
        tpu.wait_dma2 semaphore(%run_scoped3A : memref<!tpu.dma_semaphore, #tpu.memory_space<semaphore_mem>>) src(%dma_wait3A_71 : memref<32x80xi32, #tpu.memory_space<hbm>>) dst(%arg7 : memref<32x80xi32, #tpu.memory_space<vmem>>)
        tpu.yield
      }) : () -> ()
      %scan3A_58 = arith.constant 0 : i32
      %scan3A_59 = arith.constant 0 : i32
      %scan3A_60 = arith.constant 8 : i32
      %scan3A_61 = arith.addi %scan3A_59, %scan3A_60 : i32
      %scan3A_62 = arith.constant 1 : i32
      %scan3A_63 = scf.for %scan3A_66 = %scan3A_59 to %scan3A_61 step %scan3A_62 iter_args(%scan3A_67 = %scan3A_58) -> (i32)  : i32 {
        %mul3A_68 = arith.constant 4 : i32
        %mul3A_69 = arith.muli %mul3A_68, %scan3A_66 : i32
        %add3A_70 = arith.constant 0 : i32
        %add3A_71 = arith.addi %mul3A_69, %add3A_70 : i32
        %dma_start3A = arith.constant 0 : i32
        %dma_start3A_72 = tpu.memref_slice %arg6[%add3A_71, %dma_start3A] : memref<32x80xi32, #tpu.memory_space<vmem>> -> memref<1x80xi32, #tpu.memory_space<vmem>>
        %dma_start3A_73 = tpu.memref_squeeze %dma_start3A_72 : memref<1x80xi32, #tpu.memory_space<vmem>> -> memref<80xi32, #tpu.memory_space<vmem>>
        %dma_start3A_74 = arith.constant 0 : i32
        %dma_start3A_75 = arith.constant 0 : i32
        %dma_start3A_76 = tpu.memref_slice %arg2[%dma_start3A_74, %dma_start3A_75] : memref<10000x128xf32, #tpu.memory_space<hbm>> -> memref<10000x128xf32, #tpu.memory_space<hbm>>
        tpu.enqueue_indirect_dma source(%dma_start3A_76 : memref<10000x128xf32, #tpu.memory_space<hbm>>) target(%arg8 : memref<80x128xf32, #tpu.memory_space<vmem>>) offsets(%dma_start3A_73 : memref<80xi32, #tpu.memory_space<vmem>>) semaphore(%arg13 : memref<!tpu.dma_semaphore, #tpu.memory_space<semaphore_mem>>)
        %mul3A_77 = arith.constant 4 : i32
        %mul3A_78 = arith.muli %mul3A_77, %scan3A_66 : i32
        %add3A_79 = arith.constant 1 : i32
        %add3A_80 = arith.addi %mul3A_78, %add3A_79 : i32
        %dma_start3A_81 = arith.constant 0 : i32
        %dma_start3A_82 = tpu.memref_slice %arg6[%add3A_80, %dma_start3A_81] : memref<32x80xi32, #tpu.memory_space<vmem>> -> memref<1x80xi32, #tpu.memory_space<vmem>>
        %dma_start3A_83 = tpu.memref_squeeze %dma_start3A_82 : memref<1x80xi32, #tpu.memory_space<vmem>> -> memref<80xi32, #tpu.memory_space<vmem>>
        %dma_start3A_84 = arith.constant 0 : i32
        %dma_start3A_85 = arith.constant 0 : i32
        %dma_start3A_86 = tpu.memref_slice %arg2[%dma_start3A_84, %dma_start3A_85] : memref<10000x128xf32, #tpu.memory_space<hbm>> -> memref<10000x128xf32, #tpu.memory_space<hbm>>
        tpu.enqueue_indirect_dma source(%dma_start3A_86 : memref<10000x128xf32, #tpu.memory_space<hbm>>) target(%arg9 : memref<80x128xf32, #tpu.memory_space<vmem>>) offsets(%dma_start3A_83 : memref<80xi32, #tpu.memory_space<vmem>>) semaphore(%arg13 : memref<!tpu.dma_semaphore, #tpu.memory_space<semaphore_mem>>)
        %mul3A_87 = arith.constant 4 : i32
        %mul3A_88 = arith.muli %mul3A_87, %scan3A_66 : i32
        %add3A_89 = arith.constant 2 : i32
        %add3A_90 = arith.addi %mul3A_88, %add3A_89 : i32
        %dma_start3A_91 = arith.constant 0 : i32
        %dma_start3A_92 = tpu.memref_slice %arg6[%add3A_90, %dma_start3A_91] : memref<32x80xi32, #tpu.memory_space<vmem>> -> memref<1x80xi32, #tpu.memory_space<vmem>>
        %dma_start3A_93 = tpu.memref_squeeze %dma_start3A_92 : memref<1x80xi32, #tpu.memory_space<vmem>> -> memref<80xi32, #tpu.memory_space<vmem>>
        %dma_start3A_94 = arith.constant 0 : i32
        %dma_start3A_95 = arith.constant 0 : i32
        %dma_start3A_96 = tpu.memref_slice %arg2[%dma_start3A_94, %dma_start3A_95] : memref<10000x128xf32, #tpu.memory_space<hbm>> -> memref<10000x128xf32, #tpu.memory_space<hbm>>
        tpu.enqueue_indirect_dma source(%dma_start3A_96 : memref<10000x128xf32, #tpu.memory_space<hbm>>) target(%arg10 : memref<80x128xf32, #tpu.memory_space<vmem>>) offsets(%dma_start3A_93 : memref<80xi32, #tpu.memory_space<vmem>>) semaphore(%arg13 : memref<!tpu.dma_semaphore, #tpu.memory_space<semaphore_mem>>)
        %mul3A_97 = arith.constant 4 : i32
        %mul3A_98 = arith.muli %mul3A_97, %scan3A_66 : i32
        %add3A_99 = arith.constant 3 : i32
        %add3A_100 = arith.addi %mul3A_98, %add3A_99 : i32
        %dma_start3A_101 = arith.constant 0 : i32
        %dma_start3A_102 = tpu.memref_slice %arg6[%add3A_100, %dma_start3A_101] : memref<32x80xi32, #tpu.memory_space<vmem>> -> memref<1x80xi32, #tpu.memory_space<vmem>>
        %dma_start3A_103 = tpu.memref_squeeze %dma_start3A_102 : memref<1x80xi32, #tpu.memory_space<vmem>> -> memref<80xi32, #tpu.memory_space<vmem>>
        %dma_start3A_104 = arith.constant 0 : i32
        %dma_start3A_105 = arith.constant 0 : i32
        %dma_start3A_106 = tpu.memref_slice %arg2[%dma_start3A_104, %dma_start3A_105] : memref<10000x128xf32, #tpu.memory_space<hbm>> -> memref<10000x128xf32, #tpu.memory_space<hbm>>
        tpu.enqueue_indirect_dma source(%dma_start3A_106 : memref<10000x128xf32, #tpu.memory_space<hbm>>) target(%arg11 : memref<80x128xf32, #tpu.memory_space<vmem>>) offsets(%dma_start3A_103 : memref<80xi32, #tpu.memory_space<vmem>>) semaphore(%arg13 : memref<!tpu.dma_semaphore, #tpu.memory_space<semaphore_mem>>)
        %dma_wait3A = arith.constant 0 : i32
        %dma_wait3A_107 = tpu.memref_slice %arg6[%add3A_71, %dma_wait3A] : memref<32x80xi32, #tpu.memory_space<vmem>> -> memref<1x80xi32, #tpu.memory_space<vmem>>
        %dma_wait3A_108 = tpu.memref_squeeze %dma_wait3A_107 : memref<1x80xi32, #tpu.memory_space<vmem>> -> memref<80xi32, #tpu.memory_space<vmem>>
        %dma_wait3A_109 = arith.constant 0 : i32
        %dma_wait3A_110 = arith.constant 0 : i32
        %dma_wait3A_111 = tpu.memref_slice %arg2[%dma_wait3A_109, %dma_wait3A_110] : memref<10000x128xf32, #tpu.memory_space<hbm>> -> memref<10000x128xf32, #tpu.memory_space<hbm>>
        tpu.wait_indirect_dma semaphore(%arg13 : memref<!tpu.dma_semaphore, #tpu.memory_space<semaphore_mem>>) src(%dma_wait3A_111 : memref<10000x128xf32, #tpu.memory_space<hbm>>) dst(%arg8 : memref<80x128xf32, #tpu.memory_space<vmem>>)
        %mul3A_112 = arith.constant 4 : i32
        %mul3A_113 = arith.muli %mul3A_112, %scan3A_66 : i32
        %add3A_114 = arith.constant 0 : i32
        %add3A_115 = arith.addi %mul3A_113, %add3A_114 : i32
        %dma_start3A_116 = arith.constant 0 : i32
        %dma_start3A_117 = tpu.memref_slice %arg7[%add3A_115, %dma_start3A_116] : memref<32x80xi32, #tpu.memory_space<vmem>> -> memref<1x80xi32, #tpu.memory_space<vmem>>
        %dma_start3A_118 = tpu.memref_squeeze %dma_start3A_117 : memref<1x80xi32, #tpu.memory_space<vmem>> -> memref<80xi32, #tpu.memory_space<vmem>>
        %dma_start3A_119 = arith.constant 0 : i32
        %dma_start3A_120 = arith.constant 0 : i32
        %dma_start3A_121 = tpu.memref_slice %arg12[%dma_start3A_119, %dma_start3A_120] : memref<10240x128xf32, #tpu.memory_space<vmem_shared>> -> memref<10240x128xf32, #tpu.memory_space<vmem_shared>>
        tpu.enqueue_indirect_dma source(%arg8 : memref<80x128xf32, #tpu.memory_space<vmem>>) target(%dma_start3A_121 : memref<10240x128xf32, #tpu.memory_space<vmem_shared>>) offsets(%dma_start3A_118 : memref<80xi32, #tpu.memory_space<vmem>>) semaphore(%arg14 : memref<!tpu.dma_semaphore, #tpu.memory_space<semaphore_mem>>) {add = true}
        %dma_wait3A_122 = arith.constant 0 : i32
        %dma_wait3A_123 = tpu.memref_slice %arg6[%add3A_80, %dma_wait3A_122] : memref<32x80xi32, #tpu.memory_space<vmem>> -> memref<1x80xi32, #tpu.memory_space<vmem>>
        %dma_wait3A_124 = tpu.memref_squeeze %dma_wait3A_123 : memref<1x80xi32, #tpu.memory_space<vmem>> -> memref<80xi32, #tpu.memory_space<vmem>>
        %dma_wait3A_125 = arith.constant 0 : i32
        %dma_wait3A_126 = arith.constant 0 : i32
        %dma_wait3A_127 = tpu.memref_slice %arg2[%dma_wait3A_125, %dma_wait3A_126] : memref<10000x128xf32, #tpu.memory_space<hbm>> -> memref<10000x128xf32, #tpu.memory_space<hbm>>
        tpu.wait_indirect_dma semaphore(%arg13 : memref<!tpu.dma_semaphore, #tpu.memory_space<semaphore_mem>>) src(%dma_wait3A_127 : memref<10000x128xf32, #tpu.memory_space<hbm>>) dst(%arg9 : memref<80x128xf32, #tpu.memory_space<vmem>>)
        %mul3A_128 = arith.constant 4 : i32
        %mul3A_129 = arith.muli %mul3A_128, %scan3A_66 : i32
        %add3A_130 = arith.constant 1 : i32
        %add3A_131 = arith.addi %mul3A_129, %add3A_130 : i32
        %dma_start3A_132 = arith.constant 0 : i32
        %dma_start3A_133 = tpu.memref_slice %arg7[%add3A_131, %dma_start3A_132] : memref<32x80xi32, #tpu.memory_space<vmem>> -> memref<1x80xi32, #tpu.memory_space<vmem>>
        %dma_start3A_134 = tpu.memref_squeeze %dma_start3A_133 : memref<1x80xi32, #tpu.memory_space<vmem>> -> memref<80xi32, #tpu.memory_space<vmem>>
        %dma_start3A_135 = arith.constant 0 : i32
        %dma_start3A_136 = arith.constant 0 : i32
        %dma_start3A_137 = tpu.memref_slice %arg12[%dma_start3A_135, %dma_start3A_136] : memref<10240x128xf32, #tpu.memory_space<vmem_shared>> -> memref<10240x128xf32, #tpu.memory_space<vmem_shared>>
        tpu.enqueue_indirect_dma source(%arg9 : memref<80x128xf32, #tpu.memory_space<vmem>>) target(%dma_start3A_137 : memref<10240x128xf32, #tpu.memory_space<vmem_shared>>) offsets(%dma_start3A_134 : memref<80xi32, #tpu.memory_space<vmem>>) semaphore(%arg14 : memref<!tpu.dma_semaphore, #tpu.memory_space<semaphore_mem>>) {add = true}
        %dma_wait3A_138 = arith.constant 0 : i32
        %dma_wait3A_139 = tpu.memref_slice %arg6[%add3A_90, %dma_wait3A_138] : memref<32x80xi32, #tpu.memory_space<vmem>> -> memref<1x80xi32, #tpu.memory_space<vmem>>
        %dma_wait3A_140 = tpu.memref_squeeze %dma_wait3A_139 : memref<1x80xi32, #tpu.memory_space<vmem>> -> memref<80xi32, #tpu.memory_space<vmem>>
        %dma_wait3A_141 = arith.constant 0 : i32
        %dma_wait3A_142 = arith.constant 0 : i32
        %dma_wait3A_143 = tpu.memref_slice %arg2[%dma_wait3A_141, %dma_wait3A_142] : memref<10000x128xf32, #tpu.memory_space<hbm>> -> memref<10000x128xf32, #tpu.memory_space<hbm>>
        tpu.wait_indirect_dma semaphore(%arg13 : memref<!tpu.dma_semaphore, #tpu.memory_space<semaphore_mem>>) src(%dma_wait3A_143 : memref<10000x128xf32, #tpu.memory_space<hbm>>) dst(%arg10 : memref<80x128xf32, #tpu.memory_space<vmem>>)
        %mul3A_144 = arith.constant 4 : i32
        %mul3A_145 = arith.muli %mul3A_144, %scan3A_66 : i32
        %add3A_146 = arith.constant 2 : i32
        %add3A_147 = arith.addi %mul3A_145, %add3A_146 : i32
        %dma_start3A_148 = arith.constant 0 : i32
        %dma_start3A_149 = tpu.memref_slice %arg7[%add3A_147, %dma_start3A_148] : memref<32x80xi32, #tpu.memory_space<vmem>> -> memref<1x80xi32, #tpu.memory_space<vmem>>
        %dma_start3A_150 = tpu.memref_squeeze %dma_start3A_149 : memref<1x80xi32, #tpu.memory_space<vmem>> -> memref<80xi32, #tpu.memory_space<vmem>>
        %dma_start3A_151 = arith.constant 0 : i32
        %dma_start3A_152 = arith.constant 0 : i32
        %dma_start3A_153 = tpu.memref_slice %arg12[%dma_start3A_151, %dma_start3A_152] : memref<10240x128xf32, #tpu.memory_space<vmem_shared>> -> memref<10240x128xf32, #tpu.memory_space<vmem_shared>>
        tpu.enqueue_indirect_dma source(%arg10 : memref<80x128xf32, #tpu.memory_space<vmem>>) target(%dma_start3A_153 : memref<10240x128xf32, #tpu.memory_space<vmem_shared>>) offsets(%dma_start3A_150 : memref<80xi32, #tpu.memory_space<vmem>>) semaphore(%arg14 : memref<!tpu.dma_semaphore, #tpu.memory_space<semaphore_mem>>) {add = true}
        %dma_wait3A_154 = arith.constant 0 : i32
        %dma_wait3A_155 = tpu.memref_slice %arg6[%add3A_100, %dma_wait3A_154] : memref<32x80xi32, #tpu.memory_space<vmem>> -> memref<1x80xi32, #tpu.memory_space<vmem>>
        %dma_wait3A_156 = tpu.memref_squeeze %dma_wait3A_155 : memref<1x80xi32, #tpu.memory_space<vmem>> -> memref<80xi32, #tpu.memory_space<vmem>>
        %dma_wait3A_157 = arith.constant 0 : i32
        %dma_wait3A_158 = arith.constant 0 : i32
        %dma_wait3A_159 = tpu.memref_slice %arg2[%dma_wait3A_157, %dma_wait3A_158] : memref<10000x128xf32, #tpu.memory_space<hbm>> -> memref<10000x128xf32, #tpu.memory_space<hbm>>
        tpu.wait_indirect_dma semaphore(%arg13 : memref<!tpu.dma_semaphore, #tpu.memory_space<semaphore_mem>>) src(%dma_wait3A_159 : memref<10000x128xf32, #tpu.memory_space<hbm>>) dst(%arg11 : memref<80x128xf32, #tpu.memory_space<vmem>>)
        %mul3A_160 = arith.constant 4 : i32
        %mul3A_161 = arith.muli %mul3A_160, %scan3A_66 : i32
        %add3A_162 = arith.constant 3 : i32
        %add3A_163 = arith.addi %mul3A_161, %add3A_162 : i32
        %dma_start3A_164 = arith.constant 0 : i32
        %dma_start3A_165 = tpu.memref_slice %arg7[%add3A_163, %dma_start3A_164] : memref<32x80xi32, #tpu.memory_space<vmem>> -> memref<1x80xi32, #tpu.memory_space<vmem>>
        %dma_start3A_166 = tpu.memref_squeeze %dma_start3A_165 : memref<1x80xi32, #tpu.memory_space<vmem>> -> memref<80xi32, #tpu.memory_space<vmem>>
        %dma_start3A_167 = arith.constant 0 : i32
        %dma_start3A_168 = arith.constant 0 : i32
        %dma_start3A_169 = tpu.memref_slice %arg12[%dma_start3A_167, %dma_start3A_168] : memref<10240x128xf32, #tpu.memory_space<vmem_shared>> -> memref<10240x128xf32, #tpu.memory_space<vmem_shared>>
        tpu.enqueue_indirect_dma source(%arg11 : memref<80x128xf32, #tpu.memory_space<vmem>>) target(%dma_start3A_169 : memref<10240x128xf32, #tpu.memory_space<vmem_shared>>) offsets(%dma_start3A_166 : memref<80xi32, #tpu.memory_space<vmem>>) semaphore(%arg14 : memref<!tpu.dma_semaphore, #tpu.memory_space<semaphore_mem>>) {add = true}
        %dma_wait3A_170 = arith.constant 0 : i32
        %dma_wait3A_171 = tpu.memref_slice %arg7[%add3A_115, %dma_wait3A_170] : memref<32x80xi32, #tpu.memory_space<vmem>> -> memref<1x80xi32, #tpu.memory_space<vmem>>
        %dma_wait3A_172 = tpu.memref_squeeze %dma_wait3A_171 : memref<1x80xi32, #tpu.memory_space<vmem>> -> memref<80xi32, #tpu.memory_space<vmem>>
        %dma_wait3A_173 = arith.constant 0 : i32
        %dma_wait3A_174 = arith.constant 0 : i32
        %dma_wait3A_175 = tpu.memref_slice %arg12[%dma_wait3A_173, %dma_wait3A_174] : memref<10240x128xf32, #tpu.memory_space<vmem_shared>> -> memref<10240x128xf32, #tpu.memory_space<vmem_shared>>
        tpu.wait_indirect_dma semaphore(%arg14 : memref<!tpu.dma_semaphore, #tpu.memory_space<semaphore_mem>>) src(%arg8 : memref<80x128xf32, #tpu.memory_space<vmem>>) dst(%dma_wait3A_175 : memref<10240x128xf32, #tpu.memory_space<vmem_shared>>)
        %dma_wait3A_176 = arith.constant 0 : i32
        %dma_wait3A_177 = tpu.memref_slice %arg7[%add3A_131, %dma_wait3A_176] : memref<32x80xi32, #tpu.memory_space<vmem>> -> memref<1x80xi32, #tpu.memory_space<vmem>>
        %dma_wait3A_178 = tpu.memref_squeeze %dma_wait3A_177 : memref<1x80xi32, #tpu.memory_space<vmem>> -> memref<80xi32, #tpu.memory_space<vmem>>
        %dma_wait3A_179 = arith.constant 0 : i32
        %dma_wait3A_180 = arith.constant 0 : i32
        %dma_wait3A_181 = tpu.memref_slice %arg12[%dma_wait3A_179, %dma_wait3A_180] : memref<10240x128xf32, #tpu.memory_space<vmem_shared>> -> memref<10240x128xf32, #tpu.memory_space<vmem_shared>>
        tpu.wait_indirect_dma semaphore(%arg14 : memref<!tpu.dma_semaphore, #tpu.memory_space<semaphore_mem>>) src(%arg9 : memref<80x128xf32, #tpu.memory_space<vmem>>) dst(%dma_wait3A_181 : memref<10240x128xf32, #tpu.memory_space<vmem_shared>>)
        %dma_wait3A_182 = arith.constant 0 : i32
        %dma_wait3A_183 = tpu.memref_slice %arg7[%add3A_147, %dma_wait3A_182] : memref<32x80xi32, #tpu.memory_space<vmem>> -> memref<1x80xi32, #tpu.memory_space<vmem>>
        %dma_wait3A_184 = tpu.memref_squeeze %dma_wait3A_183 : memref<1x80xi32, #tpu.memory_space<vmem>> -> memref<80xi32, #tpu.memory_space<vmem>>
        %dma_wait3A_185 = arith.constant 0 : i32
        %dma_wait3A_186 = arith.constant 0 : i32
        %dma_wait3A_187 = tpu.memref_slice %arg12[%dma_wait3A_185, %dma_wait3A_186] : memref<10240x128xf32, #tpu.memory_space<vmem_shared>> -> memref<10240x128xf32, #tpu.memory_space<vmem_shared>>
        tpu.wait_indirect_dma semaphore(%arg14 : memref<!tpu.dma_semaphore, #tpu.memory_space<semaphore_mem>>) src(%arg10 : memref<80x128xf32, #tpu.memory_space<vmem>>) dst(%dma_wait3A_187 : memref<10240x128xf32, #tpu.memory_space<vmem_shared>>)
        %dma_wait3A_188 = arith.constant 0 : i32
        %dma_wait3A_189 = tpu.memref_slice %arg7[%add3A_163, %dma_wait3A_188] : memref<32x80xi32, #tpu.memory_space<vmem>> -> memref<1x80xi32, #tpu.memory_space<vmem>>
        %dma_wait3A_190 = tpu.memref_squeeze %dma_wait3A_189 : memref<1x80xi32, #tpu.memory_space<vmem>> -> memref<80xi32, #tpu.memory_space<vmem>>
        %dma_wait3A_191 = arith.constant 0 : i32
        %dma_wait3A_192 = arith.constant 0 : i32
        %dma_wait3A_193 = tpu.memref_slice %arg12[%dma_wait3A_191, %dma_wait3A_192] : memref<10240x128xf32, #tpu.memory_space<vmem_shared>> -> memref<10240x128xf32, #tpu.memory_space<vmem_shared>>
        tpu.wait_indirect_dma semaphore(%arg14 : memref<!tpu.dma_semaphore, #tpu.memory_space<semaphore_mem>>) src(%arg11 : memref<80x128xf32, #tpu.memory_space<vmem>>) dst(%dma_wait3A_193 : memref<10240x128xf32, #tpu.memory_space<vmem_shared>>)
        %scan3A_194 = arith.constant 0 : i32
        scf.yield %scan3A_194 : i32
      }
      %scan3A_64 = arith.constant 8 : i32
      %scan3A_65 = arith.constant 0 : i32
      scf.yield %scan3A_65 : i32
    }
    %scan3A_47 = arith.constant 4 : i32
    %barrier3A_48 = arith.constant 0 : index
    tpu.barrier barrier_id(%barrier3A_48)
    %mul3A_49 = arith.constant 640 : i32
    %mul3A_50 = arith.muli %arg1, %mul3A_49 : i32
    %mul3A_51 = arith.constant 640 : i32
    %mul3A_52 = arith.muli %arg1, %mul3A_51 : i32
    "tpu.region"() ({
      %run_scoped3A = tpu.sem_alloc : memref<!tpu.dma_semaphore, #tpu.memory_space<semaphore_mem>>
      %dma_start3A = arith.constant 0 : i32
      %dma_start3A_53 = tpu.memref_slice %arg5[%arg0, %mul3A_52, %dma_start3A] : memref<2x10240x128xf32, #tpu.memory_space<hbm>> -> memref<1x640x128xf32, #tpu.memory_space<hbm>>
      %dma_start3A_54 = tpu.memref_squeeze %dma_start3A_53 : memref<1x640x128xf32, #tpu.memory_space<hbm>> -> memref<640x128xf32, #tpu.memory_space<hbm>>
      %dma_start3A_55 = arith.constant 0 : i32
      %dma_start3A_56 = tpu.memref_slice %arg12[%mul3A_50, %dma_start3A_55] : memref<10240x128xf32, #tpu.memory_space<vmem_shared>> -> memref<640x128xf32, #tpu.memory_space<vmem_shared>>
      tpu.enqueue_dma source(%dma_start3A_56 : memref<640x128xf32, #tpu.memory_space<vmem_shared>>) target(%dma_start3A_54 : memref<640x128xf32, #tpu.memory_space<hbm>>) target_semaphore(%run_scoped3A : memref<!tpu.dma_semaphore, #tpu.memory_space<semaphore_mem>>)
      %dma_wait3A = arith.constant 0 : i32
      %dma_wait3A_57 = tpu.memref_slice %arg5[%arg0, %mul3A_52, %dma_wait3A] : memref<2x10240x128xf32, #tpu.memory_space<hbm>> -> memref<1x640x128xf32, #tpu.memory_space<hbm>>
      %dma_wait3A_58 = tpu.memref_squeeze %dma_wait3A_57 : memref<1x640x128xf32, #tpu.memory_space<hbm>> -> memref<640x128xf32, #tpu.memory_space<hbm>>
      %dma_wait3A_59 = arith.constant 0 : i32
      %dma_wait3A_60 = tpu.memref_slice %arg12[%mul3A_50, %dma_wait3A_59] : memref<10240x128xf32, #tpu.memory_space<vmem_shared>> -> memref<640x128xf32, #tpu.memory_space<vmem_shared>>
      tpu.wait_dma2 semaphore(%run_scoped3A : memref<!tpu.dma_semaphore, #tpu.memory_space<semaphore_mem>>) src(%dma_wait3A_60 : memref<640x128xf32, #tpu.memory_space<vmem_shared>>) dst(%dma_wait3A_58 : memref<640x128xf32, #tpu.memory_space<hbm>>)
      tpu.yield
    }) : () -> ()
    return
  }
}

#map = affine_map<(d0, d1) -> (0)>
#map1 = affine_map<(d0, d1) -> (0, 0, 0)>
#map2 = affine_map<(d0, d1) -> (0, 0)>
module attributes {stable_mosaic.version = 14 : i64} {
  func.func @count(%arg0: i32, %arg1: i32, %arg2: memref<10240xi32, #tpu.memory_space<hbm>>, %arg3: memref<32x80x128xi32, #tpu.memory_space<hbm>>, %arg4: memref<32x80x128xi32, #tpu.memory_space<hbm>>, %arg5: memref<2x1310720xf32, #tpu.memory_space<hbm>>, %arg6: memref<40x128xi32, #tpu.memory_space<vmem>>, %arg7: memref<40x128xi32, #tpu.memory_space<vmem>>, %arg8: memref<128xi32, #tpu.memory_space<vmem>>, %arg9: memref<128xi32, #tpu.memory_space<vmem>>, %arg10: memref<128xf32, #tpu.memory_space<vmem>>, %arg11: memref<8192xf32, #tpu.memory_space<vmem>>, %arg12: memref<1310720xf32, #tpu.memory_space<vmem_shared>>) attributes {dimension_semantics = [#tpu.dimension_semantics<core_parallel>, #tpu.dimension_semantics<subcore_parallel>], iteration_bounds = array<i64: 2, 16>, scalar_prefetch = 0 : i64, scratch_operands = 7 : i64, tpu.core_type = #tpu.core_type<sc_vector_subcore>, window_params = [{transform_indices = #map}, {transform_indices = #map1}, {transform_indices = #map1}, {transform_indices = #map2}]} {
    %mul3A = arith.constant 2 : i32
    %mul3A_0 = arith.muli %arg1, %mul3A : i32
    %add3A = arith.addi %mul3A_0, %arg0 : i32
    %scan3A = arith.constant 0 : i32
    %scan3A_1 = arith.constant 0 : i32
    %scan3A_2 = arith.constant 512 : i32
    %scan3A_3 = arith.addi %scan3A_1, %scan3A_2 : i32
    %scan3A_4 = arith.constant 1 : i32
    %scan3A_5 = scf.for %scan3A_105 = %scan3A_1 to %scan3A_3 step %scan3A_4 iter_args(%scan3A_106 = %scan3A) -> (i32)  : i32 {
      %broadcast_in_dim3A_107 = arith.constant 0.000000e+00 : f32
      %broadcast_in_dim3A_108 = vector.broadcast %broadcast_in_dim3A_107 : f32 to vector<16xf32>
      %mul3A_109 = arith.constant 16 : i32
      %mul3A_110 = arith.muli %scan3A_105, %mul3A_109 : i32
      %swap3A_111 = arith.index_cast %mul3A_110 : i32 to index
      %swap3A_112 = tpu.vector_load %arg11[%swap3A_111] {strides = array<i32>} : memref<8192xf32, #tpu.memory_space<vmem>>, vector<16xf32>,
      %swap3A_113 = vector.shape_cast %swap3A_112 : vector<16xf32> to vector<16xf32>
      %swap3A_114 = vector.shape_cast %broadcast_in_dim3A_108 : vector<16xf32> to vector<16xf32>
      tpu.vector_store %arg11[%swap3A_111], %swap3A_114 {strides = array<i32>} : memref<8192xf32, #tpu.memory_space<vmem>>, vector<16xf32>,
      %scan3A_115 = arith.constant 0 : i32
      scf.yield %scan3A_115 : i32
    }
    %scan3A_6 = arith.constant 512 : i32
    %broadcast_in_dim3A = arith.constant 1.000000e+00 : f32
    %broadcast_in_dim3A_7 = vector.broadcast %broadcast_in_dim3A : f32 to vector<16xf32>
    %swap3A = arith.constant 0 : index
    %swap3A_8 = tpu.vector_load %arg10[%swap3A] {strides = array<i32>} : memref<128xf32, #tpu.memory_space<vmem>>, vector<16xf32>,
    %swap3A_9 = vector.shape_cast %swap3A_8 : vector<16xf32> to vector<16xf32>
    %swap3A_10 = vector.shape_cast %broadcast_in_dim3A_7 : vector<16xf32> to vector<16xf32>
    tpu.vector_store %arg10[%swap3A], %swap3A_10 {strides = array<i32>} : memref<128xf32, #tpu.memory_space<vmem>>, vector<16xf32>,
    %broadcast_in_dim3A_11 = arith.constant 1.000000e+00 : f32
    %broadcast_in_dim3A_12 = vector.broadcast %broadcast_in_dim3A_11 : f32 to vector<16xf32>
    %swap3A_13 = arith.constant 16 : index
    %swap3A_14 = tpu.vector_load %arg10[%swap3A_13] {strides = array<i32>} : memref<128xf32, #tpu.memory_space<vmem>>, vector<16xf32>,
    %swap3A_15 = vector.shape_cast %swap3A_14 : vector<16xf32> to vector<16xf32>
    %swap3A_16 = vector.shape_cast %broadcast_in_dim3A_12 : vector<16xf32> to vector<16xf32>
    tpu.vector_store %arg10[%swap3A_13], %swap3A_16 {strides = array<i32>} : memref<128xf32, #tpu.memory_space<vmem>>, vector<16xf32>,
    %broadcast_in_dim3A_17 = arith.constant 1.000000e+00 : f32
    %broadcast_in_dim3A_18 = vector.broadcast %broadcast_in_dim3A_17 : f32 to vector<16xf32>
    %swap3A_19 = arith.constant 32 : index
    %swap3A_20 = tpu.vector_load %arg10[%swap3A_19] {strides = array<i32>} : memref<128xf32, #tpu.memory_space<vmem>>, vector<16xf32>,
    %swap3A_21 = vector.shape_cast %swap3A_20 : vector<16xf32> to vector<16xf32>
    %swap3A_22 = vector.shape_cast %broadcast_in_dim3A_18 : vector<16xf32> to vector<16xf32>
    tpu.vector_store %arg10[%swap3A_19], %swap3A_22 {strides = array<i32>} : memref<128xf32, #tpu.memory_space<vmem>>, vector<16xf32>,
    %broadcast_in_dim3A_23 = arith.constant 1.000000e+00 : f32
    %broadcast_in_dim3A_24 = vector.broadcast %broadcast_in_dim3A_23 : f32 to vector<16xf32>
    %swap3A_25 = arith.constant 48 : index
    %swap3A_26 = tpu.vector_load %arg10[%swap3A_25] {strides = array<i32>} : memref<128xf32, #tpu.memory_space<vmem>>, vector<16xf32>,
    %swap3A_27 = vector.shape_cast %swap3A_26 : vector<16xf32> to vector<16xf32>
    %swap3A_28 = vector.shape_cast %broadcast_in_dim3A_24 : vector<16xf32> to vector<16xf32>
    tpu.vector_store %arg10[%swap3A_25], %swap3A_28 {strides = array<i32>} : memref<128xf32, #tpu.memory_space<vmem>>, vector<16xf32>,
    %broadcast_in_dim3A_29 = arith.constant 1.000000e+00 : f32
    %broadcast_in_dim3A_30 = vector.broadcast %broadcast_in_dim3A_29 : f32 to vector<16xf32>
    %swap3A_31 = arith.constant 64 : index
    %swap3A_32 = tpu.vector_load %arg10[%swap3A_31] {strides = array<i32>} : memref<128xf32, #tpu.memory_space<vmem>>, vector<16xf32>,
    %swap3A_33 = vector.shape_cast %swap3A_32 : vector<16xf32> to vector<16xf32>
    %swap3A_34 = vector.shape_cast %broadcast_in_dim3A_30 : vector<16xf32> to vector<16xf32>
    tpu.vector_store %arg10[%swap3A_31], %swap3A_34 {strides = array<i32>} : memref<128xf32, #tpu.memory_space<vmem>>, vector<16xf32>,
    %broadcast_in_dim3A_35 = arith.constant 1.000000e+00 : f32
    %broadcast_in_dim3A_36 = vector.broadcast %broadcast_in_dim3A_35 : f32 to vector<16xf32>
    %swap3A_37 = arith.constant 80 : index
    %swap3A_38 = tpu.vector_load %arg10[%swap3A_37] {strides = array<i32>} : memref<128xf32, #tpu.memory_space<vmem>>, vector<16xf32>,
    %swap3A_39 = vector.shape_cast %swap3A_38 : vector<16xf32> to vector<16xf32>
    %swap3A_40 = vector.shape_cast %broadcast_in_dim3A_36 : vector<16xf32> to vector<16xf32>
    tpu.vector_store %arg10[%swap3A_37], %swap3A_40 {strides = array<i32>} : memref<128xf32, #tpu.memory_space<vmem>>, vector<16xf32>,
    %broadcast_in_dim3A_41 = arith.constant 1.000000e+00 : f32
    %broadcast_in_dim3A_42 = vector.broadcast %broadcast_in_dim3A_41 : f32 to vector<16xf32>
    %swap3A_43 = arith.constant 96 : index
    %swap3A_44 = tpu.vector_load %arg10[%swap3A_43] {strides = array<i32>} : memref<128xf32, #tpu.memory_space<vmem>>, vector<16xf32>,
    %swap3A_45 = vector.shape_cast %swap3A_44 : vector<16xf32> to vector<16xf32>
    %swap3A_46 = vector.shape_cast %broadcast_in_dim3A_42 : vector<16xf32> to vector<16xf32>
    tpu.vector_store %arg10[%swap3A_43], %swap3A_46 {strides = array<i32>} : memref<128xf32, #tpu.memory_space<vmem>>, vector<16xf32>,
    %broadcast_in_dim3A_47 = arith.constant 1.000000e+00 : f32
    %broadcast_in_dim3A_48 = vector.broadcast %broadcast_in_dim3A_47 : f32 to vector<16xf32>
    %swap3A_49 = arith.constant 112 : index
    %swap3A_50 = tpu.vector_load %arg10[%swap3A_49] {strides = array<i32>} : memref<128xf32, #tpu.memory_space<vmem>>, vector<16xf32>,
    %swap3A_51 = vector.shape_cast %swap3A_50 : vector<16xf32> to vector<16xf32>
    %swap3A_52 = vector.shape_cast %broadcast_in_dim3A_48 : vector<16xf32> to vector<16xf32>
    tpu.vector_store %arg10[%swap3A_49], %swap3A_52 {strides = array<i32>} : memref<128xf32, #tpu.memory_space<vmem>>, vector<16xf32>,
    %mul3A_53 = arith.constant 81920 : i32
    %mul3A_54 = arith.muli %arg1, %mul3A_53 : i32
    %add3A_55 = arith.constant 0 : i32
    %add3A_56 = arith.addi %mul3A_54, %add3A_55 : i32
    "tpu.region"() ({
      %run_scoped3A = tpu.sem_alloc : memref<!tpu.dma_semaphore, #tpu.memory_space<semaphore_mem>>
      %dma_start3A = tpu.memref_slice %arg12[%add3A_56] : memref<1310720xf32, #tpu.memory_space<vmem_shared>> -> memref<8192xf32, #tpu.memory_space<vmem_shared>>
      %dma_start3A_105 = tpu.memref_slice %arg12[%add3A_56] : memref<1310720xf32, #tpu.memory_space<vmem_shared>> -> memref<8192xf32, #tpu.memory_space<vmem_shared>>
      tpu.enqueue_dma source(%arg11 : memref<8192xf32, #tpu.memory_space<vmem>>) target(%dma_start3A_105 : memref<8192xf32, #tpu.memory_space<vmem_shared>>) target_semaphore(%run_scoped3A : memref<!tpu.dma_semaphore, #tpu.memory_space<semaphore_mem>>)
      %dma_wait3A = tpu.memref_slice %arg12[%add3A_56] : memref<1310720xf32, #tpu.memory_space<vmem_shared>> -> memref<8192xf32, #tpu.memory_space<vmem_shared>>
      %dma_wait3A_106 = tpu.memref_slice %arg12[%add3A_56] : memref<1310720xf32, #tpu.memory_space<vmem_shared>> -> memref<8192xf32, #tpu.memory_space<vmem_shared>>
      tpu.wait_dma2 semaphore(%run_scoped3A : memref<!tpu.dma_semaphore, #tpu.memory_space<semaphore_mem>>) src(%arg11 : memref<8192xf32, #tpu.memory_space<vmem>>) dst(%dma_wait3A_106 : memref<8192xf32, #tpu.memory_space<vmem_shared>>)
      tpu.yield
    }) : () -> ()
    %mul3A_57 = arith.constant 81920 : i32
    %mul3A_58 = arith.muli %arg1, %mul3A_57 : i32
    %add3A_59 = arith.constant 8192 : i32
    %add3A_60 = arith.addi %mul3A_58, %add3A_59 : i32
    "tpu.region"() ({
      %run_scoped3A = tpu.sem_alloc : memref<!tpu.dma_semaphore, #tpu.memory_space<semaphore_mem>>
      %dma_start3A = tpu.memref_slice %arg12[%add3A_60] : memref<1310720xf32, #tpu.memory_space<vmem_shared>> -> memref<8192xf32, #tpu.memory_space<vmem_shared>>
      %dma_start3A_105 = tpu.memref_slice %arg12[%add3A_60] : memref<1310720xf32, #tpu.memory_space<vmem_shared>> -> memref<8192xf32, #tpu.memory_space<vmem_shared>>
      tpu.enqueue_dma source(%arg11 : memref<8192xf32, #tpu.memory_space<vmem>>) target(%dma_start3A_105 : memref<8192xf32, #tpu.memory_space<vmem_shared>>) target_semaphore(%run_scoped3A : memref<!tpu.dma_semaphore, #tpu.memory_space<semaphore_mem>>)
      %dma_wait3A = tpu.memref_slice %arg12[%add3A_60] : memref<1310720xf32, #tpu.memory_space<vmem_shared>> -> memref<8192xf32, #tpu.memory_space<vmem_shared>>
      %dma_wait3A_106 = tpu.memref_slice %arg12[%add3A_60] : memref<1310720xf32, #tpu.memory_space<vmem_shared>> -> memref<8192xf32, #tpu.memory_space<vmem_shared>>
      tpu.wait_dma2 semaphore(%run_scoped3A : memref<!tpu.dma_semaphore, #tpu.memory_space<semaphore_mem>>) src(%arg11 : memref<8192xf32, #tpu.memory_space<vmem>>) dst(%dma_wait3A_106 : memref<8192xf32, #tpu.memory_space<vmem_shared>>)
      tpu.yield
    }) : () -> ()
    %mul3A_61 = arith.constant 81920 : i32
    %mul3A_62 = arith.muli %arg1, %mul3A_61 : i32
    %add3A_63 = arith.constant 16384 : i32
    %add3A_64 = arith.addi %mul3A_62, %add3A_63 : i32
    "tpu.region"() ({
      %run_scoped3A = tpu.sem_alloc : memref<!tpu.dma_semaphore, #tpu.memory_space<semaphore_mem>>
      %dma_start3A = tpu.memref_slice %arg12[%add3A_64] : memref<1310720xf32, #tpu.memory_space<vmem_shared>> -> memref<8192xf32, #tpu.memory_space<vmem_shared>>
      %dma_start3A_105 = tpu.memref_slice %arg12[%add3A_64] : memref<1310720xf32, #tpu.memory_space<vmem_shared>> -> memref<8192xf32, #tpu.memory_space<vmem_shared>>
      tpu.enqueue_dma source(%arg11 : memref<8192xf32, #tpu.memory_space<vmem>>) target(%dma_start3A_105 : memref<8192xf32, #tpu.memory_space<vmem_shared>>) target_semaphore(%run_scoped3A : memref<!tpu.dma_semaphore, #tpu.memory_space<semaphore_mem>>)
      %dma_wait3A = tpu.memref_slice %arg12[%add3A_64] : memref<1310720xf32, #tpu.memory_space<vmem_shared>> -> memref<8192xf32, #tpu.memory_space<vmem_shared>>
      %dma_wait3A_106 = tpu.memref_slice %arg12[%add3A_64] : memref<1310720xf32, #tpu.memory_space<vmem_shared>> -> memref<8192xf32, #tpu.memory_space<vmem_shared>>
      tpu.wait_dma2 semaphore(%run_scoped3A : memref<!tpu.dma_semaphore, #tpu.memory_space<semaphore_mem>>) src(%arg11 : memref<8192xf32, #tpu.memory_space<vmem>>) dst(%dma_wait3A_106 : memref<8192xf32, #tpu.memory_space<vmem_shared>>)
      tpu.yield
    }) : () -> ()
    %mul3A_65 = arith.constant 81920 : i32
    %mul3A_66 = arith.muli %arg1, %mul3A_65 : i32
    %add3A_67 = arith.constant 24576 : i32
    %add3A_68 = arith.addi %mul3A_66, %add3A_67 : i32
    "tpu.region"() ({
      %run_scoped3A = tpu.sem_alloc : memref<!tpu.dma_semaphore, #tpu.memory_space<semaphore_mem>>
      %dma_start3A = tpu.memref_slice %arg12[%add3A_68] : memref<1310720xf32, #tpu.memory_space<vmem_shared>> -> memref<8192xf32, #tpu.memory_space<vmem_shared>>
      %dma_start3A_105 = tpu.memref_slice %arg12[%add3A_68] : memref<1310720xf32, #tpu.memory_space<vmem_shared>> -> memref<8192xf32, #tpu.memory_space<vmem_shared>>
      tpu.enqueue_dma source(%arg11 : memref<8192xf32, #tpu.memory_space<vmem>>) target(%dma_start3A_105 : memref<8192xf32, #tpu.memory_space<vmem_shared>>) target_semaphore(%run_scoped3A : memref<!tpu.dma_semaphore, #tpu.memory_space<semaphore_mem>>)
      %dma_wait3A = tpu.memref_slice %arg12[%add3A_68] : memref<1310720xf32, #tpu.memory_space<vmem_shared>> -> memref<8192xf32, #tpu.memory_space<vmem_shared>>
      %dma_wait3A_106 = tpu.memref_slice %arg12[%add3A_68] : memref<1310720xf32, #tpu.memory_space<vmem_shared>> -> memref<8192xf32, #tpu.memory_space<vmem_shared>>
      tpu.wait_dma2 semaphore(%run_scoped3A : memref<!tpu.dma_semaphore, #tpu.memory_space<semaphore_mem>>) src(%arg11 : memref<8192xf32, #tpu.memory_space<vmem>>) dst(%dma_wait3A_106 : memref<8192xf32, #tpu.memory_space<vmem_shared>>)
      tpu.yield
    }) : () -> ()
    %mul3A_69 = arith.constant 81920 : i32
    %mul3A_70 = arith.muli %arg1, %mul3A_69 : i32
    %add3A_71 = arith.constant 32768 : i32
    %add3A_72 = arith.addi %mul3A_70, %add3A_71 : i32
    "tpu.region"() ({
      %run_scoped3A = tpu.sem_alloc : memref<!tpu.dma_semaphore, #tpu.memory_space<semaphore_mem>>
      %dma_start3A = tpu.memref_slice %arg12[%add3A_72] : memref<1310720xf32, #tpu.memory_space<vmem_shared>> -> memref<8192xf32, #tpu.memory_space<vmem_shared>>
      %dma_start3A_105 = tpu.memref_slice %arg12[%add3A_72] : memref<1310720xf32, #tpu.memory_space<vmem_shared>> -> memref<8192xf32, #tpu.memory_space<vmem_shared>>
      tpu.enqueue_dma source(%arg11 : memref<8192xf32, #tpu.memory_space<vmem>>) target(%dma_start3A_105 : memref<8192xf32, #tpu.memory_space<vmem_shared>>) target_semaphore(%run_scoped3A : memref<!tpu.dma_semaphore, #tpu.memory_space<semaphore_mem>>)
      %dma_wait3A = tpu.memref_slice %arg12[%add3A_72] : memref<1310720xf32, #tpu.memory_space<vmem_shared>> -> memref<8192xf32, #tpu.memory_space<vmem_shared>>
      %dma_wait3A_106 = tpu.memref_slice %arg12[%add3A_72] : memref<1310720xf32, #tpu.memory_space<vmem_shared>> -> memref<8192xf32, #tpu.memory_space<vmem_shared>>
      tpu.wait_dma2 semaphore(%run_scoped3A : memref<!tpu.dma_semaphore, #tpu.memory_space<semaphore_mem>>) src(%arg11 : memref<8192xf32, #tpu.memory_space<vmem>>) dst(%dma_wait3A_106 : memref<8192xf32, #tpu.memory_space<vmem_shared>>)
      tpu.yield
    }) : () -> ()
    %mul3A_73 = arith.constant 81920 : i32
    %mul3A_74 = arith.muli %arg1, %mul3A_73 : i32
    %add3A_75 = arith.constant 40960 : i32
    %add3A_76 = arith.addi %mul3A_74, %add3A_75 : i32
    "tpu.region"() ({
      %run_scoped3A = tpu.sem_alloc : memref<!tpu.dma_semaphore, #tpu.memory_space<semaphore_mem>>
      %dma_start3A = tpu.memref_slice %arg12[%add3A_76] : memref<1310720xf32, #tpu.memory_space<vmem_shared>> -> memref<8192xf32, #tpu.memory_space<vmem_shared>>
      %dma_start3A_105 = tpu.memref_slice %arg12[%add3A_76] : memref<1310720xf32, #tpu.memory_space<vmem_shared>> -> memref<8192xf32, #tpu.memory_space<vmem_shared>>
      tpu.enqueue_dma source(%arg11 : memref<8192xf32, #tpu.memory_space<vmem>>) target(%dma_start3A_105 : memref<8192xf32, #tpu.memory_space<vmem_shared>>) target_semaphore(%run_scoped3A : memref<!tpu.dma_semaphore, #tpu.memory_space<semaphore_mem>>)
      %dma_wait3A = tpu.memref_slice %arg12[%add3A_76] : memref<1310720xf32, #tpu.memory_space<vmem_shared>> -> memref<8192xf32, #tpu.memory_space<vmem_shared>>
      %dma_wait3A_106 = tpu.memref_slice %arg12[%add3A_76] : memref<1310720xf32, #tpu.memory_space<vmem_shared>> -> memref<8192xf32, #tpu.memory_space<vmem_shared>>
      tpu.wait_dma2 semaphore(%run_scoped3A : memref<!tpu.dma_semaphore, #tpu.memory_space<semaphore_mem>>) src(%arg11 : memref<8192xf32, #tpu.memory_space<vmem>>) dst(%dma_wait3A_106 : memref<8192xf32, #tpu.memory_space<vmem_shared>>)
      tpu.yield
    }) : () -> ()
    %mul3A_77 = arith.constant 81920 : i32
    %mul3A_78 = arith.muli %arg1, %mul3A_77 : i32
    %add3A_79 = arith.constant 49152 : i32
    %add3A_80 = arith.addi %mul3A_78, %add3A_79 : i32
    "tpu.region"() ({
      %run_scoped3A = tpu.sem_alloc : memref<!tpu.dma_semaphore, #tpu.memory_space<semaphore_mem>>
      %dma_start3A = tpu.memref_slice %arg12[%add3A_80] : memref<1310720xf32, #tpu.memory_space<vmem_shared>> -> memref<8192xf32, #tpu.memory_space<vmem_shared>>
      %dma_start3A_105 = tpu.memref_slice %arg12[%add3A_80] : memref<1310720xf32, #tpu.memory_space<vmem_shared>> -> memref<8192xf32, #tpu.memory_space<vmem_shared>>
      tpu.enqueue_dma source(%arg11 : memref<8192xf32, #tpu.memory_space<vmem>>) target(%dma_start3A_105 : memref<8192xf32, #tpu.memory_space<vmem_shared>>) target_semaphore(%run_scoped3A : memref<!tpu.dma_semaphore, #tpu.memory_space<semaphore_mem>>)
      %dma_wait3A = tpu.memref_slice %arg12[%add3A_80] : memref<1310720xf32, #tpu.memory_space<vmem_shared>> -> memref<8192xf32, #tpu.memory_space<vmem_shared>>
      %dma_wait3A_106 = tpu.memref_slice %arg12[%add3A_80] : memref<1310720xf32, #tpu.memory_space<vmem_shared>> -> memref<8192xf32, #tpu.memory_space<vmem_shared>>
      tpu.wait_dma2 semaphore(%run_scoped3A : memref<!tpu.dma_semaphore, #tpu.memory_space<semaphore_mem>>) src(%arg11 : memref<8192xf32, #tpu.memory_space<vmem>>) dst(%dma_wait3A_106 : memref<8192xf32, #tpu.memory_space<vmem_shared>>)
      tpu.yield
    }) : () -> ()
    %mul3A_81 = arith.constant 81920 : i32
    %mul3A_82 = arith.muli %arg1, %mul3A_81 : i32
    %add3A_83 = arith.constant 57344 : i32
    %add3A_84 = arith.addi %mul3A_82, %add3A_83 : i32
    "tpu.region"() ({
      %run_scoped3A = tpu.sem_alloc : memref<!tpu.dma_semaphore, #tpu.memory_space<semaphore_mem>>
      %dma_start3A = tpu.memref_slice %arg12[%add3A_84] : memref<1310720xf32, #tpu.memory_space<vmem_shared>> -> memref<8192xf32, #tpu.memory_space<vmem_shared>>
      %dma_start3A_105 = tpu.memref_slice %arg12[%add3A_84] : memref<1310720xf32, #tpu.memory_space<vmem_shared>> -> memref<8192xf32, #tpu.memory_space<vmem_shared>>
      tpu.enqueue_dma source(%arg11 : memref<8192xf32, #tpu.memory_space<vmem>>) target(%dma_start3A_105 : memref<8192xf32, #tpu.memory_space<vmem_shared>>) target_semaphore(%run_scoped3A : memref<!tpu.dma_semaphore, #tpu.memory_space<semaphore_mem>>)
      %dma_wait3A = tpu.memref_slice %arg12[%add3A_84] : memref<1310720xf32, #tpu.memory_space<vmem_shared>> -> memref<8192xf32, #tpu.memory_space<vmem_shared>>
      %dma_wait3A_106 = tpu.memref_slice %arg12[%add3A_84] : memref<1310720xf32, #tpu.memory_space<vmem_shared>> -> memref<8192xf32, #tpu.memory_space<vmem_shared>>
      tpu.wait_dma2 semaphore(%run_scoped3A : memref<!tpu.dma_semaphore, #tpu.memory_space<semaphore_mem>>) src(%arg11 : memref<8192xf32, #tpu.memory_space<vmem>>) dst(%dma_wait3A_106 : memref<8192xf32, #tpu.memory_space<vmem_shared>>)
      tpu.yield
    }) : () -> ()
    %mul3A_85 = arith.constant 81920 : i32
    %mul3A_86 = arith.muli %arg1, %mul3A_85 : i32
    %add3A_87 = arith.constant 65536 : i32
    %add3A_88 = arith.addi %mul3A_86, %add3A_87 : i32
    "tpu.region"() ({
      %run_scoped3A = tpu.sem_alloc : memref<!tpu.dma_semaphore, #tpu.memory_space<semaphore_mem>>
      %dma_start3A = tpu.memref_slice %arg12[%add3A_88] : memref<1310720xf32, #tpu.memory_space<vmem_shared>> -> memref<8192xf32, #tpu.memory_space<vmem_shared>>
      %dma_start3A_105 = tpu.memref_slice %arg12[%add3A_88] : memref<1310720xf32, #tpu.memory_space<vmem_shared>> -> memref<8192xf32, #tpu.memory_space<vmem_shared>>
      tpu.enqueue_dma source(%arg11 : memref<8192xf32, #tpu.memory_space<vmem>>) target(%dma_start3A_105 : memref<8192xf32, #tpu.memory_space<vmem_shared>>) target_semaphore(%run_scoped3A : memref<!tpu.dma_semaphore, #tpu.memory_space<semaphore_mem>>)
      %dma_wait3A = tpu.memref_slice %arg12[%add3A_88] : memref<1310720xf32, #tpu.memory_space<vmem_shared>> -> memref<8192xf32, #tpu.memory_space<vmem_shared>>
      %dma_wait3A_106 = tpu.memref_slice %arg12[%add3A_88] : memref<1310720xf32, #tpu.memory_space<vmem_shared>> -> memref<8192xf32, #tpu.memory_space<vmem_shared>>
      tpu.wait_dma2 semaphore(%run_scoped3A : memref<!tpu.dma_semaphore, #tpu.memory_space<semaphore_mem>>) src(%arg11 : memref<8192xf32, #tpu.memory_space<vmem>>) dst(%dma_wait3A_106 : memref<8192xf32, #tpu.memory_space<vmem_shared>>)
      tpu.yield
    }) : () -> ()
    %mul3A_89 = arith.constant 81920 : i32
    %mul3A_90 = arith.muli %arg1, %mul3A_89 : i32
    %add3A_91 = arith.constant 73728 : i32
    %add3A_92 = arith.addi %mul3A_90, %add3A_91 : i32
    "tpu.region"() ({
      %run_scoped3A = tpu.sem_alloc : memref<!tpu.dma_semaphore, #tpu.memory_space<semaphore_mem>>
      %dma_start3A = tpu.memref_slice %arg12[%add3A_92] : memref<1310720xf32, #tpu.memory_space<vmem_shared>> -> memref<8192xf32, #tpu.memory_space<vmem_shared>>
      %dma_start3A_105 = tpu.memref_slice %arg12[%add3A_92] : memref<1310720xf32, #tpu.memory_space<vmem_shared>> -> memref<8192xf32, #tpu.memory_space<vmem_shared>>
      tpu.enqueue_dma source(%arg11 : memref<8192xf32, #tpu.memory_space<vmem>>) target(%dma_start3A_105 : memref<8192xf32, #tpu.memory_space<vmem_shared>>) target_semaphore(%run_scoped3A : memref<!tpu.dma_semaphore, #tpu.memory_space<semaphore_mem>>)
      %dma_wait3A = tpu.memref_slice %arg12[%add3A_92] : memref<1310720xf32, #tpu.memory_space<vmem_shared>> -> memref<8192xf32, #tpu.memory_space<vmem_shared>>
      %dma_wait3A_106 = tpu.memref_slice %arg12[%add3A_92] : memref<1310720xf32, #tpu.memory_space<vmem_shared>> -> memref<8192xf32, #tpu.memory_space<vmem_shared>>
      tpu.wait_dma2 semaphore(%run_scoped3A : memref<!tpu.dma_semaphore, #tpu.memory_space<semaphore_mem>>) src(%arg11 : memref<8192xf32, #tpu.memory_space<vmem>>) dst(%dma_wait3A_106 : memref<8192xf32, #tpu.memory_space<vmem_shared>>)
      tpu.yield
    }) : () -> ()
    %barrier3A = arith.constant 0 : index
    tpu.barrier barrier_id(%barrier3A)
    %scan3A_93 = arith.constant 0 : i32
    %scan3A_94 = arith.constant 0 : i32
    %scan3A_95 = arith.constant 2 : i32
    %scan3A_96 = arith.addi %scan3A_94, %scan3A_95 : i32
    %scan3A_97 = arith.constant 1 : i32
    %scan3A_98 = scf.for %scan3A_105 = %scan3A_94 to %scan3A_96 step %scan3A_97 iter_args(%scan3A_106 = %scan3A_93) -> (i32)  : i32 {
      %mul3A_107 = arith.constant 40 : i32
      %mul3A_108 = arith.muli %scan3A_105, %mul3A_107 : i32
      "tpu.region"() ({
        %run_scoped3A = tpu.sem_alloc : memref<!tpu.dma_semaphore, #tpu.memory_space<semaphore_mem>>
        %dma_start3A = arith.constant 0 : i32
        %dma_start3A_119 = tpu.memref_slice %arg3[%add3A, %mul3A_108, %dma_start3A] : memref<32x80x128xi32, #tpu.memory_space<hbm>> -> memref<1x40x128xi32, #tpu.memory_space<hbm>>
        %dma_start3A_120 = tpu.memref_squeeze %dma_start3A_119 : memref<1x40x128xi32, #tpu.memory_space<hbm>> -> memref<40x128xi32, #tpu.memory_space<hbm>>
        %dma_start3A_121 = arith.constant 0 : i32
        %dma_start3A_122 = tpu.memref_slice %arg3[%add3A, %mul3A_108, %dma_start3A_121] : memref<32x80x128xi32, #tpu.memory_space<hbm>> -> memref<1x40x128xi32, #tpu.memory_space<hbm>>
        %dma_start3A_123 = tpu.memref_squeeze %dma_start3A_122 : memref<1x40x128xi32, #tpu.memory_space<hbm>> -> memref<40x128xi32, #tpu.memory_space<hbm>>
        tpu.enqueue_dma source(%dma_start3A_123 : memref<40x128xi32, #tpu.memory_space<hbm>>) target(%arg6 : memref<40x128xi32, #tpu.memory_space<vmem>>) target_semaphore(%run_scoped3A : memref<!tpu.dma_semaphore, #tpu.memory_space<semaphore_mem>>)
        %dma_wait3A = arith.constant 0 : i32
        %dma_wait3A_124 = tpu.memref_slice %arg3[%add3A, %mul3A_108, %dma_wait3A] : memref<32x80x128xi32, #tpu.memory_space<hbm>> -> memref<1x40x128xi32, #tpu.memory_space<hbm>>
        %dma_wait3A_125 = tpu.memref_squeeze %dma_wait3A_124 : memref<1x40x128xi32, #tpu.memory_space<hbm>> -> memref<40x128xi32, #tpu.memory_space<hbm>>
        %dma_wait3A_126 = arith.constant 0 : i32
        %dma_wait3A_127 = tpu.memref_slice %arg3[%add3A, %mul3A_108, %dma_wait3A_126] : memref<32x80x128xi32, #tpu.memory_space<hbm>> -> memref<1x40x128xi32, #tpu.memory_space<hbm>>
        %dma_wait3A_128 = tpu.memref_squeeze %dma_wait3A_127 : memref<1x40x128xi32, #tpu.memory_space<hbm>> -> memref<40x128xi32, #tpu.memory_space<hbm>>
        tpu.wait_dma2 semaphore(%run_scoped3A : memref<!tpu.dma_semaphore, #tpu.memory_space<semaphore_mem>>) src(%dma_wait3A_128 : memref<40x128xi32, #tpu.memory_space<hbm>>) dst(%arg6 : memref<40x128xi32, #tpu.memory_space<vmem>>)
        tpu.yield
      }) : () -> ()
      %mul3A_109 = arith.constant 40 : i32
      %mul3A_110 = arith.muli %scan3A_105, %mul3A_109 : i32
      "tpu.region"() ({
        %run_scoped3A = tpu.sem_alloc : memref<!tpu.dma_semaphore, #tpu.memory_space<semaphore_mem>>
        %dma_start3A = arith.constant 0 : i32
        %dma_start3A_119 = tpu.memref_slice %arg4[%add3A, %mul3A_110, %dma_start3A] : memref<32x80x128xi32, #tpu.memory_space<hbm>> -> memref<1x40x128xi32, #tpu.memory_space<hbm>>
        %dma_start3A_120 = tpu.memref_squeeze %dma_start3A_119 : memref<1x40x128xi32, #tpu.memory_space<hbm>> -> memref<40x128xi32, #tpu.memory_space<hbm>>
        %dma_start3A_121 = arith.constant 0 : i32
        %dma_start3A_122 = tpu.memref_slice %arg4[%add3A, %mul3A_110, %dma_start3A_121] : memref<32x80x128xi32, #tpu.memory_space<hbm>> -> memref<1x40x128xi32, #tpu.memory_space<hbm>>
        %dma_start3A_123 = tpu.memref_squeeze %dma_start3A_122 : memref<1x40x128xi32, #tpu.memory_space<hbm>> -> memref<40x128xi32, #tpu.memory_space<hbm>>
        tpu.enqueue_dma source(%dma_start3A_123 : memref<40x128xi32, #tpu.memory_space<hbm>>) target(%arg7 : memref<40x128xi32, #tpu.memory_space<vmem>>) target_semaphore(%run_scoped3A : memref<!tpu.dma_semaphore, #tpu.memory_space<semaphore_mem>>)
        %dma_wait3A = arith.constant 0 : i32
        %dma_wait3A_124 = tpu.memref_slice %arg4[%add3A, %mul3A_110, %dma_wait3A] : memref<32x80x128xi32, #tpu.memory_space<hbm>> -> memref<1x40x128xi32, #tpu.memory_space<hbm>>
        %dma_wait3A_125 = tpu.memref_squeeze %dma_wait3A_124 : memref<1x40x128xi32, #tpu.memory_space<hbm>> -> memref<40x128xi32, #tpu.memory_space<hbm>>
        %dma_wait3A_126 = arith.constant 0 : i32
        %dma_wait3A_127 = tpu.memref_slice %arg4[%add3A, %mul3A_110, %dma_wait3A_126] : memref<32x80x128xi32, #tpu.memory_space<hbm>> -> memref<1x40x128xi32, #tpu.memory_space<hbm>>
        %dma_wait3A_128 = tpu.memref_squeeze %dma_wait3A_127 : memref<1x40x128xi32, #tpu.memory_space<hbm>> -> memref<40x128xi32, #tpu.memory_space<hbm>>
        tpu.wait_dma2 semaphore(%run_scoped3A : memref<!tpu.dma_semaphore, #tpu.memory_space<semaphore_mem>>) src(%dma_wait3A_128 : memref<40x128xi32, #tpu.memory_space<hbm>>) dst(%arg7 : memref<40x128xi32, #tpu.memory_space<vmem>>)
        tpu.yield
      }) : () -> ()
      %scan3A_111 = arith.constant 0 : i32
      %scan3A_112 = arith.constant 0 : i32
      %scan3A_113 = arith.constant 40 : i32
      %scan3A_114 = arith.addi %scan3A_112, %scan3A_113 : i32
      %scan3A_115 = arith.constant 1 : i32
      %scan3A_116 = scf.for %scan3A_119 = %scan3A_112 to %scan3A_114 step %scan3A_115 iter_args(%scan3A_120 = %scan3A_111) -> (i32)  : i32 {
        "tpu.region"() ({
          %run_scoped3A = tpu.sem_alloc : memref<!tpu.dma_semaphore, #tpu.memory_space<semaphore_mem>>
          %dma_start3A = arith.constant 0 : i32
          %dma_start3A_241 = tpu.memref_slice %arg6[%scan3A_119, %dma_start3A] : memref<40x128xi32, #tpu.memory_space<vmem>> -> memref<1x128xi32, #tpu.memory_space<vmem>>
          %dma_start3A_242 = tpu.memref_squeeze %dma_start3A_241 : memref<1x128xi32, #tpu.memory_space<vmem>> -> memref<128xi32, #tpu.memory_space<vmem>>
          %dma_start3A_243 = arith.constant 0 : i32
          %dma_start3A_244 = tpu.memref_slice %arg2[%dma_start3A_243] : memref<10240xi32, #tpu.memory_space<hbm>> -> memref<10240xi32, #tpu.memory_space<hbm>>
          tpu.enqueue_indirect_dma source(%dma_start3A_244 : memref<10240xi32, #tpu.memory_space<hbm>>) target(%arg8 : memref<128xi32, #tpu.memory_space<vmem>>) offsets(%dma_start3A_242 : memref<128xi32, #tpu.memory_space<vmem>>) semaphore(%run_scoped3A : memref<!tpu.dma_semaphore, #tpu.memory_space<semaphore_mem>>)
          %dma_wait3A = arith.constant 0 : i32
          %dma_wait3A_245 = tpu.memref_slice %arg6[%scan3A_119, %dma_wait3A] : memref<40x128xi32, #tpu.memory_space<vmem>> -> memref<1x128xi32, #tpu.memory_space<vmem>>
          %dma_wait3A_246 = tpu.memref_squeeze %dma_wait3A_245 : memref<1x128xi32, #tpu.memory_space<vmem>> -> memref<128xi32, #tpu.memory_space<vmem>>
          %dma_wait3A_247 = arith.constant 0 : i32
          %dma_wait3A_248 = tpu.memref_slice %arg2[%dma_wait3A_247] : memref<10240xi32, #tpu.memory_space<hbm>> -> memref<10240xi32, #tpu.memory_space<hbm>>
          tpu.wait_indirect_dma semaphore(%run_scoped3A : memref<!tpu.dma_semaphore, #tpu.memory_space<semaphore_mem>>) src(%dma_wait3A_248 : memref<10240xi32, #tpu.memory_space<hbm>>) dst(%arg8 : memref<128xi32, #tpu.memory_space<vmem>>)
          tpu.yield
        }) : () -> ()
        %get3A = arith.index_cast %scan3A_119 : i32 to index
        %get3A_121 = arith.constant 0 : index
        %get3A_122 = tpu.vector_load %arg7[%get3A, %get3A_121] {strides = array<i32>} : memref<40x128xi32, #tpu.memory_space<vmem>>, vector<1x16xi32>,
        %get3A_123 = vector.shape_cast %get3A_122 : vector<1x16xi32> to vector<16xi32>
        %get3A_124 = arith.constant 0 : index
        %get3A_125 = tpu.vector_load %arg8[%get3A_124] {strides = array<i32>} : memref<128xi32, #tpu.memory_space<vmem>>, vector<16xi32>,
        %get3A_126 = vector.shape_cast %get3A_125 : vector<16xi32> to vector<16xi32>
        %mul3A_127 = arith.constant 128 : i32
        %mul3A_128 = vector.broadcast %mul3A_127 : i32 to vector<16xi32>
        %mul3A_129 = arith.muli %get3A_123, %mul3A_128 : vector<16xi32>
        %add3A_130 = arith.addi %mul3A_129, %get3A_126 : vector<16xi32>
        %swap3A_131 = arith.constant 0 : index
        %swap3A_132 = tpu.vector_load %arg9[%swap3A_131] {strides = array<i32>} : memref<128xi32, #tpu.memory_space<vmem>>, vector<16xi32>,
        %swap3A_133 = vector.shape_cast %swap3A_132 : vector<16xi32> to vector<16xi32>
        %swap3A_134 = vector.shape_cast %add3A_130 : vector<16xi32> to vector<16xi32>
        tpu.vector_store %arg9[%swap3A_131], %swap3A_134 {strides = array<i32>} : memref<128xi32, #tpu.memory_space<vmem>>, vector<16xi32>,
        %get3A_135 = arith.index_cast %scan3A_119 : i32 to index
        %get3A_136 = arith.constant 16 : index
        %get3A_137 = tpu.vector_load %arg7[%get3A_135, %get3A_136] {strides = array<i32>} : memref<40x128xi32, #tpu.memory_space<vmem>>, vector<1x16xi32>,
        %get3A_138 = vector.shape_cast %get3A_137 : vector<1x16xi32> to vector<16xi32>
        %get3A_139 = arith.constant 16 : index
        %get3A_140 = tpu.vector_load %arg8[%get3A_139] {strides = array<i32>} : memref<128xi32, #tpu.memory_space<vmem>>, vector<16xi32>,
        %get3A_141 = vector.shape_cast %get3A_140 : vector<16xi32> to vector<16xi32>
        %mul3A_142 = arith.constant 128 : i32
        %mul3A_143 = vector.broadcast %mul3A_142 : i32 to vector<16xi32>
        %mul3A_144 = arith.muli %get3A_138, %mul3A_143 : vector<16xi32>
        %add3A_145 = arith.addi %mul3A_144, %get3A_141 : vector<16xi32>
        %swap3A_146 = arith.constant 16 : index
        %swap3A_147 = tpu.vector_load %arg9[%swap3A_146] {strides = array<i32>} : memref<128xi32, #tpu.memory_space<vmem>>, vector<16xi32>,
        %swap3A_148 = vector.shape_cast %swap3A_147 : vector<16xi32> to vector<16xi32>
        %swap3A_149 = vector.shape_cast %add3A_145 : vector<16xi32> to vector<16xi32>
        tpu.vector_store %arg9[%swap3A_146], %swap3A_149 {strides = array<i32>} : memref<128xi32, #tpu.memory_space<vmem>>, vector<16xi32>,
        %get3A_150 = arith.index_cast %scan3A_119 : i32 to index
        %get3A_151 = arith.constant 32 : index
        %get3A_152 = tpu.vector_load %arg7[%get3A_150, %get3A_151] {strides = array<i32>} : memref<40x128xi32, #tpu.memory_space<vmem>>, vector<1x16xi32>,
        %get3A_153 = vector.shape_cast %get3A_152 : vector<1x16xi32> to vector<16xi32>
        %get3A_154 = arith.constant 32 : index
        %get3A_155 = tpu.vector_load %arg8[%get3A_154] {strides = array<i32>} : memref<128xi32, #tpu.memory_space<vmem>>, vector<16xi32>,
        %get3A_156 = vector.shape_cast %get3A_155 : vector<16xi32> to vector<16xi32>
        %mul3A_157 = arith.constant 128 : i32
        %mul3A_158 = vector.broadcast %mul3A_157 : i32 to vector<16xi32>
        %mul3A_159 = arith.muli %get3A_153, %mul3A_158 : vector<16xi32>
        %add3A_160 = arith.addi %mul3A_159, %get3A_156 : vector<16xi32>
        %swap3A_161 = arith.constant 32 : index
        %swap3A_162 = tpu.vector_load %arg9[%swap3A_161] {strides = array<i32>} : memref<128xi32, #tpu.memory_space<vmem>>, vector<16xi32>,
        %swap3A_163 = vector.shape_cast %swap3A_162 : vector<16xi32> to vector<16xi32>
        %swap3A_164 = vector.shape_cast %add3A_160 : vector<16xi32> to vector<16xi32>
        tpu.vector_store %arg9[%swap3A_161], %swap3A_164 {strides = array<i32>} : memref<128xi32, #tpu.memory_space<vmem>>, vector<16xi32>,
        %get3A_165 = arith.index_cast %scan3A_119 : i32 to index
        %get3A_166 = arith.constant 48 : index
        %get3A_167 = tpu.vector_load %arg7[%get3A_165, %get3A_166] {strides = array<i32>} : memref<40x128xi32, #tpu.memory_space<vmem>>, vector<1x16xi32>,
        %get3A_168 = vector.shape_cast %get3A_167 : vector<1x16xi32> to vector<16xi32>
        %get3A_169 = arith.constant 48 : index
        %get3A_170 = tpu.vector_load %arg8[%get3A_169] {strides = array<i32>} : memref<128xi32, #tpu.memory_space<vmem>>, vector<16xi32>,
        %get3A_171 = vector.shape_cast %get3A_170 : vector<16xi32> to vector<16xi32>
        %mul3A_172 = arith.constant 128 : i32
        %mul3A_173 = vector.broadcast %mul3A_172 : i32 to vector<16xi32>
        %mul3A_174 = arith.muli %get3A_168, %mul3A_173 : vector<16xi32>
        %add3A_175 = arith.addi %mul3A_174, %get3A_171 : vector<16xi32>
        %swap3A_176 = arith.constant 48 : index
        %swap3A_177 = tpu.vector_load %arg9[%swap3A_176] {strides = array<i32>} : memref<128xi32, #tpu.memory_space<vmem>>, vector<16xi32>,
        %swap3A_178 = vector.shape_cast %swap3A_177 : vector<16xi32> to vector<16xi32>
        %swap3A_179 = vector.shape_cast %add3A_175 : vector<16xi32> to vector<16xi32>
        tpu.vector_store %arg9[%swap3A_176], %swap3A_179 {strides = array<i32>} : memref<128xi32, #tpu.memory_space<vmem>>, vector<16xi32>,
        %get3A_180 = arith.index_cast %scan3A_119 : i32 to index
        %get3A_181 = arith.constant 64 : index
        %get3A_182 = tpu.vector_load %arg7[%get3A_180, %get3A_181] {strides = array<i32>} : memref<40x128xi32, #tpu.memory_space<vmem>>, vector<1x16xi32>,
        %get3A_183 = vector.shape_cast %get3A_182 : vector<1x16xi32> to vector<16xi32>
        %get3A_184 = arith.constant 64 : index
        %get3A_185 = tpu.vector_load %arg8[%get3A_184] {strides = array<i32>} : memref<128xi32, #tpu.memory_space<vmem>>, vector<16xi32>,
        %get3A_186 = vector.shape_cast %get3A_185 : vector<16xi32> to vector<16xi32>
        %mul3A_187 = arith.constant 128 : i32
        %mul3A_188 = vector.broadcast %mul3A_187 : i32 to vector<16xi32>
        %mul3A_189 = arith.muli %get3A_183, %mul3A_188 : vector<16xi32>
        %add3A_190 = arith.addi %mul3A_189, %get3A_186 : vector<16xi32>
        %swap3A_191 = arith.constant 64 : index
        %swap3A_192 = tpu.vector_load %arg9[%swap3A_191] {strides = array<i32>} : memref<128xi32, #tpu.memory_space<vmem>>, vector<16xi32>,
        %swap3A_193 = vector.shape_cast %swap3A_192 : vector<16xi32> to vector<16xi32>
        %swap3A_194 = vector.shape_cast %add3A_190 : vector<16xi32> to vector<16xi32>
        tpu.vector_store %arg9[%swap3A_191], %swap3A_194 {strides = array<i32>} : memref<128xi32, #tpu.memory_space<vmem>>, vector<16xi32>,
        %get3A_195 = arith.index_cast %scan3A_119 : i32 to index
        %get3A_196 = arith.constant 80 : index
        %get3A_197 = tpu.vector_load %arg7[%get3A_195, %get3A_196] {strides = array<i32>} : memref<40x128xi32, #tpu.memory_space<vmem>>, vector<1x16xi32>,
        %get3A_198 = vector.shape_cast %get3A_197 : vector<1x16xi32> to vector<16xi32>
        %get3A_199 = arith.constant 80 : index
        %get3A_200 = tpu.vector_load %arg8[%get3A_199] {strides = array<i32>} : memref<128xi32, #tpu.memory_space<vmem>>, vector<16xi32>,
        %get3A_201 = vector.shape_cast %get3A_200 : vector<16xi32> to vector<16xi32>
        %mul3A_202 = arith.constant 128 : i32
        %mul3A_203 = vector.broadcast %mul3A_202 : i32 to vector<16xi32>
        %mul3A_204 = arith.muli %get3A_198, %mul3A_203 : vector<16xi32>
        %add3A_205 = arith.addi %mul3A_204, %get3A_201 : vector<16xi32>
        %swap3A_206 = arith.constant 80 : index
        %swap3A_207 = tpu.vector_load %arg9[%swap3A_206] {strides = array<i32>} : memref<128xi32, #tpu.memory_space<vmem>>, vector<16xi32>,
        %swap3A_208 = vector.shape_cast %swap3A_207 : vector<16xi32> to vector<16xi32>
        %swap3A_209 = vector.shape_cast %add3A_205 : vector<16xi32> to vector<16xi32>
        tpu.vector_store %arg9[%swap3A_206], %swap3A_209 {strides = array<i32>} : memref<128xi32, #tpu.memory_space<vmem>>, vector<16xi32>,
        %get3A_210 = arith.index_cast %scan3A_119 : i32 to index
        %get3A_211 = arith.constant 96 : index
        %get3A_212 = tpu.vector_load %arg7[%get3A_210, %get3A_211] {strides = array<i32>} : memref<40x128xi32, #tpu.memory_space<vmem>>, vector<1x16xi32>,
        %get3A_213 = vector.shape_cast %get3A_212 : vector<1x16xi32> to vector<16xi32>
        %get3A_214 = arith.constant 96 : index
        %get3A_215 = tpu.vector_load %arg8[%get3A_214] {strides = array<i32>} : memref<128xi32, #tpu.memory_space<vmem>>, vector<16xi32>,
        %get3A_216 = vector.shape_cast %get3A_215 : vector<16xi32> to vector<16xi32>
        %mul3A_217 = arith.constant 128 : i32
        %mul3A_218 = vector.broadcast %mul3A_217 : i32 to vector<16xi32>
        %mul3A_219 = arith.muli %get3A_213, %mul3A_218 : vector<16xi32>
        %add3A_220 = arith.addi %mul3A_219, %get3A_216 : vector<16xi32>
        %swap3A_221 = arith.constant 96 : index
        %swap3A_222 = tpu.vector_load %arg9[%swap3A_221] {strides = array<i32>} : memref<128xi32, #tpu.memory_space<vmem>>, vector<16xi32>,
        %swap3A_223 = vector.shape_cast %swap3A_222 : vector<16xi32> to vector<16xi32>
        %swap3A_224 = vector.shape_cast %add3A_220 : vector<16xi32> to vector<16xi32>
        tpu.vector_store %arg9[%swap3A_221], %swap3A_224 {strides = array<i32>} : memref<128xi32, #tpu.memory_space<vmem>>, vector<16xi32>,
        %get3A_225 = arith.index_cast %scan3A_119 : i32 to index
        %get3A_226 = arith.constant 112 : index
        %get3A_227 = tpu.vector_load %arg7[%get3A_225, %get3A_226] {strides = array<i32>} : memref<40x128xi32, #tpu.memory_space<vmem>>, vector<1x16xi32>,
        %get3A_228 = vector.shape_cast %get3A_227 : vector<1x16xi32> to vector<16xi32>
        %get3A_229 = arith.constant 112 : index
        %get3A_230 = tpu.vector_load %arg8[%get3A_229] {strides = array<i32>} : memref<128xi32, #tpu.memory_space<vmem>>, vector<16xi32>,
        %get3A_231 = vector.shape_cast %get3A_230 : vector<16xi32> to vector<16xi32>
        %mul3A_232 = arith.constant 128 : i32
        %mul3A_233 = vector.broadcast %mul3A_232 : i32 to vector<16xi32>
        %mul3A_234 = arith.muli %get3A_228, %mul3A_233 : vector<16xi32>
        %add3A_235 = arith.addi %mul3A_234, %get3A_231 : vector<16xi32>
        %swap3A_236 = arith.constant 112 : index
        %swap3A_237 = tpu.vector_load %arg9[%swap3A_236] {strides = array<i32>} : memref<128xi32, #tpu.memory_space<vmem>>, vector<16xi32>,
        %swap3A_238 = vector.shape_cast %swap3A_237 : vector<16xi32> to vector<16xi32>
        %swap3A_239 = vector.shape_cast %add3A_235 : vector<16xi32> to vector<16xi32>
        tpu.vector_store %arg9[%swap3A_236], %swap3A_239 {strides = array<i32>} : memref<128xi32, #tpu.memory_space<vmem>>, vector<16xi32>,
        "tpu.region"() ({
          %run_scoped3A = tpu.sem_alloc : memref<!tpu.dma_semaphore, #tpu.memory_space<semaphore_mem>>
          %dma_start3A = arith.constant 0 : i32
          %dma_start3A_241 = tpu.memref_slice %arg12[%dma_start3A] : memref<1310720xf32, #tpu.memory_space<vmem_shared>> -> memref<1310720xf32, #tpu.memory_space<vmem_shared>>
          tpu.enqueue_indirect_dma source(%arg10 : memref<128xf32, #tpu.memory_space<vmem>>) target(%dma_start3A_241 : memref<1310720xf32, #tpu.memory_space<vmem_shared>>) offsets(%arg9 : memref<128xi32, #tpu.memory_space<vmem>>) semaphore(%run_scoped3A : memref<!tpu.dma_semaphore, #tpu.memory_space<semaphore_mem>>) {add = true}
          %dma_wait3A = arith.constant 0 : i32
          %dma_wait3A_242 = tpu.memref_slice %arg12[%dma_wait3A] : memref<1310720xf32, #tpu.memory_space<vmem_shared>> -> memref<1310720xf32, #tpu.memory_space<vmem_shared>>
          tpu.wait_indirect_dma semaphore(%run_scoped3A : memref<!tpu.dma_semaphore, #tpu.memory_space<semaphore_mem>>) src(%arg10 : memref<128xf32, #tpu.memory_space<vmem>>) dst(%dma_wait3A_242 : memref<1310720xf32, #tpu.memory_space<vmem_shared>>)
          tpu.yield
        }) : () -> ()
        %scan3A_240 = arith.constant 0 : i32
        scf.yield %scan3A_240 : i32
      }
      %scan3A_117 = arith.constant 40 : i32
      %scan3A_118 = arith.constant 0 : i32
      scf.yield %scan3A_118 : i32
    }
    %scan3A_99 = arith.constant 2 : i32
    %barrier3A_100 = arith.constant 0 : index
    tpu.barrier barrier_id(%barrier3A_100)
    %mul3A_101 = arith.constant 81920 : i32
    %mul3A_102 = arith.muli %arg1, %mul3A_101 : i32
    %mul3A_103 = arith.constant 81920 : i32
    %mul3A_104 = arith.muli %arg1, %mul3A_103 : i32
    "tpu.region"() ({
      %run_scoped3A = tpu.sem_alloc : memref<!tpu.dma_semaphore, #tpu.memory_space<semaphore_mem>>
      %dma_start3A = tpu.memref_slice %arg5[%arg0, %mul3A_104] : memref<2x1310720xf32, #tpu.memory_space<hbm>> -> memref<1x81920xf32, #tpu.memory_space<hbm>>
      %dma_start3A_105 = tpu.memref_squeeze %dma_start3A : memref<1x81920xf32, #tpu.memory_space<hbm>> -> memref<81920xf32, #tpu.memory_space<hbm>>
      %dma_start3A_106 = tpu.memref_slice %arg12[%mul3A_102] : memref<1310720xf32, #tpu.memory_space<vmem_shared>> -> memref<81920xf32, #tpu.memory_space<vmem_shared>>
      tpu.enqueue_dma source(%dma_start3A_106 : memref<81920xf32, #tpu.memory_space<vmem_shared>>) target(%dma_start3A_105 : memref<81920xf32, #tpu.memory_space<hbm>>) target_semaphore(%run_scoped3A : memref<!tpu.dma_semaphore, #tpu.memory_space<semaphore_mem>>)
      %dma_wait3A = tpu.memref_slice %arg5[%arg0, %mul3A_104] : memref<2x1310720xf32, #tpu.memory_space<hbm>> -> memref<1x81920xf32, #tpu.memory_space<hbm>>
      %dma_wait3A_107 = tpu.memref_squeeze %dma_wait3A : memref<1x81920xf32, #tpu.memory_space<hbm>> -> memref<81920xf32, #tpu.memory_space<hbm>>
      %dma_wait3A_108 = tpu.memref_slice %arg12[%mul3A_102] : memref<1310720xf32, #tpu.memory_space<vmem_shared>> -> memref<81920xf32, #tpu.memory_space<vmem_shared>>
      tpu.wait_dma2 semaphore(%run_scoped3A : memref<!tpu.dma_semaphore, #tpu.memory_space<semaphore_mem>>) src(%dma_wait3A_108 : memref<81920xf32, #tpu.memory_space<vmem_shared>>) dst(%dma_wait3A_107 : memref<81920xf32, #tpu.memory_space<hbm>>)
      tpu.yield
    }) : () -> ()
    return
  }
}

#map = affine_map<(d0, d1) -> (0, 0)>
#map1 = affine_map<(d0, d1) -> (0, 0, 0)>
module attributes {stable_mosaic.version = 14 : i64} {
  func.func @segsum(%arg0: i32, %arg1: i32, %arg2: memref<10000x128xf32, #tpu.memory_space<hbm>>, %arg3: memref<4096x80xi32, #tpu.memory_space<hbm>>, %arg4: memref<4096x80xi32, #tpu.memory_space<hbm>>, %arg5: memref<2x10240x128xf32, #tpu.memory_space<hbm>>, %arg6: memref<32x80xi32, #tpu.memory_space<vmem>>, %arg7: memref<32x80xi32, #tpu.memory_space<vmem>>, %arg8: memref<80x128xf32, #tpu.memory_space<vmem>>, %arg9: memref<80x128xf32, #tpu.memory_space<vmem>>, %arg10: memref<80x128xf32, #tpu.memory_space<vmem>>, %arg11: memref<80x128xf32, #tpu.memory_space<vmem>>, %arg12: memref<10240x128xf32, #tpu.memory_space<vmem_shared>>, %arg13: memref<!tpu.dma_semaphore, #tpu.memory_space<semaphore_mem>>, %arg14: memref<!tpu.dma_semaphore, #tpu.memory_space<semaphore_mem>>) attributes {dimension_semantics = [#tpu.dimension_semantics<core_parallel>, #tpu.dimension_semantics<subcore_parallel>], iteration_bounds = array<i64: 2, 16>, scalar_prefetch = 0 : i64, scratch_operands = 9 : i64, tpu.core_type = #tpu.core_type<sc_vector_subcore>, window_params = [{transform_indices = #map}, {transform_indices = #map}, {transform_indices = #map}, {transform_indices = #map1}]} {
    %mul3A = arith.constant 16 : i32
    %mul3A_0 = arith.muli %arg0, %mul3A : i32
    %add3A = arith.addi %mul3A_0, %arg1 : i32
    %mul3A_1 = arith.constant 128 : i32
    %mul3A_2 = arith.muli %add3A, %mul3A_1 : i32
    %scan3A = arith.constant 0 : i32
    %scan3A_3 = arith.constant 0 : i32
    %scan3A_4 = arith.constant 80 : i32
    %scan3A_5 = arith.addi %scan3A_3, %scan3A_4 : i32
    %scan3A_6 = arith.constant 1 : i32
    %scan3A_7 = scf.for %scan3A_53 = %scan3A_3 to %scan3A_5 step %scan3A_6 iter_args(%scan3A_54 = %scan3A) -> (i32)  : i32 {
      %broadcast_in_dim3A = arith.constant 0.000000e+00 : f32
      %broadcast_in_dim3A_55 = vector.broadcast %broadcast_in_dim3A : f32 to vector<16xf32>
      %swap3A = arith.index_cast %scan3A_53 : i32 to index
      %swap3A_56 = arith.constant 0 : index
      %swap3A_57 = tpu.vector_load %arg8[%swap3A, %swap3A_56] {strides = array<i32>} : memref<80x128xf32, #tpu.memory_space<vmem>>, vector<1x16xf32>,
      %swap3A_58 = vector.shape_cast %swap3A_57 : vector<1x16xf32> to vector<16xf32>
      %swap3A_59 = vector.shape_cast %broadcast_in_dim3A_55 : vector<16xf32> to vector<1x16xf32>
      tpu.vector_store %arg8[%swap3A, %swap3A_56], %swap3A_59 {strides = array<i32>} : memref<80x128xf32, #tpu.memory_space<vmem>>, vector<1x16xf32>,
      %broadcast_in_dim3A_60 = arith.constant 0.000000e+00 : f32
      %broadcast_in_dim3A_61 = vector.broadcast %broadcast_in_dim3A_60 : f32 to vector<16xf32>
      %swap3A_62 = arith.index_cast %scan3A_53 : i32 to index
      %swap3A_63 = arith.constant 16 : index
      %swap3A_64 = tpu.vector_load %arg8[%swap3A_62, %swap3A_63] {strides = array<i32>} : memref<80x128xf32, #tpu.memory_space<vmem>>, vector<1x16xf32>,
      %swap3A_65 = vector.shape_cast %swap3A_64 : vector<1x16xf32> to vector<16xf32>
      %swap3A_66 = vector.shape_cast %broadcast_in_dim3A_61 : vector<16xf32> to vector<1x16xf32>
      tpu.vector_store %arg8[%swap3A_62, %swap3A_63], %swap3A_66 {strides = array<i32>} : memref<80x128xf32, #tpu.memory_space<vmem>>, vector<1x16xf32>,
      %broadcast_in_dim3A_67 = arith.constant 0.000000e+00 : f32
      %broadcast_in_dim3A_68 = vector.broadcast %broadcast_in_dim3A_67 : f32 to vector<16xf32>
      %swap3A_69 = arith.index_cast %scan3A_53 : i32 to index
      %swap3A_70 = arith.constant 32 : index
      %swap3A_71 = tpu.vector_load %arg8[%swap3A_69, %swap3A_70] {strides = array<i32>} : memref<80x128xf32, #tpu.memory_space<vmem>>, vector<1x16xf32>,
      %swap3A_72 = vector.shape_cast %swap3A_71 : vector<1x16xf32> to vector<16xf32>
      %swap3A_73 = vector.shape_cast %broadcast_in_dim3A_68 : vector<16xf32> to vector<1x16xf32>
      tpu.vector_store %arg8[%swap3A_69, %swap3A_70], %swap3A_73 {strides = array<i32>} : memref<80x128xf32, #tpu.memory_space<vmem>>, vector<1x16xf32>,
      %broadcast_in_dim3A_74 = arith.constant 0.000000e+00 : f32
      %broadcast_in_dim3A_75 = vector.broadcast %broadcast_in_dim3A_74 : f32 to vector<16xf32>
      %swap3A_76 = arith.index_cast %scan3A_53 : i32 to index
      %swap3A_77 = arith.constant 48 : index
      %swap3A_78 = tpu.vector_load %arg8[%swap3A_76, %swap3A_77] {strides = array<i32>} : memref<80x128xf32, #tpu.memory_space<vmem>>, vector<1x16xf32>,
      %swap3A_79 = vector.shape_cast %swap3A_78 : vector<1x16xf32> to vector<16xf32>
      %swap3A_80 = vector.shape_cast %broadcast_in_dim3A_75 : vector<16xf32> to vector<1x16xf32>
      tpu.vector_store %arg8[%swap3A_76, %swap3A_77], %swap3A_80 {strides = array<i32>} : memref<80x128xf32, #tpu.memory_space<vmem>>, vector<1x16xf32>,
      %broadcast_in_dim3A_81 = arith.constant 0.000000e+00 : f32
      %broadcast_in_dim3A_82 = vector.broadcast %broadcast_in_dim3A_81 : f32 to vector<16xf32>
      %swap3A_83 = arith.index_cast %scan3A_53 : i32 to index
      %swap3A_84 = arith.constant 64 : index
      %swap3A_85 = tpu.vector_load %arg8[%swap3A_83, %swap3A_84] {strides = array<i32>} : memref<80x128xf32, #tpu.memory_space<vmem>>, vector<1x16xf32>,
      %swap3A_86 = vector.shape_cast %swap3A_85 : vector<1x16xf32> to vector<16xf32>
      %swap3A_87 = vector.shape_cast %broadcast_in_dim3A_82 : vector<16xf32> to vector<1x16xf32>
      tpu.vector_store %arg8[%swap3A_83, %swap3A_84], %swap3A_87 {strides = array<i32>} : memref<80x128xf32, #tpu.memory_space<vmem>>, vector<1x16xf32>,
      %broadcast_in_dim3A_88 = arith.constant 0.000000e+00 : f32
      %broadcast_in_dim3A_89 = vector.broadcast %broadcast_in_dim3A_88 : f32 to vector<16xf32>
      %swap3A_90 = arith.index_cast %scan3A_53 : i32 to index
      %swap3A_91 = arith.constant 80 : index
      %swap3A_92 = tpu.vector_load %arg8[%swap3A_90, %swap3A_91] {strides = array<i32>} : memref<80x128xf32, #tpu.memory_space<vmem>>, vector<1x16xf32>,
      %swap3A_93 = vector.shape_cast %swap3A_92 : vector<1x16xf32> to vector<16xf32>
      %swap3A_94 = vector.shape_cast %broadcast_in_dim3A_89 : vector<16xf32> to vector<1x16xf32>
      tpu.vector_store %arg8[%swap3A_90, %swap3A_91], %swap3A_94 {strides = array<i32>} : memref<80x128xf32, #tpu.memory_space<vmem>>, vector<1x16xf32>,
      %broadcast_in_dim3A_95 = arith.constant 0.000000e+00 : f32
      %broadcast_in_dim3A_96 = vector.broadcast %broadcast_in_dim3A_95 : f32 to vector<16xf32>
      %swap3A_97 = arith.index_cast %scan3A_53 : i32 to index
      %swap3A_98 = arith.constant 96 : index
      %swap3A_99 = tpu.vector_load %arg8[%swap3A_97, %swap3A_98] {strides = array<i32>} : memref<80x128xf32, #tpu.memory_space<vmem>>, vector<1x16xf32>,
      %swap3A_100 = vector.shape_cast %swap3A_99 : vector<1x16xf32> to vector<16xf32>
      %swap3A_101 = vector.shape_cast %broadcast_in_dim3A_96 : vector<16xf32> to vector<1x16xf32>
      tpu.vector_store %arg8[%swap3A_97, %swap3A_98], %swap3A_101 {strides = array<i32>} : memref<80x128xf32, #tpu.memory_space<vmem>>, vector<1x16xf32>,
      %broadcast_in_dim3A_102 = arith.constant 0.000000e+00 : f32
      %broadcast_in_dim3A_103 = vector.broadcast %broadcast_in_dim3A_102 : f32 to vector<16xf32>
      %swap3A_104 = arith.index_cast %scan3A_53 : i32 to index
      %swap3A_105 = arith.constant 112 : index
      %swap3A_106 = tpu.vector_load %arg8[%swap3A_104, %swap3A_105] {strides = array<i32>} : memref<80x128xf32, #tpu.memory_space<vmem>>, vector<1x16xf32>,
      %swap3A_107 = vector.shape_cast %swap3A_106 : vector<1x16xf32> to vector<16xf32>
      %swap3A_108 = vector.shape_cast %broadcast_in_dim3A_103 : vector<16xf32> to vector<1x16xf32>
      tpu.vector_store %arg8[%swap3A_104, %swap3A_105], %swap3A_108 {strides = array<i32>} : memref<80x128xf32, #tpu.memory_space<vmem>>, vector<1x16xf32>,
      %scan3A_109 = arith.constant 0 : i32
      scf.yield %scan3A_109 : i32
    }
    %scan3A_8 = arith.constant 80 : i32
    %mul3A_9 = arith.constant 640 : i32
    %mul3A_10 = arith.muli %arg1, %mul3A_9 : i32
    %add3A_11 = arith.constant 0 : i32
    %add3A_12 = arith.addi %mul3A_10, %add3A_11 : i32
    "tpu.region"() ({
      %run_scoped3A = tpu.sem_alloc : memref<!tpu.dma_semaphore, #tpu.memory_space<semaphore_mem>>
      %dma_start3A = arith.constant 0 : i32
      %dma_start3A_53 = tpu.memref_slice %arg12[%add3A_12, %dma_start3A] : memref<10240x128xf32, #tpu.memory_space<vmem_shared>> -> memref<80x128xf32, #tpu.memory_space<vmem_shared>>
      %dma_start3A_54 = arith.constant 0 : i32
      %dma_start3A_55 = tpu.memref_slice %arg12[%add3A_12, %dma_start3A_54] : memref<10240x128xf32, #tpu.memory_space<vmem_shared>> -> memref<80x128xf32, #tpu.memory_space<vmem_shared>>
      tpu.enqueue_dma source(%arg8 : memref<80x128xf32, #tpu.memory_space<vmem>>) target(%dma_start3A_55 : memref<80x128xf32, #tpu.memory_space<vmem_shared>>) target_semaphore(%run_scoped3A : memref<!tpu.dma_semaphore, #tpu.memory_space<semaphore_mem>>)
      %dma_wait3A = arith.constant 0 : i32
      %dma_wait3A_56 = tpu.memref_slice %arg12[%add3A_12, %dma_wait3A] : memref<10240x128xf32, #tpu.memory_space<vmem_shared>> -> memref<80x128xf32, #tpu.memory_space<vmem_shared>>
      %dma_wait3A_57 = arith.constant 0 : i32
      %dma_wait3A_58 = tpu.memref_slice %arg12[%add3A_12, %dma_wait3A_57] : memref<10240x128xf32, #tpu.memory_space<vmem_shared>> -> memref<80x128xf32, #tpu.memory_space<vmem_shared>>
      tpu.wait_dma2 semaphore(%run_scoped3A : memref<!tpu.dma_semaphore, #tpu.memory_space<semaphore_mem>>) src(%arg8 : memref<80x128xf32, #tpu.memory_space<vmem>>) dst(%dma_wait3A_58 : memref<80x128xf32, #tpu.memory_space<vmem_shared>>)
      tpu.yield
    }) : () -> ()
    %mul3A_13 = arith.constant 640 : i32
    %mul3A_14 = arith.muli %arg1, %mul3A_13 : i32
    %add3A_15 = arith.constant 80 : i32
    %add3A_16 = arith.addi %mul3A_14, %add3A_15 : i32
    "tpu.region"() ({
      %run_scoped3A = tpu.sem_alloc : memref<!tpu.dma_semaphore, #tpu.memory_space<semaphore_mem>>
      %dma_start3A = arith.constant 0 : i32
      %dma_start3A_53 = tpu.memref_slice %arg12[%add3A_16, %dma_start3A] : memref<10240x128xf32, #tpu.memory_space<vmem_shared>> -> memref<80x128xf32, #tpu.memory_space<vmem_shared>>
      %dma_start3A_54 = arith.constant 0 : i32
      %dma_start3A_55 = tpu.memref_slice %arg12[%add3A_16, %dma_start3A_54] : memref<10240x128xf32, #tpu.memory_space<vmem_shared>> -> memref<80x128xf32, #tpu.memory_space<vmem_shared>>
      tpu.enqueue_dma source(%arg8 : memref<80x128xf32, #tpu.memory_space<vmem>>) target(%dma_start3A_55 : memref<80x128xf32, #tpu.memory_space<vmem_shared>>) target_semaphore(%run_scoped3A : memref<!tpu.dma_semaphore, #tpu.memory_space<semaphore_mem>>)
      %dma_wait3A = arith.constant 0 : i32
      %dma_wait3A_56 = tpu.memref_slice %arg12[%add3A_16, %dma_wait3A] : memref<10240x128xf32, #tpu.memory_space<vmem_shared>> -> memref<80x128xf32, #tpu.memory_space<vmem_shared>>
      %dma_wait3A_57 = arith.constant 0 : i32
      %dma_wait3A_58 = tpu.memref_slice %arg12[%add3A_16, %dma_wait3A_57] : memref<10240x128xf32, #tpu.memory_space<vmem_shared>> -> memref<80x128xf32, #tpu.memory_space<vmem_shared>>
      tpu.wait_dma2 semaphore(%run_scoped3A : memref<!tpu.dma_semaphore, #tpu.memory_space<semaphore_mem>>) src(%arg8 : memref<80x128xf32, #tpu.memory_space<vmem>>) dst(%dma_wait3A_58 : memref<80x128xf32, #tpu.memory_space<vmem_shared>>)
      tpu.yield
    }) : () -> ()
    %mul3A_17 = arith.constant 640 : i32
    %mul3A_18 = arith.muli %arg1, %mul3A_17 : i32
    %add3A_19 = arith.constant 160 : i32
    %add3A_20 = arith.addi %mul3A_18, %add3A_19 : i32
    "tpu.region"() ({
      %run_scoped3A = tpu.sem_alloc : memref<!tpu.dma_semaphore, #tpu.memory_space<semaphore_mem>>
      %dma_start3A = arith.constant 0 : i32
      %dma_start3A_53 = tpu.memref_slice %arg12[%add3A_20, %dma_start3A] : memref<10240x128xf32, #tpu.memory_space<vmem_shared>> -> memref<80x128xf32, #tpu.memory_space<vmem_shared>>
      %dma_start3A_54 = arith.constant 0 : i32
      %dma_start3A_55 = tpu.memref_slice %arg12[%add3A_20, %dma_start3A_54] : memref<10240x128xf32, #tpu.memory_space<vmem_shared>> -> memref<80x128xf32, #tpu.memory_space<vmem_shared>>
      tpu.enqueue_dma source(%arg8 : memref<80x128xf32, #tpu.memory_space<vmem>>) target(%dma_start3A_55 : memref<80x128xf32, #tpu.memory_space<vmem_shared>>) target_semaphore(%run_scoped3A : memref<!tpu.dma_semaphore, #tpu.memory_space<semaphore_mem>>)
      %dma_wait3A = arith.constant 0 : i32
      %dma_wait3A_56 = tpu.memref_slice %arg12[%add3A_20, %dma_wait3A] : memref<10240x128xf32, #tpu.memory_space<vmem_shared>> -> memref<80x128xf32, #tpu.memory_space<vmem_shared>>
      %dma_wait3A_57 = arith.constant 0 : i32
      %dma_wait3A_58 = tpu.memref_slice %arg12[%add3A_20, %dma_wait3A_57] : memref<10240x128xf32, #tpu.memory_space<vmem_shared>> -> memref<80x128xf32, #tpu.memory_space<vmem_shared>>
      tpu.wait_dma2 semaphore(%run_scoped3A : memref<!tpu.dma_semaphore, #tpu.memory_space<semaphore_mem>>) src(%arg8 : memref<80x128xf32, #tpu.memory_space<vmem>>) dst(%dma_wait3A_58 : memref<80x128xf32, #tpu.memory_space<vmem_shared>>)
      tpu.yield
    }) : () -> ()
    %mul3A_21 = arith.constant 640 : i32
    %mul3A_22 = arith.muli %arg1, %mul3A_21 : i32
    %add3A_23 = arith.constant 240 : i32
    %add3A_24 = arith.addi %mul3A_22, %add3A_23 : i32
    "tpu.region"() ({
      %run_scoped3A = tpu.sem_alloc : memref<!tpu.dma_semaphore, #tpu.memory_space<semaphore_mem>>
      %dma_start3A = arith.constant 0 : i32
      %dma_start3A_53 = tpu.memref_slice %arg12[%add3A_24, %dma_start3A] : memref<10240x128xf32, #tpu.memory_space<vmem_shared>> -> memref<80x128xf32, #tpu.memory_space<vmem_shared>>
      %dma_start3A_54 = arith.constant 0 : i32
      %dma_start3A_55 = tpu.memref_slice %arg12[%add3A_24, %dma_start3A_54] : memref<10240x128xf32, #tpu.memory_space<vmem_shared>> -> memref<80x128xf32, #tpu.memory_space<vmem_shared>>
      tpu.enqueue_dma source(%arg8 : memref<80x128xf32, #tpu.memory_space<vmem>>) target(%dma_start3A_55 : memref<80x128xf32, #tpu.memory_space<vmem_shared>>) target_semaphore(%run_scoped3A : memref<!tpu.dma_semaphore, #tpu.memory_space<semaphore_mem>>)
      %dma_wait3A = arith.constant 0 : i32
      %dma_wait3A_56 = tpu.memref_slice %arg12[%add3A_24, %dma_wait3A] : memref<10240x128xf32, #tpu.memory_space<vmem_shared>> -> memref<80x128xf32, #tpu.memory_space<vmem_shared>>
      %dma_wait3A_57 = arith.constant 0 : i32
      %dma_wait3A_58 = tpu.memref_slice %arg12[%add3A_24, %dma_wait3A_57] : memref<10240x128xf32, #tpu.memory_space<vmem_shared>> -> memref<80x128xf32, #tpu.memory_space<vmem_shared>>
      tpu.wait_dma2 semaphore(%run_scoped3A : memref<!tpu.dma_semaphore, #tpu.memory_space<semaphore_mem>>) src(%arg8 : memref<80x128xf32, #tpu.memory_space<vmem>>) dst(%dma_wait3A_58 : memref<80x128xf32, #tpu.memory_space<vmem_shared>>)
      tpu.yield
    }) : () -> ()
    %mul3A_25 = arith.constant 640 : i32
    %mul3A_26 = arith.muli %arg1, %mul3A_25 : i32
    %add3A_27 = arith.constant 320 : i32
    %add3A_28 = arith.addi %mul3A_26, %add3A_27 : i32
    "tpu.region"() ({
      %run_scoped3A = tpu.sem_alloc : memref<!tpu.dma_semaphore, #tpu.memory_space<semaphore_mem>>
      %dma_start3A = arith.constant 0 : i32
      %dma_start3A_53 = tpu.memref_slice %arg12[%add3A_28, %dma_start3A] : memref<10240x128xf32, #tpu.memory_space<vmem_shared>> -> memref<80x128xf32, #tpu.memory_space<vmem_shared>>
      %dma_start3A_54 = arith.constant 0 : i32
      %dma_start3A_55 = tpu.memref_slice %arg12[%add3A_28, %dma_start3A_54] : memref<10240x128xf32, #tpu.memory_space<vmem_shared>> -> memref<80x128xf32, #tpu.memory_space<vmem_shared>>
      tpu.enqueue_dma source(%arg8 : memref<80x128xf32, #tpu.memory_space<vmem>>) target(%dma_start3A_55 : memref<80x128xf32, #tpu.memory_space<vmem_shared>>) target_semaphore(%run_scoped3A : memref<!tpu.dma_semaphore, #tpu.memory_space<semaphore_mem>>)
      %dma_wait3A = arith.constant 0 : i32
      %dma_wait3A_56 = tpu.memref_slice %arg12[%add3A_28, %dma_wait3A] : memref<10240x128xf32, #tpu.memory_space<vmem_shared>> -> memref<80x128xf32, #tpu.memory_space<vmem_shared>>
      %dma_wait3A_57 = arith.constant 0 : i32
      %dma_wait3A_58 = tpu.memref_slice %arg12[%add3A_28, %dma_wait3A_57] : memref<10240x128xf32, #tpu.memory_space<vmem_shared>> -> memref<80x128xf32, #tpu.memory_space<vmem_shared>>
      tpu.wait_dma2 semaphore(%run_scoped3A : memref<!tpu.dma_semaphore, #tpu.memory_space<semaphore_mem>>) src(%arg8 : memref<80x128xf32, #tpu.memory_space<vmem>>) dst(%dma_wait3A_58 : memref<80x128xf32, #tpu.memory_space<vmem_shared>>)
      tpu.yield
    }) : () -> ()
    %mul3A_29 = arith.constant 640 : i32
    %mul3A_30 = arith.muli %arg1, %mul3A_29 : i32
    %add3A_31 = arith.constant 400 : i32
    %add3A_32 = arith.addi %mul3A_30, %add3A_31 : i32
    "tpu.region"() ({
      %run_scoped3A = tpu.sem_alloc : memref<!tpu.dma_semaphore, #tpu.memory_space<semaphore_mem>>
      %dma_start3A = arith.constant 0 : i32
      %dma_start3A_53 = tpu.memref_slice %arg12[%add3A_32, %dma_start3A] : memref<10240x128xf32, #tpu.memory_space<vmem_shared>> -> memref<80x128xf32, #tpu.memory_space<vmem_shared>>
      %dma_start3A_54 = arith.constant 0 : i32
      %dma_start3A_55 = tpu.memref_slice %arg12[%add3A_32, %dma_start3A_54] : memref<10240x128xf32, #tpu.memory_space<vmem_shared>> -> memref<80x128xf32, #tpu.memory_space<vmem_shared>>
      tpu.enqueue_dma source(%arg8 : memref<80x128xf32, #tpu.memory_space<vmem>>) target(%dma_start3A_55 : memref<80x128xf32, #tpu.memory_space<vmem_shared>>) target_semaphore(%run_scoped3A : memref<!tpu.dma_semaphore, #tpu.memory_space<semaphore_mem>>)
      %dma_wait3A = arith.constant 0 : i32
      %dma_wait3A_56 = tpu.memref_slice %arg12[%add3A_32, %dma_wait3A] : memref<10240x128xf32, #tpu.memory_space<vmem_shared>> -> memref<80x128xf32, #tpu.memory_space<vmem_shared>>
      %dma_wait3A_57 = arith.constant 0 : i32
      %dma_wait3A_58 = tpu.memref_slice %arg12[%add3A_32, %dma_wait3A_57] : memref<10240x128xf32, #tpu.memory_space<vmem_shared>> -> memref<80x128xf32, #tpu.memory_space<vmem_shared>>
      tpu.wait_dma2 semaphore(%run_scoped3A : memref<!tpu.dma_semaphore, #tpu.memory_space<semaphore_mem>>) src(%arg8 : memref<80x128xf32, #tpu.memory_space<vmem>>) dst(%dma_wait3A_58 : memref<80x128xf32, #tpu.memory_space<vmem_shared>>)
      tpu.yield
    }) : () -> ()
    %mul3A_33 = arith.constant 640 : i32
    %mul3A_34 = arith.muli %arg1, %mul3A_33 : i32
    %add3A_35 = arith.constant 480 : i32
    %add3A_36 = arith.addi %mul3A_34, %add3A_35 : i32
    "tpu.region"() ({
      %run_scoped3A = tpu.sem_alloc : memref<!tpu.dma_semaphore, #tpu.memory_space<semaphore_mem>>
      %dma_start3A = arith.constant 0 : i32
      %dma_start3A_53 = tpu.memref_slice %arg12[%add3A_36, %dma_start3A] : memref<10240x128xf32, #tpu.memory_space<vmem_shared>> -> memref<80x128xf32, #tpu.memory_space<vmem_shared>>
      %dma_start3A_54 = arith.constant 0 : i32
      %dma_start3A_55 = tpu.memref_slice %arg12[%add3A_36, %dma_start3A_54] : memref<10240x128xf32, #tpu.memory_space<vmem_shared>> -> memref<80x128xf32, #tpu.memory_space<vmem_shared>>
      tpu.enqueue_dma source(%arg8 : memref<80x128xf32, #tpu.memory_space<vmem>>) target(%dma_start3A_55 : memref<80x128xf32, #tpu.memory_space<vmem_shared>>) target_semaphore(%run_scoped3A : memref<!tpu.dma_semaphore, #tpu.memory_space<semaphore_mem>>)
      %dma_wait3A = arith.constant 0 : i32
      %dma_wait3A_56 = tpu.memref_slice %arg12[%add3A_36, %dma_wait3A] : memref<10240x128xf32, #tpu.memory_space<vmem_shared>> -> memref<80x128xf32, #tpu.memory_space<vmem_shared>>
      %dma_wait3A_57 = arith.constant 0 : i32
      %dma_wait3A_58 = tpu.memref_slice %arg12[%add3A_36, %dma_wait3A_57] : memref<10240x128xf32, #tpu.memory_space<vmem_shared>> -> memref<80x128xf32, #tpu.memory_space<vmem_shared>>
      tpu.wait_dma2 semaphore(%run_scoped3A : memref<!tpu.dma_semaphore, #tpu.memory_space<semaphore_mem>>) src(%arg8 : memref<80x128xf32, #tpu.memory_space<vmem>>) dst(%dma_wait3A_58 : memref<80x128xf32, #tpu.memory_space<vmem_shared>>)
      tpu.yield
    }) : () -> ()
    %mul3A_37 = arith.constant 640 : i32
    %mul3A_38 = arith.muli %arg1, %mul3A_37 : i32
    %add3A_39 = arith.constant 560 : i32
    %add3A_40 = arith.addi %mul3A_38, %add3A_39 : i32
    "tpu.region"() ({
      %run_scoped3A = tpu.sem_alloc : memref<!tpu.dma_semaphore, #tpu.memory_space<semaphore_mem>>
      %dma_start3A = arith.constant 0 : i32
      %dma_start3A_53 = tpu.memref_slice %arg12[%add3A_40, %dma_start3A] : memref<10240x128xf32, #tpu.memory_space<vmem_shared>> -> memref<80x128xf32, #tpu.memory_space<vmem_shared>>
      %dma_start3A_54 = arith.constant 0 : i32
      %dma_start3A_55 = tpu.memref_slice %arg12[%add3A_40, %dma_start3A_54] : memref<10240x128xf32, #tpu.memory_space<vmem_shared>> -> memref<80x128xf32, #tpu.memory_space<vmem_shared>>
      tpu.enqueue_dma source(%arg8 : memref<80x128xf32, #tpu.memory_space<vmem>>) target(%dma_start3A_55 : memref<80x128xf32, #tpu.memory_space<vmem_shared>>) target_semaphore(%run_scoped3A : memref<!tpu.dma_semaphore, #tpu.memory_space<semaphore_mem>>)
      %dma_wait3A = arith.constant 0 : i32
      %dma_wait3A_56 = tpu.memref_slice %arg12[%add3A_40, %dma_wait3A] : memref<10240x128xf32, #tpu.memory_space<vmem_shared>> -> memref<80x128xf32, #tpu.memory_space<vmem_shared>>
      %dma_wait3A_57 = arith.constant 0 : i32
      %dma_wait3A_58 = tpu.memref_slice %arg12[%add3A_40, %dma_wait3A_57] : memref<10240x128xf32, #tpu.memory_space<vmem_shared>> -> memref<80x128xf32, #tpu.memory_space<vmem_shared>>
      tpu.wait_dma2 semaphore(%run_scoped3A : memref<!tpu.dma_semaphore, #tpu.memory_space<semaphore_mem>>) src(%arg8 : memref<80x128xf32, #tpu.memory_space<vmem>>) dst(%dma_wait3A_58 : memref<80x128xf32, #tpu.memory_space<vmem_shared>>)
      tpu.yield
    }) : () -> ()
    %barrier3A = arith.constant 0 : index
    tpu.barrier barrier_id(%barrier3A)
    %scan3A_41 = arith.constant 0 : i32
    %scan3A_42 = arith.constant 0 : i32
    %scan3A_43 = arith.constant 4 : i32
    %scan3A_44 = arith.addi %scan3A_42, %scan3A_43 : i32
    %scan3A_45 = arith.constant 1 : i32
    %scan3A_46 = scf.for %scan3A_53 = %scan3A_42 to %scan3A_44 step %scan3A_45 iter_args(%scan3A_54 = %scan3A_41) -> (i32)  : i32 {
      %mul3A_55 = arith.constant 32 : i32
      %mul3A_56 = arith.muli %scan3A_53, %mul3A_55 : i32
      %add3A_57 = arith.addi %mul3A_2, %mul3A_56 : i32
      %multiple_of3A = tpu.assume_multiple %add3A_57, 8 : i32
      "tpu.region"() ({
        %run_scoped3A = tpu.sem_alloc : memref<!tpu.dma_semaphore, #tpu.memory_space<semaphore_mem>>
        %dma_start3A = arith.constant 0 : i32
        %dma_start3A_66 = tpu.memref_slice %arg3[%multiple_of3A, %dma_start3A] : memref<4096x80xi32, #tpu.memory_space<hbm>> -> memref<32x80xi32, #tpu.memory_space<hbm>>
        %dma_start3A_67 = arith.constant 0 : i32
        %dma_start3A_68 = tpu.memref_slice %arg3[%multiple_of3A, %dma_start3A_67] : memref<4096x80xi32, #tpu.memory_space<hbm>> -> memref<32x80xi32, #tpu.memory_space<hbm>>
        tpu.enqueue_dma source(%dma_start3A_68 : memref<32x80xi32, #tpu.memory_space<hbm>>) target(%arg6 : memref<32x80xi32, #tpu.memory_space<vmem>>) target_semaphore(%run_scoped3A : memref<!tpu.dma_semaphore, #tpu.memory_space<semaphore_mem>>)
        %dma_wait3A = arith.constant 0 : i32
        %dma_wait3A_69 = tpu.memref_slice %arg3[%multiple_of3A, %dma_wait3A] : memref<4096x80xi32, #tpu.memory_space<hbm>> -> memref<32x80xi32, #tpu.memory_space<hbm>>
        %dma_wait3A_70 = arith.constant 0 : i32
        %dma_wait3A_71 = tpu.memref_slice %arg3[%multiple_of3A, %dma_wait3A_70] : memref<4096x80xi32, #tpu.memory_space<hbm>> -> memref<32x80xi32, #tpu.memory_space<hbm>>
        tpu.wait_dma2 semaphore(%run_scoped3A : memref<!tpu.dma_semaphore, #tpu.memory_space<semaphore_mem>>) src(%dma_wait3A_71 : memref<32x80xi32, #tpu.memory_space<hbm>>) dst(%arg6 : memref<32x80xi32, #tpu.memory_space<vmem>>)
        tpu.yield
      }) : () -> ()
      "tpu.region"() ({
        %run_scoped3A = tpu.sem_alloc : memref<!tpu.dma_semaphore, #tpu.memory_space<semaphore_mem>>
        %dma_start3A = arith.constant 0 : i32
        %dma_start3A_66 = tpu.memref_slice %arg4[%multiple_of3A, %dma_start3A] : memref<4096x80xi32, #tpu.memory_space<hbm>> -> memref<32x80xi32, #tpu.memory_space<hbm>>
        %dma_start3A_67 = arith.constant 0 : i32
        %dma_start3A_68 = tpu.memref_slice %arg4[%multiple_of3A, %dma_start3A_67] : memref<4096x80xi32, #tpu.memory_space<hbm>> -> memref<32x80xi32, #tpu.memory_space<hbm>>
        tpu.enqueue_dma source(%dma_start3A_68 : memref<32x80xi32, #tpu.memory_space<hbm>>) target(%arg7 : memref<32x80xi32, #tpu.memory_space<vmem>>) target_semaphore(%run_scoped3A : memref<!tpu.dma_semaphore, #tpu.memory_space<semaphore_mem>>)
        %dma_wait3A = arith.constant 0 : i32
        %dma_wait3A_69 = tpu.memref_slice %arg4[%multiple_of3A, %dma_wait3A] : memref<4096x80xi32, #tpu.memory_space<hbm>> -> memref<32x80xi32, #tpu.memory_space<hbm>>
        %dma_wait3A_70 = arith.constant 0 : i32
        %dma_wait3A_71 = tpu.memref_slice %arg4[%multiple_of3A, %dma_wait3A_70] : memref<4096x80xi32, #tpu.memory_space<hbm>> -> memref<32x80xi32, #tpu.memory_space<hbm>>
        tpu.wait_dma2 semaphore(%run_scoped3A : memref<!tpu.dma_semaphore, #tpu.memory_space<semaphore_mem>>) src(%dma_wait3A_71 : memref<32x80xi32, #tpu.memory_space<hbm>>) dst(%arg7 : memref<32x80xi32, #tpu.memory_space<vmem>>)
        tpu.yield
      }) : () -> ()
      %scan3A_58 = arith.constant 0 : i32
      %scan3A_59 = arith.constant 0 : i32
      %scan3A_60 = arith.constant 8 : i32
      %scan3A_61 = arith.addi %scan3A_59, %scan3A_60 : i32
      %scan3A_62 = arith.constant 1 : i32
      %scan3A_63 = scf.for %scan3A_66 = %scan3A_59 to %scan3A_61 step %scan3A_62 iter_args(%scan3A_67 = %scan3A_58) -> (i32)  : i32 {
        %mul3A_68 = arith.constant 4 : i32
        %mul3A_69 = arith.muli %mul3A_68, %scan3A_66 : i32
        %add3A_70 = arith.constant 0 : i32
        %add3A_71 = arith.addi %mul3A_69, %add3A_70 : i32
        %dma_start3A = arith.constant 0 : i32
        %dma_start3A_72 = tpu.memref_slice %arg6[%add3A_71, %dma_start3A] : memref<32x80xi32, #tpu.memory_space<vmem>> -> memref<1x80xi32, #tpu.memory_space<vmem>>
        %dma_start3A_73 = tpu.memref_squeeze %dma_start3A_72 : memref<1x80xi32, #tpu.memory_space<vmem>> -> memref<80xi32, #tpu.memory_space<vmem>>
        %dma_start3A_74 = arith.constant 0 : i32
        %dma_start3A_75 = arith.constant 0 : i32
        %dma_start3A_76 = tpu.memref_slice %arg2[%dma_start3A_74, %dma_start3A_75] : memref<10000x128xf32, #tpu.memory_space<hbm>> -> memref<10000x128xf32, #tpu.memory_space<hbm>>
        tpu.enqueue_indirect_dma source(%dma_start3A_76 : memref<10000x128xf32, #tpu.memory_space<hbm>>) target(%arg8 : memref<80x128xf32, #tpu.memory_space<vmem>>) offsets(%dma_start3A_73 : memref<80xi32, #tpu.memory_space<vmem>>) semaphore(%arg13 : memref<!tpu.dma_semaphore, #tpu.memory_space<semaphore_mem>>)
        %mul3A_77 = arith.constant 4 : i32
        %mul3A_78 = arith.muli %mul3A_77, %scan3A_66 : i32
        %add3A_79 = arith.constant 1 : i32
        %add3A_80 = arith.addi %mul3A_78, %add3A_79 : i32
        %dma_start3A_81 = arith.constant 0 : i32
        %dma_start3A_82 = tpu.memref_slice %arg6[%add3A_80, %dma_start3A_81] : memref<32x80xi32, #tpu.memory_space<vmem>> -> memref<1x80xi32, #tpu.memory_space<vmem>>
        %dma_start3A_83 = tpu.memref_squeeze %dma_start3A_82 : memref<1x80xi32, #tpu.memory_space<vmem>> -> memref<80xi32, #tpu.memory_space<vmem>>
        %dma_start3A_84 = arith.constant 0 : i32
        %dma_start3A_85 = arith.constant 0 : i32
        %dma_start3A_86 = tpu.memref_slice %arg2[%dma_start3A_84, %dma_start3A_85] : memref<10000x128xf32, #tpu.memory_space<hbm>> -> memref<10000x128xf32, #tpu.memory_space<hbm>>
        tpu.enqueue_indirect_dma source(%dma_start3A_86 : memref<10000x128xf32, #tpu.memory_space<hbm>>) target(%arg9 : memref<80x128xf32, #tpu.memory_space<vmem>>) offsets(%dma_start3A_83 : memref<80xi32, #tpu.memory_space<vmem>>) semaphore(%arg13 : memref<!tpu.dma_semaphore, #tpu.memory_space<semaphore_mem>>)
        %mul3A_87 = arith.constant 4 : i32
        %mul3A_88 = arith.muli %mul3A_87, %scan3A_66 : i32
        %add3A_89 = arith.constant 2 : i32
        %add3A_90 = arith.addi %mul3A_88, %add3A_89 : i32
        %dma_start3A_91 = arith.constant 0 : i32
        %dma_start3A_92 = tpu.memref_slice %arg6[%add3A_90, %dma_start3A_91] : memref<32x80xi32, #tpu.memory_space<vmem>> -> memref<1x80xi32, #tpu.memory_space<vmem>>
        %dma_start3A_93 = tpu.memref_squeeze %dma_start3A_92 : memref<1x80xi32, #tpu.memory_space<vmem>> -> memref<80xi32, #tpu.memory_space<vmem>>
        %dma_start3A_94 = arith.constant 0 : i32
        %dma_start3A_95 = arith.constant 0 : i32
        %dma_start3A_96 = tpu.memref_slice %arg2[%dma_start3A_94, %dma_start3A_95] : memref<10000x128xf32, #tpu.memory_space<hbm>> -> memref<10000x128xf32, #tpu.memory_space<hbm>>
        tpu.enqueue_indirect_dma source(%dma_start3A_96 : memref<10000x128xf32, #tpu.memory_space<hbm>>) target(%arg10 : memref<80x128xf32, #tpu.memory_space<vmem>>) offsets(%dma_start3A_93 : memref<80xi32, #tpu.memory_space<vmem>>) semaphore(%arg13 : memref<!tpu.dma_semaphore, #tpu.memory_space<semaphore_mem>>)
        %mul3A_97 = arith.constant 4 : i32
        %mul3A_98 = arith.muli %mul3A_97, %scan3A_66 : i32
        %add3A_99 = arith.constant 3 : i32
        %add3A_100 = arith.addi %mul3A_98, %add3A_99 : i32
        %dma_start3A_101 = arith.constant 0 : i32
        %dma_start3A_102 = tpu.memref_slice %arg6[%add3A_100, %dma_start3A_101] : memref<32x80xi32, #tpu.memory_space<vmem>> -> memref<1x80xi32, #tpu.memory_space<vmem>>
        %dma_start3A_103 = tpu.memref_squeeze %dma_start3A_102 : memref<1x80xi32, #tpu.memory_space<vmem>> -> memref<80xi32, #tpu.memory_space<vmem>>
        %dma_start3A_104 = arith.constant 0 : i32
        %dma_start3A_105 = arith.constant 0 : i32
        %dma_start3A_106 = tpu.memref_slice %arg2[%dma_start3A_104, %dma_start3A_105] : memref<10000x128xf32, #tpu.memory_space<hbm>> -> memref<10000x128xf32, #tpu.memory_space<hbm>>
        tpu.enqueue_indirect_dma source(%dma_start3A_106 : memref<10000x128xf32, #tpu.memory_space<hbm>>) target(%arg11 : memref<80x128xf32, #tpu.memory_space<vmem>>) offsets(%dma_start3A_103 : memref<80xi32, #tpu.memory_space<vmem>>) semaphore(%arg13 : memref<!tpu.dma_semaphore, #tpu.memory_space<semaphore_mem>>)
        %dma_wait3A = arith.constant 0 : i32
        %dma_wait3A_107 = tpu.memref_slice %arg6[%add3A_71, %dma_wait3A] : memref<32x80xi32, #tpu.memory_space<vmem>> -> memref<1x80xi32, #tpu.memory_space<vmem>>
        %dma_wait3A_108 = tpu.memref_squeeze %dma_wait3A_107 : memref<1x80xi32, #tpu.memory_space<vmem>> -> memref<80xi32, #tpu.memory_space<vmem>>
        %dma_wait3A_109 = arith.constant 0 : i32
        %dma_wait3A_110 = arith.constant 0 : i32
        %dma_wait3A_111 = tpu.memref_slice %arg2[%dma_wait3A_109, %dma_wait3A_110] : memref<10000x128xf32, #tpu.memory_space<hbm>> -> memref<10000x128xf32, #tpu.memory_space<hbm>>
        tpu.wait_indirect_dma semaphore(%arg13 : memref<!tpu.dma_semaphore, #tpu.memory_space<semaphore_mem>>) src(%dma_wait3A_111 : memref<10000x128xf32, #tpu.memory_space<hbm>>) dst(%arg8 : memref<80x128xf32, #tpu.memory_space<vmem>>)
        %mul3A_112 = arith.constant 4 : i32
        %mul3A_113 = arith.muli %mul3A_112, %scan3A_66 : i32
        %add3A_114 = arith.constant 0 : i32
        %add3A_115 = arith.addi %mul3A_113, %add3A_114 : i32
        %dma_start3A_116 = arith.constant 0 : i32
        %dma_start3A_117 = tpu.memref_slice %arg7[%add3A_115, %dma_start3A_116] : memref<32x80xi32, #tpu.memory_space<vmem>> -> memref<1x80xi32, #tpu.memory_space<vmem>>
        %dma_start3A_118 = tpu.memref_squeeze %dma_start3A_117 : memref<1x80xi32, #tpu.memory_space<vmem>> -> memref<80xi32, #tpu.memory_space<vmem>>
        %dma_start3A_119 = arith.constant 0 : i32
        %dma_start3A_120 = arith.constant 0 : i32
        %dma_start3A_121 = tpu.memref_slice %arg12[%dma_start3A_119, %dma_start3A_120] : memref<10240x128xf32, #tpu.memory_space<vmem_shared>> -> memref<10240x128xf32, #tpu.memory_space<vmem_shared>>
        tpu.enqueue_indirect_dma source(%arg8 : memref<80x128xf32, #tpu.memory_space<vmem>>) target(%dma_start3A_121 : memref<10240x128xf32, #tpu.memory_space<vmem_shared>>) offsets(%dma_start3A_118 : memref<80xi32, #tpu.memory_space<vmem>>) semaphore(%arg14 : memref<!tpu.dma_semaphore, #tpu.memory_space<semaphore_mem>>) {add = true}
        %dma_wait3A_122 = arith.constant 0 : i32
        %dma_wait3A_123 = tpu.memref_slice %arg6[%add3A_80, %dma_wait3A_122] : memref<32x80xi32, #tpu.memory_space<vmem>> -> memref<1x80xi32, #tpu.memory_space<vmem>>
        %dma_wait3A_124 = tpu.memref_squeeze %dma_wait3A_123 : memref<1x80xi32, #tpu.memory_space<vmem>> -> memref<80xi32, #tpu.memory_space<vmem>>
        %dma_wait3A_125 = arith.constant 0 : i32
        %dma_wait3A_126 = arith.constant 0 : i32
        %dma_wait3A_127 = tpu.memref_slice %arg2[%dma_wait3A_125, %dma_wait3A_126] : memref<10000x128xf32, #tpu.memory_space<hbm>> -> memref<10000x128xf32, #tpu.memory_space<hbm>>
        tpu.wait_indirect_dma semaphore(%arg13 : memref<!tpu.dma_semaphore, #tpu.memory_space<semaphore_mem>>) src(%dma_wait3A_127 : memref<10000x128xf32, #tpu.memory_space<hbm>>) dst(%arg9 : memref<80x128xf32, #tpu.memory_space<vmem>>)
        %mul3A_128 = arith.constant 4 : i32
        %mul3A_129 = arith.muli %mul3A_128, %scan3A_66 : i32
        %add3A_130 = arith.constant 1 : i32
        %add3A_131 = arith.addi %mul3A_129, %add3A_130 : i32
        %dma_start3A_132 = arith.constant 0 : i32
        %dma_start3A_133 = tpu.memref_slice %arg7[%add3A_131, %dma_start3A_132] : memref<32x80xi32, #tpu.memory_space<vmem>> -> memref<1x80xi32, #tpu.memory_space<vmem>>
        %dma_start3A_134 = tpu.memref_squeeze %dma_start3A_133 : memref<1x80xi32, #tpu.memory_space<vmem>> -> memref<80xi32, #tpu.memory_space<vmem>>
        %dma_start3A_135 = arith.constant 0 : i32
        %dma_start3A_136 = arith.constant 0 : i32
        %dma_start3A_137 = tpu.memref_slice %arg12[%dma_start3A_135, %dma_start3A_136] : memref<10240x128xf32, #tpu.memory_space<vmem_shared>> -> memref<10240x128xf32, #tpu.memory_space<vmem_shared>>
        tpu.enqueue_indirect_dma source(%arg9 : memref<80x128xf32, #tpu.memory_space<vmem>>) target(%dma_start3A_137 : memref<10240x128xf32, #tpu.memory_space<vmem_shared>>) offsets(%dma_start3A_134 : memref<80xi32, #tpu.memory_space<vmem>>) semaphore(%arg14 : memref<!tpu.dma_semaphore, #tpu.memory_space<semaphore_mem>>) {add = true}
        %dma_wait3A_138 = arith.constant 0 : i32
        %dma_wait3A_139 = tpu.memref_slice %arg6[%add3A_90, %dma_wait3A_138] : memref<32x80xi32, #tpu.memory_space<vmem>> -> memref<1x80xi32, #tpu.memory_space<vmem>>
        %dma_wait3A_140 = tpu.memref_squeeze %dma_wait3A_139 : memref<1x80xi32, #tpu.memory_space<vmem>> -> memref<80xi32, #tpu.memory_space<vmem>>
        %dma_wait3A_141 = arith.constant 0 : i32
        %dma_wait3A_142 = arith.constant 0 : i32
        %dma_wait3A_143 = tpu.memref_slice %arg2[%dma_wait3A_141, %dma_wait3A_142] : memref<10000x128xf32, #tpu.memory_space<hbm>> -> memref<10000x128xf32, #tpu.memory_space<hbm>>
        tpu.wait_indirect_dma semaphore(%arg13 : memref<!tpu.dma_semaphore, #tpu.memory_space<semaphore_mem>>) src(%dma_wait3A_143 : memref<10000x128xf32, #tpu.memory_space<hbm>>) dst(%arg10 : memref<80x128xf32, #tpu.memory_space<vmem>>)
        %mul3A_144 = arith.constant 4 : i32
        %mul3A_145 = arith.muli %mul3A_144, %scan3A_66 : i32
        %add3A_146 = arith.constant 2 : i32
        %add3A_147 = arith.addi %mul3A_145, %add3A_146 : i32
        %dma_start3A_148 = arith.constant 0 : i32
        %dma_start3A_149 = tpu.memref_slice %arg7[%add3A_147, %dma_start3A_148] : memref<32x80xi32, #tpu.memory_space<vmem>> -> memref<1x80xi32, #tpu.memory_space<vmem>>
        %dma_start3A_150 = tpu.memref_squeeze %dma_start3A_149 : memref<1x80xi32, #tpu.memory_space<vmem>> -> memref<80xi32, #tpu.memory_space<vmem>>
        %dma_start3A_151 = arith.constant 0 : i32
        %dma_start3A_152 = arith.constant 0 : i32
        %dma_start3A_153 = tpu.memref_slice %arg12[%dma_start3A_151, %dma_start3A_152] : memref<10240x128xf32, #tpu.memory_space<vmem_shared>> -> memref<10240x128xf32, #tpu.memory_space<vmem_shared>>
        tpu.enqueue_indirect_dma source(%arg10 : memref<80x128xf32, #tpu.memory_space<vmem>>) target(%dma_start3A_153 : memref<10240x128xf32, #tpu.memory_space<vmem_shared>>) offsets(%dma_start3A_150 : memref<80xi32, #tpu.memory_space<vmem>>) semaphore(%arg14 : memref<!tpu.dma_semaphore, #tpu.memory_space<semaphore_mem>>) {add = true}
        %dma_wait3A_154 = arith.constant 0 : i32
        %dma_wait3A_155 = tpu.memref_slice %arg6[%add3A_100, %dma_wait3A_154] : memref<32x80xi32, #tpu.memory_space<vmem>> -> memref<1x80xi32, #tpu.memory_space<vmem>>
        %dma_wait3A_156 = tpu.memref_squeeze %dma_wait3A_155 : memref<1x80xi32, #tpu.memory_space<vmem>> -> memref<80xi32, #tpu.memory_space<vmem>>
        %dma_wait3A_157 = arith.constant 0 : i32
        %dma_wait3A_158 = arith.constant 0 : i32
        %dma_wait3A_159 = tpu.memref_slice %arg2[%dma_wait3A_157, %dma_wait3A_158] : memref<10000x128xf32, #tpu.memory_space<hbm>> -> memref<10000x128xf32, #tpu.memory_space<hbm>>
        tpu.wait_indirect_dma semaphore(%arg13 : memref<!tpu.dma_semaphore, #tpu.memory_space<semaphore_mem>>) src(%dma_wait3A_159 : memref<10000x128xf32, #tpu.memory_space<hbm>>) dst(%arg11 : memref<80x128xf32, #tpu.memory_space<vmem>>)
        %mul3A_160 = arith.constant 4 : i32
        %mul3A_161 = arith.muli %mul3A_160, %scan3A_66 : i32
        %add3A_162 = arith.constant 3 : i32
        %add3A_163 = arith.addi %mul3A_161, %add3A_162 : i32
        %dma_start3A_164 = arith.constant 0 : i32
        %dma_start3A_165 = tpu.memref_slice %arg7[%add3A_163, %dma_start3A_164] : memref<32x80xi32, #tpu.memory_space<vmem>> -> memref<1x80xi32, #tpu.memory_space<vmem>>
        %dma_start3A_166 = tpu.memref_squeeze %dma_start3A_165 : memref<1x80xi32, #tpu.memory_space<vmem>> -> memref<80xi32, #tpu.memory_space<vmem>>
        %dma_start3A_167 = arith.constant 0 : i32
        %dma_start3A_168 = arith.constant 0 : i32
        %dma_start3A_169 = tpu.memref_slice %arg12[%dma_start3A_167, %dma_start3A_168] : memref<10240x128xf32, #tpu.memory_space<vmem_shared>> -> memref<10240x128xf32, #tpu.memory_space<vmem_shared>>
        tpu.enqueue_indirect_dma source(%arg11 : memref<80x128xf32, #tpu.memory_space<vmem>>) target(%dma_start3A_169 : memref<10240x128xf32, #tpu.memory_space<vmem_shared>>) offsets(%dma_start3A_166 : memref<80xi32, #tpu.memory_space<vmem>>) semaphore(%arg14 : memref<!tpu.dma_semaphore, #tpu.memory_space<semaphore_mem>>) {add = true}
        %dma_wait3A_170 = arith.constant 0 : i32
        %dma_wait3A_171 = tpu.memref_slice %arg7[%add3A_115, %dma_wait3A_170] : memref<32x80xi32, #tpu.memory_space<vmem>> -> memref<1x80xi32, #tpu.memory_space<vmem>>
        %dma_wait3A_172 = tpu.memref_squeeze %dma_wait3A_171 : memref<1x80xi32, #tpu.memory_space<vmem>> -> memref<80xi32, #tpu.memory_space<vmem>>
        %dma_wait3A_173 = arith.constant 0 : i32
        %dma_wait3A_174 = arith.constant 0 : i32
        %dma_wait3A_175 = tpu.memref_slice %arg12[%dma_wait3A_173, %dma_wait3A_174] : memref<10240x128xf32, #tpu.memory_space<vmem_shared>> -> memref<10240x128xf32, #tpu.memory_space<vmem_shared>>
        tpu.wait_indirect_dma semaphore(%arg14 : memref<!tpu.dma_semaphore, #tpu.memory_space<semaphore_mem>>) src(%arg8 : memref<80x128xf32, #tpu.memory_space<vmem>>) dst(%dma_wait3A_175 : memref<10240x128xf32, #tpu.memory_space<vmem_shared>>)
        %dma_wait3A_176 = arith.constant 0 : i32
        %dma_wait3A_177 = tpu.memref_slice %arg7[%add3A_131, %dma_wait3A_176] : memref<32x80xi32, #tpu.memory_space<vmem>> -> memref<1x80xi32, #tpu.memory_space<vmem>>
        %dma_wait3A_178 = tpu.memref_squeeze %dma_wait3A_177 : memref<1x80xi32, #tpu.memory_space<vmem>> -> memref<80xi32, #tpu.memory_space<vmem>>
        %dma_wait3A_179 = arith.constant 0 : i32
        %dma_wait3A_180 = arith.constant 0 : i32
        %dma_wait3A_181 = tpu.memref_slice %arg12[%dma_wait3A_179, %dma_wait3A_180] : memref<10240x128xf32, #tpu.memory_space<vmem_shared>> -> memref<10240x128xf32, #tpu.memory_space<vmem_shared>>
        tpu.wait_indirect_dma semaphore(%arg14 : memref<!tpu.dma_semaphore, #tpu.memory_space<semaphore_mem>>) src(%arg9 : memref<80x128xf32, #tpu.memory_space<vmem>>) dst(%dma_wait3A_181 : memref<10240x128xf32, #tpu.memory_space<vmem_shared>>)
        %dma_wait3A_182 = arith.constant 0 : i32
        %dma_wait3A_183 = tpu.memref_slice %arg7[%add3A_147, %dma_wait3A_182] : memref<32x80xi32, #tpu.memory_space<vmem>> -> memref<1x80xi32, #tpu.memory_space<vmem>>
        %dma_wait3A_184 = tpu.memref_squeeze %dma_wait3A_183 : memref<1x80xi32, #tpu.memory_space<vmem>> -> memref<80xi32, #tpu.memory_space<vmem>>
        %dma_wait3A_185 = arith.constant 0 : i32
        %dma_wait3A_186 = arith.constant 0 : i32
        %dma_wait3A_187 = tpu.memref_slice %arg12[%dma_wait3A_185, %dma_wait3A_186] : memref<10240x128xf32, #tpu.memory_space<vmem_shared>> -> memref<10240x128xf32, #tpu.memory_space<vmem_shared>>
        tpu.wait_indirect_dma semaphore(%arg14 : memref<!tpu.dma_semaphore, #tpu.memory_space<semaphore_mem>>) src(%arg10 : memref<80x128xf32, #tpu.memory_space<vmem>>) dst(%dma_wait3A_187 : memref<10240x128xf32, #tpu.memory_space<vmem_shared>>)
        %dma_wait3A_188 = arith.constant 0 : i32
        %dma_wait3A_189 = tpu.memref_slice %arg7[%add3A_163, %dma_wait3A_188] : memref<32x80xi32, #tpu.memory_space<vmem>> -> memref<1x80xi32, #tpu.memory_space<vmem>>
        %dma_wait3A_190 = tpu.memref_squeeze %dma_wait3A_189 : memref<1x80xi32, #tpu.memory_space<vmem>> -> memref<80xi32, #tpu.memory_space<vmem>>
        %dma_wait3A_191 = arith.constant 0 : i32
        %dma_wait3A_192 = arith.constant 0 : i32
        %dma_wait3A_193 = tpu.memref_slice %arg12[%dma_wait3A_191, %dma_wait3A_192] : memref<10240x128xf32, #tpu.memory_space<vmem_shared>> -> memref<10240x128xf32, #tpu.memory_space<vmem_shared>>
        tpu.wait_indirect_dma semaphore(%arg14 : memref<!tpu.dma_semaphore, #tpu.memory_space<semaphore_mem>>) src(%arg11 : memref<80x128xf32, #tpu.memory_space<vmem>>) dst(%dma_wait3A_193 : memref<10240x128xf32, #tpu.memory_space<vmem_shared>>)
        %scan3A_194 = arith.constant 0 : i32
        scf.yield %scan3A_194 : i32
      }
      %scan3A_64 = arith.constant 8 : i32
      %scan3A_65 = arith.constant 0 : i32
      scf.yield %scan3A_65 : i32
    }
    %scan3A_47 = arith.constant 4 : i32
    %barrier3A_48 = arith.constant 0 : index
    tpu.barrier barrier_id(%barrier3A_48)
    %mul3A_49 = arith.constant 640 : i32
    %mul3A_50 = arith.muli %arg1, %mul3A_49 : i32
    %mul3A_51 = arith.constant 640 : i32
    %mul3A_52 = arith.muli %arg1, %mul3A_51 : i32
    "tpu.region"() ({
      %run_scoped3A = tpu.sem_alloc : memref<!tpu.dma_semaphore, #tpu.memory_space<semaphore_mem>>
      %dma_start3A = arith.constant 0 : i32
      %dma_start3A_53 = tpu.memref_slice %arg5[%arg0, %mul3A_52, %dma_start3A] : memref<2x10240x128xf32, #tpu.memory_space<hbm>> -> memref<1x640x128xf32, #tpu.memory_space<hbm>>
      %dma_start3A_54 = tpu.memref_squeeze %dma_start3A_53 : memref<1x640x128xf32, #tpu.memory_space<hbm>> -> memref<640x128xf32, #tpu.memory_space<hbm>>
      %dma_start3A_55 = arith.constant 0 : i32
      %dma_start3A_56 = tpu.memref_slice %arg12[%mul3A_50, %dma_start3A_55] : memref<10240x128xf32, #tpu.memory_space<vmem_shared>> -> memref<640x128xf32, #tpu.memory_space<vmem_shared>>
      tpu.enqueue_dma source(%dma_start3A_56 : memref<640x128xf32, #tpu.memory_space<vmem_shared>>) target(%dma_start3A_54 : memref<640x128xf32, #tpu.memory_space<hbm>>) target_semaphore(%run_scoped3A : memref<!tpu.dma_semaphore, #tpu.memory_space<semaphore_mem>>)
      %dma_wait3A = arith.constant 0 : i32
      %dma_wait3A_57 = tpu.memref_slice %arg5[%arg0, %mul3A_52, %dma_wait3A] : memref<2x10240x128xf32, #tpu.memory_space<hbm>> -> memref<1x640x128xf32, #tpu.memory_space<hbm>>
      %dma_wait3A_58 = tpu.memref_squeeze %dma_wait3A_57 : memref<1x640x128xf32, #tpu.memory_space<hbm>> -> memref<640x128xf32, #tpu.memory_space<hbm>>
      %dma_wait3A_59 = arith.constant 0 : i32
      %dma_wait3A_60 = tpu.memref_slice %arg12[%mul3A_50, %dma_wait3A_59] : memref<10240x128xf32, #tpu.memory_space<vmem_shared>> -> memref<640x128xf32, #tpu.memory_space<vmem_shared>>
      tpu.wait_dma2 semaphore(%run_scoped3A : memref<!tpu.dma_semaphore, #tpu.memory_space<semaphore_mem>>) src(%dma_wait3A_60 : memref<640x128xf32, #tpu.memory_space<vmem_shared>>) dst(%dma_wait3A_58 : memref<640x128xf32, #tpu.memory_space<hbm>>)
      tpu.yield
    }) : () -> ()
    return
  }
}

module attributes {stable_mosaic.version = 14 : i64} {
  func.func @_mlp0_body(%arg0: i32, %arg1: memref<1x1x400xi32, #tpu.memory_space<vmem>>, %arg2: memref<2x400x128xf32, #tpu.memory_space<vmem>>, %arg3: memref<128x128xf32, #tpu.memory_space<vmem>>, %arg4: memref<128x128xf32, #tpu.memory_space<vmem>>, %arg5: memref<1x128xf32, #tpu.memory_space<vmem>>, %arg6: memref<128x128xf32, #tpu.memory_space<vmem>>, %arg7: memref<1x128xf32, #tpu.memory_space<vmem>>, %arg8: memref<400x128xf32, #tpu.memory_space<vmem>>) attributes {dimension_semantics = [#tpu.dimension_semantics<arbitrary>], iteration_bounds = array<i64: 25>, scalar_prefetch = 0 : i64, scratch_operands = 0 : i64, tpu.core_type = #tpu.core_type<tc>, window_params = [{transform_indices = @transform_0, window_bounds = array<i64: 1, 1, 400>}, {transform_indices = @transform_1, window_bounds = array<i64: 2, 400, 128>}, {pipeline_mode = #tpu.pipeline_mode<synchronous>, transform_indices = @transform_2, window_bounds = array<i64: 128, 128>}, {pipeline_mode = #tpu.pipeline_mode<synchronous>, transform_indices = @transform_3, window_bounds = array<i64: 128, 128>}, {pipeline_mode = #tpu.pipeline_mode<synchronous>, transform_indices = @transform_4, window_bounds = array<i64: 1, 128>}, {pipeline_mode = #tpu.pipeline_mode<synchronous>, transform_indices = @transform_5, window_bounds = array<i64: 128, 128>}, {pipeline_mode = #tpu.pipeline_mode<synchronous>, transform_indices = @transform_6, window_bounds = array<i64: 1, 128>}, {transform_indices = @transform_7, window_bounds = array<i64: 400, 128>}]} {
    %get3A = arith.constant 0 : index
    %get3A_0 = arith.constant 0 : index
    %get3A_1 = arith.constant 0 : index
    %get3A_2 = vector.load %arg1[%get3A, %get3A_0, %get3A_1] : memref<1x1x400xi32, #tpu.memory_space<vmem>>, vector<1x1x400xi32>
    %get3A_3 = vector.shape_cast %get3A_2 : vector<1x1x400xi32> to vector<400xi32>
    %iota3A = tpu.iota {dimensions = array<i32: 1>} : vector<400x128xi32>
    %broadcast_in_dim3A = vector.shape_cast %get3A_3 : vector<400xi32> to vector<400x1xi32>
    %eq3A = vector.broadcast %broadcast_in_dim3A : vector<400x1xi32> to vector<400x128xi32>
    %eq3A_4 = arith.cmpi eq, %eq3A, %iota3A : vector<400x128xi32>
    %convert_element_type3A = arith.extui %eq3A_4 : vector<400x128xi1> to vector<400x128xi32>
    %convert_element_type3A_5 = arith.sitofp %convert_element_type3A : vector<400x128xi32> to vector<400x128xf32>
    %get3A_6 = arith.constant 0 : index
    %get3A_7 = arith.constant 0 : index
    %get3A_8 = arith.constant 0 : index
    %get3A_9 = vector.load %arg2[%get3A_6, %get3A_7, %get3A_8] : memref<2x400x128xf32, #tpu.memory_space<vmem>>, vector<1x400x128xf32>
    %get3A_10 = vector.shape_cast %get3A_9 : vector<1x400x128xf32> to vector<400x128xf32>
    %add3A = arith.addf %convert_element_type3A_5, %get3A_10 : vector<400x128xf32>
    %get3A_11 = arith.constant 1 : index
    %get3A_12 = arith.constant 0 : index
    %get3A_13 = arith.constant 0 : index
    %get3A_14 = vector.load %arg2[%get3A_11, %get3A_12, %get3A_13] : memref<2x400x128xf32, #tpu.memory_space<vmem>>, vector<1x400x128xf32>
    %get3A_15 = vector.shape_cast %get3A_14 : vector<1x400x128xf32> to vector<400x128xf32>
    %add3A_16 = arith.addf %add3A, %get3A_15 : vector<400x128xf32>
    %get3A_17 = arith.constant 0 : index
    %get3A_18 = arith.constant 0 : index
    %get3A_19 = vector.load %arg3[%get3A_17, %get3A_18] : memref<128x128xf32, #tpu.memory_space<vmem>>, vector<128x128xf32>
    %dot_general3A = arith.constant dense<0.000000e+00> : vector<400x128xf32>
    %dot_general3A_20 = tpu.matmul %add3A_16, %get3A_19, %dot_general3A {dimension_numbers = #tpu.dot_dimension_numbers<[1], [0], [0], [1], [0, 0, 1, 1], [], []>, transpose_lhs_hint = false} : vector<400x128xf32>, vector<128x128xf32>, vector<400x128xf32> -> vector<400x128xf32>
    %get3A_21 = arith.constant 0 : index
    %get3A_22 = arith.constant 0 : index
    %get3A_23 = vector.load %arg4[%get3A_21, %get3A_22] : memref<128x128xf32, #tpu.memory_space<vmem>>, vector<128x128xf32>
    %dot_general3A_24 = arith.constant dense<0.000000e+00> : vector<400x128xf32>
    %dot_general3A_25 = tpu.matmul %dot_general3A_20, %get3A_23, %dot_general3A_24 {dimension_numbers = #tpu.dot_dimension_numbers<[1], [0], [0], [1], [0, 0, 1, 1], [], []>, transpose_lhs_hint = false} : vector<400x128xf32>, vector<128x128xf32>, vector<400x128xf32> -> vector<400x128xf32>
    %get3A_26 = arith.constant 0 : index
    %get3A_27 = arith.constant 0 : index
    %get3A_28 = vector.load %arg5[%get3A_26, %get3A_27] : memref<1x128xf32, #tpu.memory_space<vmem>>, vector<1x128xf32>
    %add3A_29 = vector.broadcast %get3A_28 : vector<1x128xf32> to vector<400x128xf32>
    %add3A_30 = arith.addf %dot_general3A_25, %add3A_29 : vector<400x128xf32>
    %max3A = arith.constant 0.000000e+00 : f32
    %max3A_31 = vector.broadcast %max3A : f32 to vector<400x128xf32>
    %max3A_32 = arith.maximumf %add3A_30, %max3A_31 : vector<400x128xf32>
    %get3A_33 = arith.constant 0 : index
    %get3A_34 = arith.constant 0 : index
    %get3A_35 = vector.load %arg6[%get3A_33, %get3A_34] : memref<128x128xf32, #tpu.memory_space<vmem>>, vector<128x128xf32>
    %dot_general3A_36 = arith.constant dense<0.000000e+00> : vector<400x128xf32>
    %dot_general3A_37 = tpu.matmul %max3A_32, %get3A_35, %dot_general3A_36 {dimension_numbers = #tpu.dot_dimension_numbers<[1], [0], [0], [1], [0, 0, 1, 1], [], []>, transpose_lhs_hint = false} : vector<400x128xf32>, vector<128x128xf32>, vector<400x128xf32> -> vector<400x128xf32>
    %get3A_38 = arith.constant 0 : index
    %get3A_39 = arith.constant 0 : index
    %get3A_40 = vector.load %arg7[%get3A_38, %get3A_39] : memref<1x128xf32, #tpu.memory_space<vmem>>, vector<1x128xf32>
    %add3A_41 = vector.broadcast %get3A_40 : vector<1x128xf32> to vector<400x128xf32>
    %add3A_42 = arith.addf %dot_general3A_37, %add3A_41 : vector<400x128xf32>
    %max3A_43 = arith.constant 0.000000e+00 : f32
    %max3A_44 = vector.broadcast %max3A_43 : f32 to vector<400x128xf32>
    %max3A_45 = arith.maximumf %add3A_42, %max3A_44 : vector<400x128xf32>
    %swap3A = arith.constant 0 : index
    %swap3A_46 = arith.constant 0 : index
    %swap3A_47 = vector.load %arg8[%swap3A, %swap3A_46] : memref<400x128xf32, #tpu.memory_space<vmem>>, vector<400x128xf32>
    tpu.vector_store %arg8[%swap3A, %swap3A_46], %max3A_45 {strides = array<i32>} : memref<400x128xf32, #tpu.memory_space<vmem>>, vector<400x128xf32>,
    return
  }
  func.func @transform_0(%arg0: i32) -> (i32, i32, i32) {
    %c0_i32 = arith.constant 0 : i32
    %c0_i32_0 = arith.constant 0 : i32
    %c0_i32_1 = arith.constant 0 : i32
    return %arg0, %c0_i32, %c0_i32_0 : i32, i32, i32
  }
  func.func @transform_1(%arg0: i32) -> (i32, i32, i32) {
    %c0_i32 = arith.constant 0 : i32
    %c0_i32_0 = arith.constant 0 : i32
    %c0_i32_1 = arith.constant 0 : i32
    return %c0_i32, %arg0, %c0_i32_0 : i32, i32, i32
  }
  func.func @transform_2(%arg0: i32) -> (i32, i32) {
    %c0_i32 = arith.constant 0 : i32
    %c0_i32_0 = arith.constant 0 : i32
    %c0_i32_1 = arith.constant 0 : i32
    return %c0_i32, %c0_i32_0 : i32, i32
  }
  func.func @transform_3(%arg0: i32) -> (i32, i32) {
    %c0_i32 = arith.constant 0 : i32
    %c0_i32_0 = arith.constant 0 : i32
    %c0_i32_1 = arith.constant 0 : i32
    return %c0_i32, %c0_i32_0 : i32, i32
  }
  func.func @transform_4(%arg0: i32) -> (i32, i32) {
    %c0_i32 = arith.constant 0 : i32
    %c0_i32_0 = arith.constant 0 : i32
    %c0_i32_1 = arith.constant 0 : i32
    return %c0_i32, %c0_i32_0 : i32, i32
  }
  func.func @transform_5(%arg0: i32) -> (i32, i32) {
    %c0_i32 = arith.constant 0 : i32
    %c0_i32_0 = arith.constant 0 : i32
    %c0_i32_1 = arith.constant 0 : i32
    return %c0_i32, %c0_i32_0 : i32, i32
  }
  func.func @transform_6(%arg0: i32) -> (i32, i32) {
    %c0_i32 = arith.constant 0 : i32
    %c0_i32_0 = arith.constant 0 : i32
    %c0_i32_1 = arith.constant 0 : i32
    return %c0_i32, %c0_i32_0 : i32, i32
  }
  func.func @transform_7(%arg0: i32) -> (i32, i32) {
    %c0_i32 = arith.constant 0 : i32
    %c0_i32_0 = arith.constant 0 : i32
    return %arg0, %c0_i32 : i32, i32
  }
}

module attributes {stable_mosaic.version = 14 : i64} {
  func.func @_mlp_body(%arg0: i32, %arg1: memref<400x128xf32, #tpu.memory_space<vmem>>, %arg2: memref<2x400x128xf32, #tpu.memory_space<vmem>>, %arg3: memref<128x128xf32, #tpu.memory_space<vmem>>, %arg4: memref<1x128xf32, #tpu.memory_space<vmem>>, %arg5: memref<128x128xf32, #tpu.memory_space<vmem>>, %arg6: memref<1x128xf32, #tpu.memory_space<vmem>>, %arg7: memref<400x128xf32, #tpu.memory_space<vmem>>) attributes {dimension_semantics = [#tpu.dimension_semantics<arbitrary>], iteration_bounds = array<i64: 25>, scalar_prefetch = 0 : i64, scratch_operands = 0 : i64, tpu.core_type = #tpu.core_type<tc>, window_params = [{transform_indices = @transform_0, window_bounds = array<i64: 400, 128>}, {transform_indices = @transform_1, window_bounds = array<i64: 2, 400, 128>}, {pipeline_mode = #tpu.pipeline_mode<synchronous>, transform_indices = @transform_2, window_bounds = array<i64: 128, 128>}, {pipeline_mode = #tpu.pipeline_mode<synchronous>, transform_indices = @transform_3, window_bounds = array<i64: 1, 128>}, {pipeline_mode = #tpu.pipeline_mode<synchronous>, transform_indices = @transform_4, window_bounds = array<i64: 128, 128>}, {pipeline_mode = #tpu.pipeline_mode<synchronous>, transform_indices = @transform_5, window_bounds = array<i64: 1, 128>}, {transform_indices = @transform_6, window_bounds = array<i64: 400, 128>}]} {
    %get3A = arith.constant 0 : index
    %get3A_0 = arith.constant 0 : index
    %get3A_1 = vector.load %arg1[%get3A, %get3A_0] : memref<400x128xf32, #tpu.memory_space<vmem>>, vector<400x128xf32>
    %get3A_2 = arith.constant 0 : index
    %get3A_3 = arith.constant 0 : index
    %get3A_4 = arith.constant 0 : index
    %get3A_5 = vector.load %arg2[%get3A_2, %get3A_3, %get3A_4] : memref<2x400x128xf32, #tpu.memory_space<vmem>>, vector<1x400x128xf32>
    %get3A_6 = vector.shape_cast %get3A_5 : vector<1x400x128xf32> to vector<400x128xf32>
    %add3A = arith.addf %get3A_1, %get3A_6 : vector<400x128xf32>
    %get3A_7 = arith.constant 1 : index
    %get3A_8 = arith.constant 0 : index
    %get3A_9 = arith.constant 0 : index
    %get3A_10 = vector.load %arg2[%get3A_7, %get3A_8, %get3A_9] : memref<2x400x128xf32, #tpu.memory_space<vmem>>, vector<1x400x128xf32>
    %get3A_11 = vector.shape_cast %get3A_10 : vector<1x400x128xf32> to vector<400x128xf32>
    %add3A_12 = arith.addf %add3A, %get3A_11 : vector<400x128xf32>
    %get3A_13 = arith.constant 0 : index
    %get3A_14 = arith.constant 0 : index
    %get3A_15 = vector.load %arg3[%get3A_13, %get3A_14] : memref<128x128xf32, #tpu.memory_space<vmem>>, vector<128x128xf32>
    %dot_general3A = arith.constant dense<0.000000e+00> : vector<400x128xf32>
    %dot_general3A_16 = tpu.matmul %add3A_12, %get3A_15, %dot_general3A {dimension_numbers = #tpu.dot_dimension_numbers<[1], [0], [0], [1], [0, 0, 1, 1], [], []>, transpose_lhs_hint = false} : vector<400x128xf32>, vector<128x128xf32>, vector<400x128xf32> -> vector<400x128xf32>
    %get3A_17 = arith.constant 0 : index
    %get3A_18 = arith.constant 0 : index
    %get3A_19 = vector.load %arg4[%get3A_17, %get3A_18] : memref<1x128xf32, #tpu.memory_space<vmem>>, vector<1x128xf32>
    %add3A_20 = vector.broadcast %get3A_19 : vector<1x128xf32> to vector<400x128xf32>
    %add3A_21 = arith.addf %dot_general3A_16, %add3A_20 : vector<400x128xf32>
    %max3A = arith.constant 0.000000e+00 : f32
    %max3A_22 = vector.broadcast %max3A : f32 to vector<400x128xf32>
    %max3A_23 = arith.maximumf %add3A_21, %max3A_22 : vector<400x128xf32>
    %get3A_24 = arith.constant 0 : index
    %get3A_25 = arith.constant 0 : index
    %get3A_26 = vector.load %arg5[%get3A_24, %get3A_25] : memref<128x128xf32, #tpu.memory_space<vmem>>, vector<128x128xf32>
    %dot_general3A_27 = arith.constant dense<0.000000e+00> : vector<400x128xf32>
    %dot_general3A_28 = tpu.matmul %max3A_23, %get3A_26, %dot_general3A_27 {dimension_numbers = #tpu.dot_dimension_numbers<[1], [0], [0], [1], [0, 0, 1, 1], [], []>, transpose_lhs_hint = false} : vector<400x128xf32>, vector<128x128xf32>, vector<400x128xf32> -> vector<400x128xf32>
    %get3A_29 = arith.constant 0 : index
    %get3A_30 = arith.constant 0 : index
    %get3A_31 = vector.load %arg6[%get3A_29, %get3A_30] : memref<1x128xf32, #tpu.memory_space<vmem>>, vector<1x128xf32>
    %add3A_32 = vector.broadcast %get3A_31 : vector<1x128xf32> to vector<400x128xf32>
    %add3A_33 = arith.addf %dot_general3A_28, %add3A_32 : vector<400x128xf32>
    %max3A_34 = arith.constant 0.000000e+00 : f32
    %max3A_35 = vector.broadcast %max3A_34 : f32 to vector<400x128xf32>
    %max3A_36 = arith.maximumf %add3A_33, %max3A_35 : vector<400x128xf32>
    %swap3A = arith.constant 0 : index
    %swap3A_37 = arith.constant 0 : index
    %swap3A_38 = vector.load %arg7[%swap3A, %swap3A_37] : memref<400x128xf32, #tpu.memory_space<vmem>>, vector<400x128xf32>
    tpu.vector_store %arg7[%swap3A, %swap3A_37], %max3A_36 {strides = array<i32>} : memref<400x128xf32, #tpu.memory_space<vmem>>, vector<400x128xf32>,
    return
  }
  func.func @transform_0(%arg0: i32) -> (i32, i32) {
    %c0_i32 = arith.constant 0 : i32
    %c0_i32_0 = arith.constant 0 : i32
    return %arg0, %c0_i32 : i32, i32
  }
  func.func @transform_1(%arg0: i32) -> (i32, i32, i32) {
    %c0_i32 = arith.constant 0 : i32
    %c0_i32_0 = arith.constant 0 : i32
    %c0_i32_1 = arith.constant 0 : i32
    return %c0_i32, %arg0, %c0_i32_0 : i32, i32, i32
  }
  func.func @transform_2(%arg0: i32) -> (i32, i32) {
    %c0_i32 = arith.constant 0 : i32
    %c0_i32_0 = arith.constant 0 : i32
    %c0_i32_1 = arith.constant 0 : i32
    return %c0_i32, %c0_i32_0 : i32, i32
  }
  func.func @transform_3(%arg0: i32) -> (i32, i32) {
    %c0_i32 = arith.constant 0 : i32
    %c0_i32_0 = arith.constant 0 : i32
    %c0_i32_1 = arith.constant 0 : i32
    return %c0_i32, %c0_i32_0 : i32, i32
  }
  func.func @transform_4(%arg0: i32) -> (i32, i32) {
    %c0_i32 = arith.constant 0 : i32
    %c0_i32_0 = arith.constant 0 : i32
    %c0_i32_1 = arith.constant 0 : i32
    return %c0_i32, %c0_i32_0 : i32, i32
  }
  func.func @transform_5(%arg0: i32) -> (i32, i32) {
    %c0_i32 = arith.constant 0 : i32
    %c0_i32_0 = arith.constant 0 : i32
    %c0_i32_1 = arith.constant 0 : i32
    return %c0_i32, %c0_i32_0 : i32, i32
  }
  func.func @transform_6(%arg0: i32) -> (i32, i32) {
    %c0_i32 = arith.constant 0 : i32
    %c0_i32_0 = arith.constant 0 : i32
    return %arg0, %c0_i32 : i32, i32
  }
}

module attributes {stable_mosaic.version = 14 : i64} {
  func.func @_final_body(%arg0: i32, %arg1: memref<400x128xf32, #tpu.memory_space<vmem>>, %arg2: memref<2x400x128xf32, #tpu.memory_space<vmem>>, %arg3: memref<128x128xf32, #tpu.memory_space<vmem>>, %arg4: memref<1x128xf32, #tpu.memory_space<vmem>>, %arg5: memref<128x128xf32, #tpu.memory_space<vmem>>, %arg6: memref<1x128xf32, #tpu.memory_space<vmem>>, %arg7: memref<1x1x400xi32, #tpu.memory_space<vmem>>, %arg8: memref<2x128x128xf32, #tpu.memory_space<vmem>>, %arg9: memref<2x128xf32, #tpu.memory_space<vmem>>, %arg10: memref<128x1xf32, #tpu.memory_space<vmem>>, %arg11: memref<1x1xf32, #tpu.memory_space<vmem>>, %arg12: memref<256x1xf32, #tpu.memory_space<vmem>>, %arg13: memref<256x128xf32, #tpu.memory_space<vmem>>, %arg14: memref<256x1xf32, #tpu.memory_space<vmem>>) attributes {dimension_semantics = [#tpu.dimension_semantics<arbitrary>], iteration_bounds = array<i64: 25>, scalar_prefetch = 0 : i64, scratch_operands = 2 : i64, tpu.core_type = #tpu.core_type<tc>, window_params = [{transform_indices = @transform_0, window_bounds = array<i64: 400, 128>}, {transform_indices = @transform_1, window_bounds = array<i64: 2, 400, 128>}, {pipeline_mode = #tpu.pipeline_mode<synchronous>, transform_indices = @transform_2, window_bounds = array<i64: 128, 128>}, {pipeline_mode = #tpu.pipeline_mode<synchronous>, transform_indices = @transform_3, window_bounds = array<i64: 1, 128>}, {pipeline_mode = #tpu.pipeline_mode<synchronous>, transform_indices = @transform_4, window_bounds = array<i64: 128, 128>}, {pipeline_mode = #tpu.pipeline_mode<synchronous>, transform_indices = @transform_5, window_bounds = array<i64: 1, 128>}, {transform_indices = @transform_6, window_bounds = array<i64: 1, 1, 400>}, {pipeline_mode = #tpu.pipeline_mode<synchronous>, transform_indices = @transform_7, window_bounds = array<i64: 2, 128, 128>}, {pipeline_mode = #tpu.pipeline_mode<synchronous>, transform_indices = @transform_8, window_bounds = array<i64: 2, 128>}, {pipeline_mode = #tpu.pipeline_mode<synchronous>, transform_indices = @transform_9, window_bounds = array<i64: 128, 1>}, {pipeline_mode = #tpu.pipeline_mode<synchronous>, transform_indices = @transform_10, window_bounds = array<i64: 1, 1>}, {pipeline_mode = #tpu.pipeline_mode<synchronous>, transform_indices = @transform_11, window_bounds = array<i64: 256, 1>}]} {
    %eq3A = arith.constant 0 : i32
    %eq3A_0 = arith.cmpi eq, %arg0, %eq3A : i32
    %convert_element_type3A = arith.extui %eq3A_0 : i1 to i32
    %cond3A = arith.constant 0 : i32
    %cond3A_1 = arith.cmpi ne, %convert_element_type3A, %cond3A : i32
    scf.if %cond3A_1 {
      %broadcast_in_dim3A_69 = arith.constant 0.000000e+00 : f32
      %broadcast_in_dim3A_70 = vector.broadcast %broadcast_in_dim3A_69 : f32 to vector<256x128xf32>
      %swap3A_71 = arith.constant 0 : index
      %swap3A_72 = arith.constant 0 : index
      %swap3A_73 = vector.load %arg13[%swap3A_71, %swap3A_72] : memref<256x128xf32, #tpu.memory_space<vmem>>, vector<256x128xf32>
      tpu.vector_store %arg13[%swap3A_71, %swap3A_72], %broadcast_in_dim3A_70 {strides = array<i32>} : memref<256x128xf32, #tpu.memory_space<vmem>>, vector<256x128xf32>,
      %broadcast_in_dim3A_74 = arith.constant 0.000000e+00 : f32
      %broadcast_in_dim3A_75 = vector.broadcast %broadcast_in_dim3A_74 : f32 to vector<256x1xf32>
      %swap3A_76 = arith.constant 0 : index
      %swap3A_77 = arith.constant 0 : index
      %swap3A_78 = vector.load %arg14[%swap3A_76, %swap3A_77] : memref<256x1xf32, #tpu.memory_space<vmem>>, vector<256x1xf32>
      tpu.vector_store %arg14[%swap3A_76, %swap3A_77], %broadcast_in_dim3A_75 {strides = array<i32>} : memref<256x1xf32, #tpu.memory_space<vmem>>, vector<256x1xf32>,
    } else {
    }
    %get3A = arith.constant 0 : index
    %get3A_2 = arith.constant 0 : index
    %get3A_3 = vector.load %arg1[%get3A, %get3A_2] : memref<400x128xf32, #tpu.memory_space<vmem>>, vector<400x128xf32>
    %get3A_4 = arith.constant 0 : index
    %get3A_5 = arith.constant 0 : index
    %get3A_6 = arith.constant 0 : index
    %get3A_7 = vector.load %arg2[%get3A_4, %get3A_5, %get3A_6] : memref<2x400x128xf32, #tpu.memory_space<vmem>>, vector<1x400x128xf32>
    %get3A_8 = vector.shape_cast %get3A_7 : vector<1x400x128xf32> to vector<400x128xf32>
    %add3A = arith.addf %get3A_3, %get3A_8 : vector<400x128xf32>
    %get3A_9 = arith.constant 1 : index
    %get3A_10 = arith.constant 0 : index
    %get3A_11 = arith.constant 0 : index
    %get3A_12 = vector.load %arg2[%get3A_9, %get3A_10, %get3A_11] : memref<2x400x128xf32, #tpu.memory_space<vmem>>, vector<1x400x128xf32>
    %get3A_13 = vector.shape_cast %get3A_12 : vector<1x400x128xf32> to vector<400x128xf32>
    %add3A_14 = arith.addf %add3A, %get3A_13 : vector<400x128xf32>
    %get3A_15 = arith.constant 0 : index
    %get3A_16 = arith.constant 0 : index
    %get3A_17 = vector.load %arg3[%get3A_15, %get3A_16] : memref<128x128xf32, #tpu.memory_space<vmem>>, vector<128x128xf32>
    %dot_general3A = arith.constant dense<0.000000e+00> : vector<400x128xf32>
    %dot_general3A_18 = tpu.matmul %add3A_14, %get3A_17, %dot_general3A {dimension_numbers = #tpu.dot_dimension_numbers<[1], [0], [0], [1], [0, 0, 1, 1], [], []>, transpose_lhs_hint = false} : vector<400x128xf32>, vector<128x128xf32>, vector<400x128xf32> -> vector<400x128xf32>
    %get3A_19 = arith.constant 0 : index
    %get3A_20 = arith.constant 0 : index
    %get3A_21 = vector.load %arg4[%get3A_19, %get3A_20] : memref<1x128xf32, #tpu.memory_space<vmem>>, vector<1x128xf32>
    %add3A_22 = vector.broadcast %get3A_21 : vector<1x128xf32> to vector<400x128xf32>
    %add3A_23 = arith.addf %dot_general3A_18, %add3A_22 : vector<400x128xf32>
    %max3A = arith.constant 0.000000e+00 : f32
    %max3A_24 = vector.broadcast %max3A : f32 to vector<400x128xf32>
    %max3A_25 = arith.maximumf %add3A_23, %max3A_24 : vector<400x128xf32>
    %get3A_26 = arith.constant 0 : index
    %get3A_27 = arith.constant 0 : index
    %get3A_28 = vector.load %arg5[%get3A_26, %get3A_27] : memref<128x128xf32, #tpu.memory_space<vmem>>, vector<128x128xf32>
    %dot_general3A_29 = arith.constant dense<0.000000e+00> : vector<400x128xf32>
    %dot_general3A_30 = tpu.matmul %max3A_25, %get3A_28, %dot_general3A_29 {dimension_numbers = #tpu.dot_dimension_numbers<[1], [0], [0], [1], [0, 0, 1, 1], [], []>, transpose_lhs_hint = false} : vector<400x128xf32>, vector<128x128xf32>, vector<400x128xf32> -> vector<400x128xf32>
    %get3A_31 = arith.constant 0 : index
    %get3A_32 = arith.constant 0 : index
    %get3A_33 = vector.load %arg6[%get3A_31, %get3A_32] : memref<1x128xf32, #tpu.memory_space<vmem>>, vector<1x128xf32>
    %add3A_34 = vector.broadcast %get3A_33 : vector<1x128xf32> to vector<400x128xf32>
    %add3A_35 = arith.addf %dot_general3A_30, %add3A_34 : vector<400x128xf32>
    %get3A_36 = arith.constant 0 : index
    %get3A_37 = arith.constant 0 : index
    %get3A_38 = arith.constant 0 : index
    %get3A_39 = vector.load %arg7[%get3A_36, %get3A_37, %get3A_38] : memref<1x1x400xi32, #tpu.memory_space<vmem>>, vector<1x1x400xi32>
    %get3A_40 = vector.shape_cast %get3A_39 : vector<1x1x400xi32> to vector<400xi32>
    %iota3A = tpu.iota {dimensions = array<i32: 0>} : vector<256x400xi32>
    %broadcast_in_dim3A = vector.shape_cast %get3A_40 : vector<400xi32> to vector<1x400xi32>
    %eq3A_41 = vector.broadcast %broadcast_in_dim3A : vector<1x400xi32> to vector<256x400xi32>
    %eq3A_42 = arith.cmpi eq, %iota3A, %eq3A_41 : vector<256x400xi32>
    %convert_element_type3A_43 = arith.extui %eq3A_42 : vector<256x400xi1> to vector<256x400xi32>
    %convert_element_type3A_44 = arith.sitofp %convert_element_type3A_43 : vector<256x400xi32> to vector<256x400xf32>
    %get3A_45 = arith.constant 0 : index
    %get3A_46 = arith.constant 0 : index
    %get3A_47 = vector.load %arg13[%get3A_45, %get3A_46] : memref<256x128xf32, #tpu.memory_space<vmem>>, vector<256x128xf32>
    %dot_general3A_48 = arith.constant dense<0.000000e+00> : vector<256x128xf32>
    %dot_general3A_49 = tpu.matmul %convert_element_type3A_44, %add3A_35, %dot_general3A_48 {dimension_numbers = #tpu.dot_dimension_numbers<[1], [0], [0], [1], [0, 0, 1, 1], [], []>, transpose_lhs_hint = false} : vector<256x400xf32>, vector<400x128xf32>, vector<256x128xf32> -> vector<256x128xf32>
    %add3A_50 = arith.addf %get3A_47, %dot_general3A_49 : vector<256x128xf32>
    %swap3A = arith.constant 0 : index
    %swap3A_51 = arith.constant 0 : index
    %swap3A_52 = vector.load %arg13[%swap3A, %swap3A_51] : memref<256x128xf32, #tpu.memory_space<vmem>>, vector<256x128xf32>
    tpu.vector_store %arg13[%swap3A, %swap3A_51], %add3A_50 {strides = array<i32>} : memref<256x128xf32, #tpu.memory_space<vmem>>, vector<256x128xf32>,
    %get3A_53 = arith.constant 0 : index
    %get3A_54 = arith.constant 0 : index
    %get3A_55 = vector.load %arg14[%get3A_53, %get3A_54] : memref<256x1xf32, #tpu.memory_space<vmem>>, vector<256x1xf32>
    %broadcast_in_dim3A_56 = arith.constant 1.000000e+00 : f32
    %broadcast_in_dim3A_57 = vector.broadcast %broadcast_in_dim3A_56 : f32 to vector<400x1xf32>
    %dot_general3A_58 = arith.constant dense<0.000000e+00> : vector<256x1xf32>
    %dot_general3A_59 = tpu.matmul %convert_element_type3A_44, %broadcast_in_dim3A_57, %dot_general3A_58 {dimension_numbers = #tpu.dot_dimension_numbers<[1], [0], [0], [1], [0, 0, 1, 1], [], []>, transpose_lhs_hint = false} : vector<256x400xf32>, vector<400x1xf32>, vector<256x1xf32> -> vector<256x1xf32>
    %add3A_60 = arith.addf %get3A_55, %dot_general3A_59 : vector<256x1xf32>
    %swap3A_61 = arith.constant 0 : index
    %swap3A_62 = arith.constant 0 : index
    %swap3A_63 = vector.load %arg14[%swap3A_61, %swap3A_62] : memref<256x1xf32, #tpu.memory_space<vmem>>, vector<256x1xf32>
    tpu.vector_store %arg14[%swap3A_61, %swap3A_62], %add3A_60 {strides = array<i32>} : memref<256x1xf32, #tpu.memory_space<vmem>>, vector<256x1xf32>,
    %eq3A_64 = arith.constant 24 : i32
    %eq3A_65 = arith.cmpi eq, %arg0, %eq3A_64 : i32
    %convert_element_type3A_66 = arith.extui %eq3A_65 : i1 to i32
    %cond3A_67 = arith.constant 0 : i32
    %cond3A_68 = arith.cmpi ne, %convert_element_type3A_66, %cond3A_67 : i32
    scf.if %cond3A_68 {
      %get3A_69 = arith.constant 0 : index
      %get3A_70 = arith.constant 0 : index
      %get3A_71 = vector.load %arg13[%get3A_69, %get3A_70] : memref<256x128xf32, #tpu.memory_space<vmem>>, vector<256x128xf32>
      %get3A_72 = arith.constant 0 : index
      %get3A_73 = arith.constant 0 : index
      %get3A_74 = vector.load %arg14[%get3A_72, %get3A_73] : memref<256x1xf32, #tpu.memory_space<vmem>>, vector<256x1xf32>
      %max3A_75 = arith.constant 1.000000e+00 : f32
      %max3A_76 = vector.broadcast %max3A_75 : f32 to vector<256x1xf32>
      %max3A_77 = arith.maximumf %get3A_74, %max3A_76 : vector<256x1xf32>
      %div3A = vector.broadcast %max3A_77 : vector<256x1xf32> to vector<256x128xf32>
      %div3A_78 = arith.divf %get3A_71, %div3A : vector<256x128xf32>
      %get3A_79 = arith.constant 0 : index
      %get3A_80 = arith.constant 0 : index
      %get3A_81 = vector.load %arg9[%get3A_79, %get3A_80] : memref<2x128xf32, #tpu.memory_space<vmem>>, vector<2x128xf32>
      %get3A_82 = arith.constant 0 : index
      %get3A_83 = arith.constant 0 : index
      %get3A_84 = arith.constant 0 : index
      %get3A_85 = vector.load %arg8[%get3A_82, %get3A_83, %get3A_84] : memref<2x128x128xf32, #tpu.memory_space<vmem>>, vector<1x128x128xf32>
      %get3A_86 = vector.shape_cast %get3A_85 : vector<1x128x128xf32> to vector<128x128xf32>
      %dot_general3A_87 = arith.constant dense<0.000000e+00> : vector<256x128xf32>
      %dot_general3A_88 = tpu.matmul %div3A_78, %get3A_86, %dot_general3A_87 {dimension_numbers = #tpu.dot_dimension_numbers<[1], [0], [0], [1], [0, 0, 1, 1], [], []>, transpose_lhs_hint = false} : vector<256x128xf32>, vector<128x128xf32>, vector<256x128xf32> -> vector<256x128xf32>
      %slice3A = vector.extract_strided_slice %get3A_81 {offsets = [0, 0], sizes = [1, 128], strides = [1, 1]} : vector<2x128xf32> to vector<1x128xf32>
      %add3A_89 = vector.broadcast %slice3A : vector<1x128xf32> to vector<256x128xf32>
      %add3A_90 = arith.addf %dot_general3A_88, %add3A_89 : vector<256x128xf32>
      %max3A_91 = arith.constant 0.000000e+00 : f32
      %max3A_92 = vector.broadcast %max3A_91 : f32 to vector<256x128xf32>
      %max3A_93 = arith.maximumf %add3A_90, %max3A_92 : vector<256x128xf32>
      %get3A_94 = arith.constant 1 : index
      %get3A_95 = arith.constant 0 : index
      %get3A_96 = arith.constant 0 : index
      %get3A_97 = vector.load %arg8[%get3A_94, %get3A_95, %get3A_96] : memref<2x128x128xf32, #tpu.memory_space<vmem>>, vector<1x128x128xf32>
      %get3A_98 = vector.shape_cast %get3A_97 : vector<1x128x128xf32> to vector<128x128xf32>
      %dot_general3A_99 = arith.constant dense<0.000000e+00> : vector<256x128xf32>
      %dot_general3A_100 = tpu.matmul %max3A_93, %get3A_98, %dot_general3A_99 {dimension_numbers = #tpu.dot_dimension_numbers<[1], [0], [0], [1], [0, 0, 1, 1], [], []>, transpose_lhs_hint = false} : vector<256x128xf32>, vector<128x128xf32>, vector<256x128xf32> -> vector<256x128xf32>
      %slice3A_101 = vector.extract_strided_slice %get3A_81 {offsets = [1, 0], sizes = [1, 128], strides = [1, 1]} : vector<2x128xf32> to vector<1x128xf32>
      %add3A_102 = vector.broadcast %slice3A_101 : vector<1x128xf32> to vector<256x128xf32>
      %add3A_103 = arith.addf %dot_general3A_100, %add3A_102 : vector<256x128xf32>
      %max3A_104 = arith.constant 0.000000e+00 : f32
      %max3A_105 = vector.broadcast %max3A_104 : f32 to vector<256x128xf32>
      %max3A_106 = arith.maximumf %add3A_103, %max3A_105 : vector<256x128xf32>
      %get3A_107 = arith.constant 0 : index
      %get3A_108 = arith.constant 0 : index
      %get3A_109 = vector.load %arg10[%get3A_107, %get3A_108] : memref<128x1xf32, #tpu.memory_space<vmem>>, vector<128x1xf32>
      %dot_general3A_110 = arith.constant dense<0.000000e+00> : vector<256x1xf32>
      %dot_general3A_111 = tpu.matmul %max3A_106, %get3A_109, %dot_general3A_110 {dimension_numbers = #tpu.dot_dimension_numbers<[1], [0], [0], [1], [0, 0, 1, 1], [], []>, transpose_lhs_hint = false} : vector<256x128xf32>, vector<128x1xf32>, vector<256x1xf32> -> vector<256x1xf32>
      %get3A_112 = arith.constant 0 : index
      %get3A_113 = arith.constant 0 : index
      %get3A_114 = vector.load %arg11[%get3A_112, %get3A_113] : memref<1x1xf32, #tpu.memory_space<vmem>>, vector<1x1xf32>
      %add3A_115 = vector.broadcast %get3A_114 : vector<1x1xf32> to vector<256x1xf32>
      %add3A_116 = arith.addf %dot_general3A_111, %add3A_115 : vector<256x1xf32>
      %swap3A_117 = arith.constant 0 : index
      %swap3A_118 = arith.constant 0 : index
      %swap3A_119 = vector.load %arg12[%swap3A_117, %swap3A_118] : memref<256x1xf32, #tpu.memory_space<vmem>>, vector<256x1xf32>
      tpu.vector_store %arg12[%swap3A_117, %swap3A_118], %add3A_116 {strides = array<i32>} : memref<256x1xf32, #tpu.memory_space<vmem>>, vector<256x1xf32>,
    } else {
    }
    return
  }
  func.func @transform_0(%arg0: i32) -> (i32, i32) {
    %c0_i32 = arith.constant 0 : i32
    %c0_i32_0 = arith.constant 0 : i32
    return %arg0, %c0_i32 : i32, i32
  }
  func.func @transform_1(%arg0: i32) -> (i32, i32, i32) {
    %c0_i32 = arith.constant 0 : i32
    %c0_i32_0 = arith.constant 0 : i32
    %c0_i32_1 = arith.constant 0 : i32
    return %c0_i32, %arg0, %c0_i32_0 : i32, i32, i32
  }
  func.func @transform_2(%arg0: i32) -> (i32, i32) {
    %c0_i32 = arith.constant 0 : i32
    %c0_i32_0 = arith.constant 0 : i32
    %c0_i32_1 = arith.constant 0 : i32
    return %c0_i32, %c0_i32_0 : i32, i32
  }
  func.func @transform_3(%arg0: i32) -> (i32, i32) {
    %c0_i32 = arith.constant 0 : i32
    %c0_i32_0 = arith.constant 0 : i32
    %c0_i32_1 = arith.constant 0 : i32
    return %c0_i32, %c0_i32_0 : i32, i32
  }
  func.func @transform_4(%arg0: i32) -> (i32, i32) {
    %c0_i32 = arith.constant 0 : i32
    %c0_i32_0 = arith.constant 0 : i32
    %c0_i32_1 = arith.constant 0 : i32
    return %c0_i32, %c0_i32_0 : i32, i32
  }
  func.func @transform_5(%arg0: i32) -> (i32, i32) {
    %c0_i32 = arith.constant 0 : i32
    %c0_i32_0 = arith.constant 0 : i32
    %c0_i32_1 = arith.constant 0 : i32
    return %c0_i32, %c0_i32_0 : i32, i32
  }
  func.func @transform_6(%arg0: i32) -> (i32, i32, i32) {
    %c0_i32 = arith.constant 0 : i32
    %c0_i32_0 = arith.constant 0 : i32
    %c0_i32_1 = arith.constant 0 : i32
    return %arg0, %c0_i32, %c0_i32_0 : i32, i32, i32
  }
  func.func @transform_7(%arg0: i32) -> (i32, i32, i32) {
    %c0_i32 = arith.constant 0 : i32
    %c0_i32_0 = arith.constant 0 : i32
    %c0_i32_1 = arith.constant 0 : i32
    %c0_i32_2 = arith.constant 0 : i32
    return %c0_i32, %c0_i32_0, %c0_i32_1 : i32, i32, i32
  }
  func.func @transform_8(%arg0: i32) -> (i32, i32) {
    %c0_i32 = arith.constant 0 : i32
    %c0_i32_0 = arith.constant 0 : i32
    %c0_i32_1 = arith.constant 0 : i32
    return %c0_i32, %c0_i32_0 : i32, i32
  }
  func.func @transform_9(%arg0: i32) -> (i32, i32) {
    %c0_i32 = arith.constant 0 : i32
    %c0_i32_0 = arith.constant 0 : i32
    %c0_i32_1 = arith.constant 0 : i32
    return %c0_i32, %c0_i32_0 : i32, i32
  }
  func.func @transform_10(%arg0: i32) -> (i32, i32) {
    %c0_i32 = arith.constant 0 : i32
    %c0_i32_0 = arith.constant 0 : i32
    %c0_i32_1 = arith.constant 0 : i32
    return %c0_i32, %c0_i32_0 : i32, i32
  }
  func.func @transform_11(%arg0: i32) -> (i32, i32) {
    %c0_i32 = arith.constant 0 : i32
    %c0_i32_0 = arith.constant 0 : i32
    %c0_i32_1 = arith.constant 0 : i32
    return %c0_i32, %c0_i32_0 : i32, i32
  }
}

</mosaic_0001>

<sc_bundles>
// kernel: kernel.11.cloned.1.call-start
scs
__scs_entry_jumppad:
0x0: {  	(pc) =	sbr.rel $0x88, $3  }
0x1: {  	(tag) =	ssettag $0x0;
	lr =	simm.s32 $0x1  }
0x2: {  	[smem:$0x3F95] =	sst lr;
	_ =	strace $0xD0000000  }
0x3: {  	_ = 	snop  }
0x4: {  	_ = 	snop  }
0x5: {  	_ = 	snop  }
0x6: {  	_ = 	snop  }
0x7: {  	_ = 	snop  }
__scs_overlays_trampoline_lowered:
0x8: {  	[smem:$0x3FA4] =	sst s0  }
0x9: {  	[smem:$0x3FA5] =	sst s1  }
0xa: {  	[smem:$0x3FA6] =	sst s2  }
0xb: {  	[smem:$0x3FA7] =	sst s3  }
0xc: {  	[smem:$0x3FA8] =	sst s4  }
0xd: {  	[smem:$0x3FA9] =	sst s5  }
0xe: {  	[smem:$0x3FAA] =	sst s6  }
0xf: {  	[smem:$0x3FAB] =	sst s7  }
0x10: {  	[smem:$0x3FAC] =	sst s8  }
0x11: {  	[smem:$0x3FAD] =	sst s9;
	s0 =	simm.s32 @!p0 $0x0  }
0x12: {  	s1 =	sld [smem:$0x3F93];
	s0 =	simm.s32 @p0 $0x1  }
0x13: {  	[smem:$0x3FAE] =	sst s0;
	s0 =	simm.s32 @!p1 $0x0  }
0x14: {  	s2 =	sld [smem:$0x3F92];
	s0 =	simm.s32 @p1 $0x1  }
0x15: {  	[smem:$0x3FAF] =	sst s0;
	s0 =	simm.s32 @!p2 $0x0  }
0x16: {  	s3 =	sld [smem:$0x3FDB];
	s0 =	simm.s32 @p2 $0x1  }
0x17: {  	s4 =	simm.s32 $0x1BF5;
	[smem:$0x3FB1] =	sst s0  }
0x18: {  	s0 =	sld [smem:$0x3F94];
	_ =	swait.ge [sflag:s4], $0x0  }
0x19: {  	s7 =	sld [smem:$0x3F95]  }
0x1a: {  	s8 =	sadd.s32 $0xFFFFE003, lr  }
0x1b: {  	s9 =	sadd.s32 $0xFFFFFEF7, lr;
	s5 =	simm.s32 $0xFFFFFFFF;
	p2 =	slt.u32 s8, $0xFFFFF086  }
0x1c: {  	p1 =	slt.u32 s9, $0xF7A;
	s5 =	simm.s32 @!p2 $0x0  }
0x1d: {  	s5 =	simm.s32 @p1 $0x1;
	p0 =	seq.s32 s7, s2  }
0x1e: {  	s7 =	smul.u32 @!p0 $0xF7A, s2;
	p2 =	seq.s32 @!p0 s5, $0x0  }
0x1f: {  	s9 =	smul.u32 $0xF7A, s1;
	s8 =	simm.s32 @!p0 $0x1BF5;
	p2 =	por !p2, p0  }
0x20: {  	[sflag:s8] =	ssyncset.s32 @!p0 $0xFFFFF086;
	s6 =	sadd.s32 @!p0 s3, s7;
	s7 =	simm.s32 @!p0 $0x108  }
0x21: {  	s3 =	sadd.s32 s3, s9;
	s6 =	sadd.s32 @!p0 $0x88, s6;
	s7 =	simm.s32 @p2 $0x1082  }
0x22: {  	[simem:s7], [sflag:s8] =	dma.local @!p0 [hbm:s6], $0xF7A  }
0x23: {  	s9 =	sor.u32 $0xD0000000, s2;
	s6 =	simm.s32 $0x108;
	_ =	swait.ge @!p0 [sflag:s8], $0x0  }
0x24: {  	s3 =	sadd.s32 $0x88, s3;
	s6 =	simm.s32 @!p1 $0x1082;
	[sflag:s4] =	ssyncset.s32 $0xFFFFF086  }
0x25: {  	[simem:s6], [sflag:s4] =	dma.local [hbm:s3], $0xF7A  }
0x26: {  	[smem:$0x3F95] =	sst s1;
	(tag) =	ssettag s2;
	_ =	strace s9  }
0x27: {  	s1 =	sld [smem:$0x3FA5]  }
0x28: {  	s2 =	sld [smem:$0x3FA6]  }
0x29: {  	s4 =	sld [smem:$0x3FA8]  }
0x2a: {  	p0 =	seq.s32 s5, $0x0;
	s5 =	sld [smem:$0x3FA9]  }
0x2b: {  	s6 =	sld [smem:$0x3FAA]  }
0x2c: {  	s7 =	sld [smem:$0x3FAB]  }
0x2d: {  	s3 =	simm.s32 $0x108;
	s8 =	sld [smem:$0x3FAC]  }
0x2e: {  	s3 =	simm.s32 @!p0 $0x1082;
	s9 =	sld [smem:$0x3FAD]  }
0x2f: {  	lr =	sadd.s32 s0, s3;
	s0 =	sld [smem:$0x3FA4]  }
0x30: {  	s3 =	sld [smem:$0x3FA7]  }
0x31: {  	[smem:$0x3FB0] =	sst s10  }
0x32: {  	s10 =	sld [smem:$0x3FAE];
	_ =	sdelay $0x3  }
0x33: {  	p0 =	seq.s32 s10, $0x1;
	s10 =	sld [smem:$0x3FB0];
	_ =	sdelay $0x3  }
0x34: {  	[smem:$0x3FB0] =	sst s10  }
0x35: {  	s10 =	sld [smem:$0x3FAF];
	_ =	sdelay $0x3  }
0x36: {  	p1 =	seq.s32 s10, $0x1;
	s10 =	sld [smem:$0x3FB0];
	_ =	sdelay $0x3  }
0x37: {  	[smem:$0x3FB0] =	sst s10  }
0x38: {  	s10 =	sld [smem:$0x3FB1]  }
0x39: {  	_ = 	snop;
	(pc) =	sbr.ind lr, $3  }
0x3a: {  	_ = 	snop  }
0x3b: {  	_ = 	snop  }
0x3c: {  	p2 =	seq.s32 s10, $0x1;
	s10 =	sld [smem:$0x3FB0]  }
0x3d: {  	_ =	shalt  }
0x3e: {  	_ =	shalt  }
0x3f: {  	_ =	shalt  }
0x40: {  	_ =	shalt  }
0x41: {  	_ =	shalt  }
0x42: {  	_ =	shalt  }
0x43: {  	_ =	shalt  }
0x44: {  	_ =	shalt  }
0x45: {  	_ =	shalt  }
0x46: {  	_ =	shalt  }
0x47: {  	_ =	shalt  }
0x48: {  	_ =	shalt  }
0x49: {  	_ =	shalt  }
0x4a: {  	_ =	shalt  }
0x4b: {  	_ =	shalt  }
0x4c: {  	_ =	shalt  }
0x4d: {  	_ =	shalt  }
0x4e: {  	_ =	shalt  }
0x4f: {  	_ =	shalt  }
0x50: {  	_ =	shalt  }
0x51: {  	_ =	shalt  }
0x52: {  	_ =	shalt  }
0x53: {  	_ =	shalt  }
0x54: {  	_ =	shalt  }
0x55: {  	_ =	shalt  }
0x56: {  	_ =	shalt  }
0x57: {  	_ =	shalt  }
0x58: {  	_ =	shalt  }
0x59: {  	_ =	shalt  }
0x5a: {  	_ =	shalt  }
0x5b: {  	_ =	shalt  }
0x5c: {  	_ =	shalt  }
0x5d: {  	_ =	shalt  }
0x5e: {  	_ =	shalt  }
0x5f: {  	_ =	shalt  }
0x60: {  	_ =	shalt  }
0x61: {  	_ =	shalt  }
0x62: {  	_ =	shalt  }
0x63: {  	_ =	shalt  }
0x64: {  	_ =	shalt  }
0x65: {  	_ =	shalt  }
0x66: {  	_ =	shalt  }
0x67: {  	_ =	shalt  }
0x68: {  	_ =	shalt  }
0x69: {  	_ =	shalt  }
0x6a: {  	_ =	shalt  }
0x6b: {  	_ =	shalt  }
0x6c: {  	_ =	shalt  }
0x6d: {  	_ =	shalt  }
0x6e: {  	_ =	shalt  }
0x6f: {  	_ =	shalt  }
0x70: {  	_ =	shalt  }
0x71: {  	_ =	shalt  }
0x72: {  	_ =	shalt  }
0x73: {  	_ =	shalt  }
0x74: {  	_ =	shalt  }
0x75: {  	_ =	shalt  }
0x76: {  	_ =	shalt  }
0x77: {  	_ =	shalt  }
0x78: {  	_ =	shalt  }
0x79: {  	_ =	shalt  }
0x7a: {  	_ =	shalt  }
0x7b: {  	_ =	shalt  }
0x7c: {  	_ =	shalt  }
0x7d: {  	_ =	shalt  }
0x7e: {  	_ =	shalt  }
0x7f: {  	_ =	shalt  }
0x80: {  	_ =	shalt  }
0x81: {  	_ =	shalt  }
0x82: {  	_ =	shalt  }
0x83: {  	_ =	shalt  }
0x84: {  	_ =	shalt  }
0x85: {  	_ =	shalt  }
0x86: {  	_ =	shalt  }
0x87: {  	_ =	shalt  }
.Lfunc_end0:
.L_simem_size_0:
called_computation.1_lowered:
.L_overlay_start_0:
0x88: {  	s2 =	sld [smem:$0x3FD9]  }
0x89: {  	s3 =	sld [smem:$0x3FFE];
	_ =	sdelay $0x1  }
0x8a: {  	s1 =	srdreg.scid  }
0x8b: {  	s0 =	sand.u32 $0x1, s1  }
0x8c: {  	s16 =	sshll.u32 s0, $0xA;
	s2 =	sadd.s32 s3, s2  }
0x8d: {  	s2 =	sadd.s32 s2, s16  }
0x8e: {  	[smem:$0x3FBC] =	sst s2  }
0x8f: {  	_ = 	snop  }
0x90: {  	(tm) =	ssettm $0x1  }
0x91: {  	s17 =	sld [smem:$0x3FFB];
	_ =	sdelay $0x3  }
0x92: {  	_ =	strace s17  }
0x93: {  	s2 =	sld [smem:$0x3FFC];
	_ =	sdelay $0x3  }
0x94: {  	_ =	strace s2  }
0x95: {  	s2 =	sld [smem:$0x3FFD];
	_ =	sdelay $0x3  }
0x96: {  	_ =	strace s2  }
0x97: {  	_ =	strace $0x8FFFFFFF  }
0x98: {  	s18 =	sld [smem:$0x3FDB];
	_ =	sdelay $0x1  }
0x99: {  	s19 =	simm.s32 $_scs_section_size  }
0x9a: {  	s4 =	simm.s32 $_size__tile_overlayer_lowered;
	s5 =	simm.s32 $_tile_overlayer_lowered  }
0x9b: {  	s22 =	simm.s32 $0x1BFF;
	s21 =	sshll.u32 s5, $0x1;
	s2 =	sadd.s32 s19, s18  }
0x9c: {  	s6 =	simm.s32 $0x0;
	s20 =	sshll.u32 s4, $0x1;
	s4 =	sadd.s32 s21, s2  }
0x9d: {  	[timem:s6], [sflag:s22] =	dma.local [hbm:s4], s20  }
0x9e: {  	_ =	swait.ge [sflag:s22], s20  }
0x9f: {  	s3 =	ssub.s32 $0x0, s20;
	[sflag:s22] =	ssyncset.done $0x0  }
0xa0: {  	[sflag:s22] =	ssyncadd.s32 s3;
	_ =	sdelay $0x1  }
0xa1: {  	s23 =	simm.s32 $0x1B8B  }
0xa2: {  	_ =	swait.ge [sflag:s23], $0x1  }
0xa3: {  	[sflag:s23] =	ssyncset.done $0x0  }
0xa4: {  	s25 =	simm.s32 $0x1B8E;
	s24 =	sld [smem:$0x3FFE];
	[sflag:s23] =	ssyncadd.s32 $0xFFFFFFFF  }
0xa5: {  	s26 =	simm.s32 $execute0_lowered;
	[smem:$0x3FD2] =	sst s25  }
0xa6: {  	s4 =	sshll.u32 s26, $0x1;
	_ =	strace $0x80000049;
	[dreg:$0x1] =	wrdreg $0xFFFFFFFF  }
0xa7: {  	s28 =	simm.s32 $_size_execute0_lowered;
	s2 =	sadd.s32 s2, s4;
	[dreg:$0x0] =	wrdreg $0x0  }
0xa8: {  	s4 =	sshll.u32 s28, $0x1;
	[dreg:$0x2] =	wrdreg s2  }
0xa9: {  	[dreg:$0x3] =	wrdreg s4  }
0xaa: {  	[dreg:$0x4] =	wrdreg $0xC0  }
0xab: {  	_ =	task [dreg:s6], $0x5FFFF  }
0xac: {  	[dreg:$0x1] =	wrdreg $0xFFFFFFFF  }
0xad: {  	[dreg:$0x0] =	wrdreg $0x60  }
0xae: {  	[dreg:$0x2] =	wrdreg s24  }
0xaf: {  	[dreg:$0x3] =	wrdreg $0xC0000  }
0xb0: {  	[dreg:$0x4] =	wrdreg $0x9  }
0xb1: {  	_ =	task.clear_ibuf [dreg:s6], $0x5FFFF;
	_ =	strace $0x90000049  }
0xb2: {  	s29 =	simm.s32 $0x9;
	_ =	strace $0x8000004B  }
0xb3: {  	_ =	swait.ge [sflag:s29], $0x1  }
0xb4: {  	[sflag:s29] =	ssyncadd.s32 $0xFFFFFFFF  }
0xb5: {  	_ =	strace $0x9000004B  }
0xb6: {  	_ =	sfence  }
0xb7: {  	s30 =	sld [smem:$0x0];
	_ =	sdelay $0x2  }
0xb8: {  	s31 =	sshll.u32 s1, $0xD;
	s1 =	sshrl.u32 s1, $0x2  }
0xb9: {  	s3 =	sand.u32 $0x4000, s31;
	s1 =	sadd.s32 s1, s30  }
0xba: {  	s0 =	sor.u32 s3, s0;
	s1 =	sshll.u32 s1, $0x11  }
0xbb: {  	s0 =	sor.u32 s1, s0  }
0xbc: {  	s0 =	sadd.s32 $0x8F2B, s0  }
0xbd: {  	[sflag:s0] =	ssyncadd.remote.s32 $0x1  }
0xbe: {  	_ =	sfence.sel $0xFFFF  }
0xbf: {  	[dreg:$0x0] =	wrdreg $0xFFFFFFFF;
	(pc) =	sbr.abs _section_cstart, $3  }
0xc0: {  	[dreg:$0x1] =	wrdreg $0xFFFFFFFF  }
0xc1: {  	_ =	task.clear_ibuf [dreg:s6], $0x2FFFF;
	_ =	strace $0x9FFFFFFF  }
0xc2: {  	(tm) =	ssettm $0x7FFFFFFF  }
0xc3: {  	_ =	shalt  }
tec
execute0_lowered:
.L_overlay_start_1:
0x0: {  	(tag) =	ssettag $0x1  }
0x1: {  	s0 =	rddreg [dreg:$0x0]  }
0x2: {  	s1 =	rddreg [dreg:$0x1];
	s2 =	srdreg.scid;
	s3 =	simm.s32 $0x0  }
0x3: {  	s30 =	stileid.u32;
	s18 =	simm.s32 $0x2000;
	s19 =	simm.s32 $0x3  }
0x4: {  	s20 =	simm.s32 $0x1000;
	s21 =	simm.s32 $0x50;
	s22 =	simm.s32 $0x4800  }
0x5: {  	s23 =	simm.s32 $0x7000;
	s24 =	simm.s32 $0x9800;
	s25 =	simm.s32 $0x1  }
0x6: {  	s26 =	simm.s32 $0x2;
	s7 =	sand.u32 $0x1, s2;
	s8 =	smul.u32 $0x14000, s30  }
0x7: {  	[smem:$0x7FF] =	sst s3;
	s4 =	sadd.s32 $0x2600, s0;
	s10 =	smul.u32 $0x50000, s30  }
0x8: {  	s5 =	sadd.s32 $0x66C00, s0;
	s11 =	sshll.u32 s30, $0xB;
	s6 =	smul.u32 $0x140000, s7  }
0x9: {  	_ =	strace $0x8000004A;
	s9 =	ssub.s32 $0x2, s7;
	s7 =	sshll.u32 s7, $0xF  }
0xa: {  	s31 =	sshrl.u32 s9, $0x1;
	s10 =	sshrl.u32 s10, $0x2;
	s6 =	sadd.s32 s8, s6  }
0xb: {  	s7 =	sor.u32 s11, s7;
	s17 =	ssub.s32 s9, s31;
	s8 =	sshrl.u32 s6, $0x3  }
0xc: {  	s6 =	sadd.s32 $0x76C00, s0;
	s0 =	sadd.s32 s8, s0;
	s8 =	sadd.s32 s10, s1  }
0xd: {  	s17 =	smax.u32 s17, $0x1;
	s9 =	sadd.s32 $0x2800, s8;
	s10 =	sadd.s32 $0x5000, s8  }
0xe: {  	s11 =	sadd.s32 $0x7800, s8;
	s12 =	sadd.s32 $0xA000, s8;
	s13 =	sadd.s32 $0xC800, s8  }
0xf: {  	v0 =	vimm.f32 $0.0e+00;
	s14 =	sadd.s32 $0xF000, s8;
	s15 =	sadd.s32 $0x11800, s8;
	s16 =	sadd.s32 $0x86C00, s0  }
.LBB2_1:
0x10: {  	s28 =	simm.s32 $0x0;
	s29 =	simm.s32 $0x200  }
.LBB2_2:
0x11: {  	p0 =	sne.s32 s29, $0x9E00;
	[tilespmem:s28+$0x2070] =	vst v0  }
0x12: {  	[tilespmem:s28+$0x2000] =	vst v0  }
0x13: {  	[tilespmem:s28+$0x2010] =	vst v0  }
.Ltmp0:
0x14: {  	[tilespmem:s28+$0x2020] =	vst v0;
	(pc) =	sbr.rel @p0 .LBB2_2-.Ltmp0, $4  }
0x15: {  	[tilespmem:s28+$0x2030] =	vst v0  }
0x16: {  	[tilespmem:s28+$0x2040] =	vst v0  }
0x17: {  	[tilespmem:s28+$0x2050] =	vst v0  }
0x18: {  	[tilespmem:s28+$0x2060] =	vst v0;
	s28 =	sshra.s32 s29, $0x2;
	s29 =	sadd.s32 $0x200, s29  }
0x19: {  	[tilespmem:s28+$0x2070] =	vst v0  }
0x1a: {  	[tilespmem:s28+$0x2000] =	vst v0  }
0x1b: {  	[tilespmem:s28+$0x2010] =	vst v0  }
0x1c: {  	[tilespmem:s28+$0x2020] =	vst v0  }
0x1d: {  	[tilespmem:s28+$0x2030] =	vst v0  }
0x1e: {  	[tilespmem:s28+$0x2040] =	vst v0  }
0x1f: {  	[tilespmem:s28+$0x2050] =	vst v0  }
0x20: {  	[tilespmem:s28+$0x2060] =	vst v0  }
0x21: {  	[spmem:s8] =	stream.linear.scatter [tilespmem:s18], [sflag:$0x3], $0x2800, $0x38;
	v63 =	vld [tilespmem:$0x0]  }
0x22: {  	_ =	swait.ge [sflag:s19], $0x2800  }
0x23: {  	[sflag:s19] =	ssyncset.done $0x0  }
0x24: {  	[sflag:s19] =	ssyncadd.s32 $0xFFFFD800  }
0x25: {  	[spmem:s9] =	stream.linear.scatter [tilespmem:s18], [sflag:$0x3], $0x2800, $0x38;
	v63 =	vld [tilespmem:$0x0]  }
0x26: {  	_ =	swait.ge [sflag:s19], $0x2800  }
0x27: {  	[sflag:s19] =	ssyncset.done $0x0  }
0x28: {  	[sflag:s19] =	ssyncadd.s32 $0xFFFFD800  }
0x29: {  	[spmem:s10] =	stream.linear.scatter [tilespmem:s18], [sflag:$0x3], $0x2800, $0x38;
	v63 =	vld [tilespmem:$0x0]  }
0x2a: {  	_ =	swait.ge [sflag:s19], $0x2800  }
0x2b: {  	[sflag:s19] =	ssyncset.done $0x0  }
0x2c: {  	[sflag:s19] =	ssyncadd.s32 $0xFFFFD800  }
0x2d: {  	[spmem:s11] =	stream.linear.scatter [tilespmem:s18], [sflag:$0x3], $0x2800, $0x38;
	v63 =	vld [tilespmem:$0x0]  }
0x2e: {  	_ =	swait.ge [sflag:s19], $0x2800  }
0x2f: {  	[sflag:s19] =	ssyncset.done $0x0  }
0x30: {  	[sflag:s19] =	ssyncadd.s32 $0xFFFFD800  }
0x31: {  	[spmem:s12] =	stream.linear.scatter [tilespmem:s18], [sflag:$0x3], $0x2800, $0x38;
	v63 =	vld [tilespmem:$0x0]  }
0x32: {  	_ =	swait.ge [sflag:s19], $0x2800  }
0x33: {  	[sflag:s19] =	ssyncset.done $0x0  }
0x34: {  	[sflag:s19] =	ssyncadd.s32 $0xFFFFD800  }
0x35: {  	[spmem:s13] =	stream.linear.scatter [tilespmem:s18], [sflag:$0x3], $0x2800, $0x38;
	v63 =	vld [tilespmem:$0x0]  }
0x36: {  	_ =	swait.ge [sflag:s19], $0x2800  }
0x37: {  	[sflag:s19] =	ssyncset.done $0x0  }
0x38: {  	[sflag:s19] =	ssyncadd.s32 $0xFFFFD800  }
0x39: {  	[spmem:s14] =	stream.linear.scatter [tilespmem:s18], [sflag:$0x3], $0x2800, $0x38;
	v63 =	vld [tilespmem:$0x0]  }
0x3a: {  	_ =	swait.ge [sflag:s19], $0x2800  }
0x3b: {  	[sflag:s19] =	ssyncset.done $0x0  }
0x3c: {  	[sflag:s19] =	ssyncadd.s32 $0xFFFFD800  }
0x3d: {  	[spmem:s15] =	stream.linear.scatter [tilespmem:s18], [sflag:$0x3], $0x2800, $0x38;
	v63 =	vld [tilespmem:$0x0]  }
0x3e: {  	_ =	swait.ge [sflag:s19], $0x2800  }
0x3f: {  	[sflag:s19] =	ssyncset.done $0x0  }
0x40: {  	[sflag:s19] =	ssyncadd.s32 $0xFFFFD800  }
0x41: {  	s28 =	simm.s32 $0x0;
	s29 =	simm.s32 $0x0;
	[bflag:$0x0] =	sbarrier.arrive $0xFFFF  }
.LBB2_4:
0x42: {  	s0 =	sshll.u32 s29, $0x9  }
0x43: {  	s0 =	sadd.s32 s7, s0  }
0x44: {  	s30 =	sadd.s32 s5, s0  }
0x45: {  	[tilespmem:s28], [sflag:$0x3] =	stream.linear.gather [hbm4b:s30+s28], $0x1000, $0x38;
	v63 =	vld [tilespmem:$0x0]  }
0x46: {  	_ =	swait.ge [sflag:s19], $0x1000  }
0x47: {  	[sflag:s19] =	ssyncset.done $0x0  }
0x48: {  	s0 =	sadd.s32 s6, s0;
	[sflag:s19] =	ssyncadd.s32 $0xFFFFF000  }
0x49: {  	[tilespmem:s20], [sflag:$0x3] =	stream.linear.gather [hbm4b:s0+s28], $0x1000, $0x38;
	v63 =	vld [tilespmem:$0x0]  }
0x4a: {  	_ =	swait.ge [sflag:s19], $0x1000  }
0x4b: {  	[sflag:s19] =	ssyncset.done $0x0  }
0x4c: {  	s2 =	simm.s32 $0x0;
	[sflag:s19] =	ssyncadd.s32 $0xFFFFF000  }
0x4d: {  	[tilespmem:s18], [sflag:$0x1] =	stream.indirect.gather [hbm4b:s4+s21], $0x80, s2, s21, $0xb8;
	v63 =	vld [tilespmem:$0x0]  }
0x4e: {  	s2 =	simm.s32 $0x80  }
0x4f: {  	[tilespmem:s22], [sflag:$0x1] =	stream.indirect.gather [hbm4b:s4+s21], $0x80, s2, s21, $0xb8;
	v63 =	vld [tilespmem:$0x0]  }
0x50: {  	s2 =	simm.s32 $0x100  }
0x51: {  	[tilespmem:s23], [sflag:$0x1] =	stream.indirect.gather [hbm4b:s4+s21], $0x80, s2, s21, $0xb8;
	v63 =	vld [tilespmem:$0x0]  }
0x52: {  	s2 =	simm.s32 $0x180  }
0x53: {  	[tilespmem:s24], [sflag:$0x1] =	stream.indirect.gather [hbm4b:s4+s21], $0x80, s2, s21, $0xb8;
	v63 =	vld [tilespmem:$0x0]  }
0x54: {  	_ =	swait.ge [sflag:s25], $0x2800  }
0x55: {  	[sflag:s25] =	ssyncset.done $0x0  }
0x56: {  	s2 =	simm.s32 $0x1000;
	[sflag:s25] =	ssyncadd.s32 $0xFFFFD800  }
0x57: {  	[spmem:s1] =	stream.indirect.scatter.add.f32 [tilespmem:s18], [sflag:$0x2], $0x80, s2, s21, $0xb8;
	v63 =	vld [tilespmem:$0x0]  }
0x58: {  	_ =	swait.ge [sflag:s25], $0x2800  }
0x59: {  	[sflag:s25] =	ssyncset.done $0x0  }
0x5a: {  	s2 =	simm.s32 $0x1080;
	[sflag:s25] =	ssyncadd.s32 $0xFFFFD800  }
0x5b: {  	[spmem:s1] =	stream.indirect.scatter.add.f32 [tilespmem:s22], [sflag:$0x2], $0x80, s2, s21, $0xb8;
	v63 =	vld [tilespmem:$0x0]  }
0x5c: {  	_ =	swait.ge [sflag:s25], $0x2800  }
0x5d: {  	[sflag:s25] =	ssyncset.done $0x0  }
0x5e: {  	s2 =	simm.s32 $0x1100;
	[sflag:s25] =	ssyncadd.s32 $0xFFFFD800  }
0x5f: {  	[spmem:s1] =	stream.indirect.scatter.add.f32 [tilespmem:s23], [sflag:$0x2], $0x80, s2, s21, $0xb8;
	v63 =	vld [tilespmem:$0x0]  }
0x60: {  	_ =	swait.ge [sflag:s25], $0x2800  }
0x61: {  	[sflag:s25] =	ssyncset.done $0x0  }
0x62: {  	s2 =	simm.s32 $0x1180;
	[sflag:s25] =	ssyncadd.s32 $0xFFFFD800  }
0x63: {  	[spmem:s1] =	stream.indirect.scatter.add.f32 [tilespmem:s24], [sflag:$0x2], $0x80, s2, s21, $0xb8;
	v63 =	vld [tilespmem:$0x0]  }
0x64: {  	_ =	swait.ge [sflag:s26], $0x2800  }
0x65: {  	[sflag:s26] =	ssyncset.done $0x0  }
0x66: {  	[sflag:s26] =	ssyncadd.s32 $0xFFFFD800  }
0x67: {  	_ =	swait.ge [sflag:s26], $0x2800  }
0x68: {  	[sflag:s26] =	ssyncset.done $0x0  }
0x69: {  	[sflag:s26] =	ssyncadd.s32 $0xFFFFD800  }
0x6a: {  	_ =	swait.ge [sflag:s26], $0x2800  }
0x6b: {  	[sflag:s26] =	ssyncset.done $0x0  }
0x6c: {  	[sflag:s26] =	ssyncadd.s32 $0xFFFFD800  }
0x6d: {  	_ =	swait.ge [sflag:s26], $0x2800  }
0x6e: {  	s31 =	simm.s32 $0x1000;
	s30 =	simm.s32 $0x800;
	[sflag:s26] =	ssyncset.done $0x0  }
.LBB2_5:
0x6f: {  	s2 =	sshra.s32 s30, $0x2  }
0x70: {  	[sflag:s26] =	ssyncadd.s32 $0xFFFFD800;
	s30 =	smov.u32 s31;
	s0 =	sadd.s32 $0x800, s31  }
0x71: {  	[tilespmem:s18], [sflag:$0x1] =	stream.indirect.gather [hbm4b:s4+s21], $0x80, s2, s21, $0xb8;
	v63 =	vld [tilespmem:$0x0]  }
0x72: {  	p0 =	sne.s32 s31, $0x3800;
	s31 =	sadd.s32 $0x80, s2  }
0x73: {  	[tilespmem:s22], [sflag:$0x1] =	stream.indirect.gather [hbm4b:s4+s21], $0x80, s31, s21, $0xb8;
	v63 =	vld [tilespmem:$0x0]  }
0x74: {  	s31 =	sadd.s32 $0x100, s2  }
0x75: {  	[tilespmem:s23], [sflag:$0x1] =	stream.indirect.gather [hbm4b:s4+s21], $0x80, s31, s21, $0xb8;
	v63 =	vld [tilespmem:$0x0]  }
0x76: {  	s31 =	sadd.s32 $0x180, s2  }
0x77: {  	[tilespmem:s24], [sflag:$0x1] =	stream.indirect.gather [hbm4b:s4+s21], $0x80, s31, s21, $0xb8;
	v63 =	vld [tilespmem:$0x0]  }
0x78: {  	_ =	swait.ge [sflag:s25], $0x2800  }
0x79: {  	[sflag:s25] =	ssyncset.done $0x0  }
0x7a: {  	s31 =	sadd.s32 $0x1000, s2;
	[sflag:s25] =	ssyncadd.s32 $0xFFFFD800  }
0x7b: {  	[spmem:s1] =	stream.indirect.scatter.add.f32 [tilespmem:s18], [sflag:$0x2], $0x80, s31, s21, $0xb8;
	v63 =	vld [tilespmem:$0x0]  }
0x7c: {  	_ =	swait.ge [sflag:s25], $0x2800  }
0x7d: {  	[sflag:s25] =	ssyncset.done $0x0  }
0x7e: {  	s31 =	sadd.s32 $0x1080, s2;
	[sflag:s25] =	ssyncadd.s32 $0xFFFFD800  }
0x7f: {  	[spmem:s1] =	stream.indirect.scatter.add.f32 [tilespmem:s22], [sflag:$0x2], $0x80, s31, s21, $0xb8;
	v63 =	vld [tilespmem:$0x0]  }
0x80: {  	_ =	swait.ge [sflag:s25], $0x2800  }
0x81: {  	[sflag:s25] =	ssyncset.done $0x0  }
0x82: {  	s31 =	sadd.s32 $0x1100, s2;
	[sflag:s25] =	ssyncadd.s32 $0xFFFFD800  }
0x83: {  	[spmem:s1] =	stream.indirect.scatter.add.f32 [tilespmem:s23], [sflag:$0x2], $0x80, s31, s21, $0xb8;
	v63 =	vld [tilespmem:$0x0]  }
0x84: {  	_ =	swait.ge [sflag:s25], $0x2800  }
0x85: {  	[sflag:s25] =	ssyncset.done $0x0  }
0x86: {  	s2 =	sadd.s32 $0x1180, s2;
	[sflag:s25] =	ssyncadd.s32 $0xFFFFD800  }
0x87: {  	[spmem:s1] =	stream.indirect.scatter.add.f32 [tilespmem:s24], [sflag:$0x2], $0x80, s2, s21, $0xb8;
	v63 =	vld [tilespmem:$0x0]  }
0x88: {  	_ =	swait.ge [sflag:s26], $0x2800  }
0x89: {  	[sflag:s26] =	ssyncset.done $0x0  }
0x8a: {  	[sflag:s26] =	ssyncadd.s32 $0xFFFFD800  }
0x8b: {  	_ =	swait.ge [sflag:s26], $0x2800  }
0x8c: {  	[sflag:s26] =	ssyncset.done $0x0  }
0x8d: {  	[sflag:s26] =	ssyncadd.s32 $0xFFFFD800  }
.Ltmp1:
0x8e: {  	_ =	swait.ge [sflag:s26], $0x2800;
	(pc) =	sbr.rel @p0 .LBB2_5-.Ltmp1, $4  }
0x8f: {  	[sflag:s26] =	ssyncset.done $0x0  }
0x90: {  	[sflag:s26] =	ssyncadd.s32 $0xFFFFD800  }
0x91: {  	_ =	swait.ge [sflag:s26], $0x2800  }
0x92: {  	s31 =	smov.u32 s0;
	[sflag:s26] =	ssyncset.done $0x0  }
0x93: {  	s0 =	sshra.s32 s30, $0x2;
	[sflag:s26] =	ssyncadd.s32 $0xFFFFD800  }
0x94: {  	[tilespmem:s18], [sflag:$0x1] =	stream.indirect.gather [hbm4b:s4+s21], $0x80, s0, s21, $0xb8;
	v63 =	vld [tilespmem:$0x0]  }
0x95: {  	s2 =	sadd.s32 $0x80, s0  }
0x96: {  	[tilespmem:s22], [sflag:$0x1] =	stream.indirect.gather [hbm4b:s4+s21], $0x80, s2, s21, $0xb8;
	v63 =	vld [tilespmem:$0x0]  }
0x97: {  	s31 =	sadd.s32 $0x100, s0  }
0x98: {  	[tilespmem:s23], [sflag:$0x1] =	stream.indirect.gather [hbm4b:s4+s21], $0x80, s31, s21, $0xb8;
	v63 =	vld [tilespmem:$0x0]  }
0x99: {  	s30 =	sadd.s32 $0x180, s0  }
0x9a: {  	[tilespmem:s24], [sflag:$0x1] =	stream.indirect.gather [hbm4b:s4+s21], $0x80, s30, s21, $0xb8;
	v63 =	vld [tilespmem:$0x0]  }
0x9b: {  	_ =	swait.ge [sflag:s25], $0x2800  }
0x9c: {  	[sflag:s25] =	ssyncset.done $0x0  }
0x9d: {  	s31 =	sadd.s32 $0x1000, s0;
	[sflag:s25] =	ssyncadd.s32 $0xFFFFD800  }
0x9e: {  	[spmem:s1] =	stream.indirect.scatter.add.f32 [tilespmem:s18], [sflag:$0x2], $0x80, s31, s21, $0xb8;
	v63 =	vld [tilespmem:$0x0]  }
0x9f: {  	_ =	swait.ge [sflag:s25], $0x2800  }
0xa0: {  	[sflag:s25] =	ssyncset.done $0x0  }
0xa1: {  	s30 =	sadd.s32 $0x1080, s0;
	[sflag:s25] =	ssyncadd.s32 $0xFFFFD800  }
0xa2: {  	[spmem:s1] =	stream.indirect.scatter.add.f32 [tilespmem:s22], [sflag:$0x2], $0x80, s30, s21, $0xb8;
	v63 =	vld [tilespmem:$0x0]  }
0xa3: {  	_ =	swait.ge [sflag:s25], $0x2800  }
0xa4: {  	[sflag:s25] =	ssyncset.done $0x0  }
0xa5: {  	s31 =	sadd.s32 $0x1100, s0;
	[sflag:s25] =	ssyncadd.s32 $0xFFFFD800  }
0xa6: {  	[spmem:s1] =	stream.indirect.scatter.add.f32 [tilespmem:s23], [sflag:$0x2], $0x80, s31, s21, $0xb8;
	v63 =	vld [tilespmem:$0x0]  }
0xa7: {  	_ =	swait.ge [sflag:s25], $0x2800  }
0xa8: {  	[sflag:s25] =	ssyncset.done $0x0  }
0xa9: {  	s0 =	sadd.s32 $0x1180, s0;
	[sflag:s25] =	ssyncadd.s32 $0xFFFFD800  }
0xaa: {  	[spmem:s1] =	stream.indirect.scatter.add.f32 [tilespmem:s24], [sflag:$0x2], $0x80, s0, s21, $0xb8;
	v63 =	vld [tilespmem:$0x0]  }
0xab: {  	_ =	swait.ge [sflag:s26], $0x2800  }
0xac: {  	[sflag:s26] =	ssyncset.done $0x0  }
0xad: {  	[sflag:s26] =	ssyncadd.s32 $0xFFFFD800  }
0xae: {  	_ =	swait.ge [sflag:s26], $0x2800  }
0xaf: {  	[sflag:s26] =	ssyncset.done $0x0  }
0xb0: {  	s29 =	sadd.s32 $0x1, s29;
	[sflag:s26] =	ssyncadd.s32 $0xFFFFD800  }
0xb1: {  	p0 =	sne.s32 s29, $0x4;
	_ =	swait.ge [sflag:s26], $0x2800  }
.Ltmp2:
0xb2: {  	[sflag:s26] =	ssyncset.done $0x0;
	(pc) =	sbr.rel @p0 .LBB2_4-.Ltmp2, $4  }
0xb3: {  	[sflag:s26] =	ssyncadd.s32 $0xFFFFD800  }
0xb4: {  	_ =	swait.ge [sflag:s26], $0x2800  }
0xb5: {  	[sflag:s26] =	ssyncset.done $0x0  }
0xb6: {  	[sflag:s26] =	ssyncadd.s32 $0xFFFFD800  }
0xb7: {  	s0 =	stileid.u32;
	s3 =	sadd.s32 $0x1, s3  }
0xb8: {  	[bflag:$0x0] =	sbarrier.arrive $0xFFFF;
	s0 =	sshll.u32 s0, $0x6;
	p0 =	sne.s32 s3, s17  }
.Ltmp3:
0xb9: {  	s2 =	sshrl.u32 s8, $0x3;
	s0 =	sor.u32 $0x1C03, s0;
	(pc) =	sbr.rel @p0 .LBB2_1-.Ltmp3, $4  }
0xba: {  	[hbm:s16], [sflag:s0] =	dma.local [spmem:s2], $0x2800  }
0xbb: {  	_ =	swait.ge [sflag:s19], $0x2800  }
0xbc: {  	[sflag:s19] =	ssyncset.done $0x0  }
0xbd: {  	[sflag:s19] =	ssyncadd.s32 $0xFFFFD800  }
0xbe: {  	_ =	sfence.sel $0x180000  }
0xbf: {  	[bflag:$0x0] =	sbarrier.arrive $0xFFFF  }
0xc0: {  	_ =	strace $0x9000004A  }
0xc1: {  	s0 =	stileid.u32;
	[bflag:$0x2] =	sbarrier.arrive $0xFFFF  }
0xc2: {  	p0 =	sne.s32 s0, $0x0;
	s0 =	rddreg [dreg:$0x2]  }
0xc3: {  	s0 =	sadd.s32 @!p0 $0x100000, s0  }
0xc4: {  	[sflag:s0] =	ssyncadd.tile.s32 @!p0 $0x1;
	_ =	shalt  }
.Lfunc_end2:
_tile_overlayer_lowered:
.L_overlay_start_2:
0xc5: {  	(tag) =	ssettag $0x2  }
0xc6: {  	s0 =	rddreg [dreg:$0x0];
	s2 =	stileid.u32  }
0xc7: {  	s1 =	rddreg [dreg:$0x1];
	p0 =	sne.s32 s2, $0x0  }
0xc8: {  	s3 =	rddreg [dreg:$0x2];
	[bflag:$0x3] =	sbarrier.arrive $0xFFFF;
	s2 =	simm.s32 @!p0 $0x1C03  }
0xc9: {  	[timem:s3], [sflag:s2] =	dma.local @!p0 [hbm:s0], s1  }
0xca: {  	s0 =	simm.s32 @!p0 $0x3  }
0xcb: {  	_ =	swait.ge @!p0 [sflag:s0], s1  }
0xcc: {  	s1 =	ssub.s32 @!p0 $0x0, s1;
	[sflag:s0] =	ssyncset.done @!p0 $0x0  }
0xcd: {  	[sflag:s0] =	ssyncadd.s32 @!p0 s1  }
0xce: {  	[bflag:$0x3] =	sbarrier.arrive $0xFFFF  }
0xcf: {  	_ =	shalt  }

// kernel: kernel.14.cloned.1.call-start
scs
__scs_entry_jumppad:
0x0: {  	(pc) =	sbr.rel $0x88, $3  }
0x1: {  	(tag) =	ssettag $0x0;
	lr =	simm.s32 $0x1  }
0x2: {  	[smem:$0x3F95] =	sst lr;
	_ =	strace $0xD0000000  }
0x3: {  	_ = 	snop  }
0x4: {  	_ = 	snop  }
0x5: {  	_ = 	snop  }
0x6: {  	_ = 	snop  }
0x7: {  	_ = 	snop  }
__scs_overlays_trampoline_lowered:
0x8: {  	[smem:$0x3FA4] =	sst s0  }
0x9: {  	[smem:$0x3FA5] =	sst s1  }
0xa: {  	[smem:$0x3FA6] =	sst s2  }
0xb: {  	[smem:$0x3FA7] =	sst s3  }
0xc: {  	[smem:$0x3FA8] =	sst s4  }
0xd: {  	[smem:$0x3FA9] =	sst s5  }
0xe: {  	[smem:$0x3FAA] =	sst s6  }
0xf: {  	[smem:$0x3FAB] =	sst s7  }
0x10: {  	[smem:$0x3FAC] =	sst s8  }
0x11: {  	[smem:$0x3FAD] =	sst s9;
	s0 =	simm.s32 @!p0 $0x0  }
0x12: {  	s1 =	sld [smem:$0x3F93];
	s0 =	simm.s32 @p0 $0x1  }
0x13: {  	[smem:$0x3FAE] =	sst s0;
	s0 =	simm.s32 @!p1 $0x0  }
0x14: {  	s2 =	sld [smem:$0x3F92];
	s0 =	simm.s32 @p1 $0x1  }
0x15: {  	[smem:$0x3FAF] =	sst s0;
	s0 =	simm.s32 @!p2 $0x0  }
0x16: {  	s3 =	sld [smem:$0x3FDB];
	s0 =	simm.s32 @p2 $0x1  }
0x17: {  	s4 =	simm.s32 $0x1BF5;
	[smem:$0x3FB1] =	sst s0  }
0x18: {  	s0 =	sld [smem:$0x3F94];
	_ =	swait.ge [sflag:s4], $0x0  }
0x19: {  	s7 =	sld [smem:$0x3F95]  }
0x1a: {  	s8 =	sadd.s32 $0xFFFFE003, lr  }
0x1b: {  	s9 =	sadd.s32 $0xFFFFFEF7, lr;
	s5 =	simm.s32 $0xFFFFFFFF;
	p2 =	slt.u32 s8, $0xFFFFF086  }
0x1c: {  	p1 =	slt.u32 s9, $0xF7A;
	s5 =	simm.s32 @!p2 $0x0  }
0x1d: {  	s5 =	simm.s32 @p1 $0x1;
	p0 =	seq.s32 s7, s2  }
0x1e: {  	s7 =	smul.u32 @!p0 $0xF7A, s2;
	p2 =	seq.s32 @!p0 s5, $0x0  }
0x1f: {  	s9 =	smul.u32 $0xF7A, s1;
	s8 =	simm.s32 @!p0 $0x1BF5;
	p2 =	por !p2, p0  }
0x20: {  	[sflag:s8] =	ssyncset.s32 @!p0 $0xFFFFF086;
	s6 =	sadd.s32 @!p0 s3, s7;
	s7 =	simm.s32 @!p0 $0x108  }
0x21: {  	s3 =	sadd.s32 s3, s9;
	s6 =	sadd.s32 @!p0 $0x88, s6;
	s7 =	simm.s32 @p2 $0x1082  }
0x22: {  	[simem:s7], [sflag:s8] =	dma.local @!p0 [hbm:s6], $0xF7A  }
0x23: {  	s9 =	sor.u32 $0xD0000000, s2;
	s6 =	simm.s32 $0x108;
	_ =	swait.ge @!p0 [sflag:s8], $0x0  }
0x24: {  	s3 =	sadd.s32 $0x88, s3;
	s6 =	simm.s32 @!p1 $0x1082;
	[sflag:s4] =	ssyncset.s32 $0xFFFFF086  }
0x25: {  	[simem:s6], [sflag:s4] =	dma.local [hbm:s3], $0xF7A  }
0x26: {  	[smem:$0x3F95] =	sst s1;
	(tag) =	ssettag s2;
	_ =	strace s9  }
0x27: {  	s1 =	sld [smem:$0x3FA5]  }
0x28: {  	s2 =	sld [smem:$0x3FA6]  }
0x29: {  	s4 =	sld [smem:$0x3FA8]  }
0x2a: {  	p0 =	seq.s32 s5, $0x0;
	s5 =	sld [smem:$0x3FA9]  }
0x2b: {  	s6 =	sld [smem:$0x3FAA]  }
0x2c: {  	s7 =	sld [smem:$0x3FAB]  }
0x2d: {  	s3 =	simm.s32 $0x108;
	s8 =	sld [smem:$0x3FAC]  }
0x2e: {  	s3 =	simm.s32 @!p0 $0x1082;
	s9 =	sld [smem:$0x3FAD]  }
0x2f: {  	lr =	sadd.s32 s0, s3;
	s0 =	sld [smem:$0x3FA4]  }
0x30: {  	s3 =	sld [smem:$0x3FA7]  }
0x31: {  	[smem:$0x3FB0] =	sst s10  }
0x32: {  	s10 =	sld [smem:$0x3FAE];
	_ =	sdelay $0x3  }
0x33: {  	p0 =	seq.s32 s10, $0x1;
	s10 =	sld [smem:$0x3FB0];
	_ =	sdelay $0x3  }
0x34: {  	[smem:$0x3FB0] =	sst s10  }
0x35: {  	s10 =	sld [smem:$0x3FAF];
	_ =	sdelay $0x3  }
0x36: {  	p1 =	seq.s32 s10, $0x1;
	s10 =	sld [smem:$0x3FB0];
	_ =	sdelay $0x3  }
0x37: {  	[smem:$0x3FB0] =	sst s10  }
0x38: {  	s10 =	sld [smem:$0x3FB1]  }
0x39: {  	_ = 	snop;
	(pc) =	sbr.ind lr, $3  }
0x3a: {  	_ = 	snop  }
0x3b: {  	_ = 	snop  }
0x3c: {  	p2 =	seq.s32 s10, $0x1;
	s10 =	sld [smem:$0x3FB0]  }
0x3d: {  	_ =	shalt  }
0x3e: {  	_ =	shalt  }
0x3f: {  	_ =	shalt  }
0x40: {  	_ =	shalt  }
0x41: {  	_ =	shalt  }
0x42: {  	_ =	shalt  }
0x43: {  	_ =	shalt  }
0x44: {  	_ =	shalt  }
0x45: {  	_ =	shalt  }
0x46: {  	_ =	shalt  }
0x47: {  	_ =	shalt  }
0x48: {  	_ =	shalt  }
0x49: {  	_ =	shalt  }
0x4a: {  	_ =	shalt  }
0x4b: {  	_ =	shalt  }
0x4c: {  	_ =	shalt  }
0x4d: {  	_ =	shalt  }
0x4e: {  	_ =	shalt  }
0x4f: {  	_ =	shalt  }
0x50: {  	_ =	shalt  }
0x51: {  	_ =	shalt  }
0x52: {  	_ =	shalt  }
0x53: {  	_ =	shalt  }
0x54: {  	_ =	shalt  }
0x55: {  	_ =	shalt  }
0x56: {  	_ =	shalt  }
0x57: {  	_ =	shalt  }
0x58: {  	_ =	shalt  }
0x59: {  	_ =	shalt  }
0x5a: {  	_ =	shalt  }
0x5b: {  	_ =	shalt  }
0x5c: {  	_ =	shalt  }
0x5d: {  	_ =	shalt  }
0x5e: {  	_ =	shalt  }
0x5f: {  	_ =	shalt  }
0x60: {  	_ =	shalt  }
0x61: {  	_ =	shalt  }
0x62: {  	_ =	shalt  }
0x63: {  	_ =	shalt  }
0x64: {  	_ =	shalt  }
0x65: {  	_ =	shalt  }
0x66: {  	_ =	shalt  }
0x67: {  	_ =	shalt  }
0x68: {  	_ =	shalt  }
0x69: {  	_ =	shalt  }
0x6a: {  	_ =	shalt  }
0x6b: {  	_ =	shalt  }
0x6c: {  	_ =	shalt  }
0x6d: {  	_ =	shalt  }
0x6e: {  	_ =	shalt  }
0x6f: {  	_ =	shalt  }
0x70: {  	_ =	shalt  }
0x71: {  	_ =	shalt  }
0x72: {  	_ =	shalt  }
0x73: {  	_ =	shalt  }
0x74: {  	_ =	shalt  }
0x75: {  	_ =	shalt  }
0x76: {  	_ =	shalt  }
0x77: {  	_ =	shalt  }
0x78: {  	_ =	shalt  }
0x79: {  	_ =	shalt  }
0x7a: {  	_ =	shalt  }
0x7b: {  	_ =	shalt  }
0x7c: {  	_ =	shalt  }
0x7d: {  	_ =	shalt  }
0x7e: {  	_ =	shalt  }
0x7f: {  	_ =	shalt  }
0x80: {  	_ =	shalt  }
0x81: {  	_ =	shalt  }
0x82: {  	_ =	shalt  }
0x83: {  	_ =	shalt  }
0x84: {  	_ =	shalt  }
0x85: {  	_ =	shalt  }
0x86: {  	_ =	shalt  }
0x87: {  	_ =	shalt  }
.Lfunc_end0:
.L_simem_size_0:
called_computation.2_lowered:
.L_overlay_start_0:
0x88: {  	s2 =	sld [smem:$0x3FD9]  }
0x89: {  	s3 =	sld [smem:$0x3FFE];
	_ =	sdelay $0x1  }
0x8a: {  	s1 =	srdreg.scid  }
0x8b: {  	s0 =	sand.u32 $0x1, s1  }
0x8c: {  	s16 =	sshll.u32 s0, $0xA;
	s2 =	sadd.s32 s3, s2  }
0x8d: {  	s2 =	sadd.s32 s2, s16  }
0x8e: {  	[smem:$0x3FBC] =	sst s2  }
0x8f: {  	_ = 	snop  }
0x90: {  	(tm) =	ssettm $0x1  }
0x91: {  	s17 =	sld [smem:$0x3FFB];
	_ =	sdelay $0x3  }
0x92: {  	_ =	strace s17  }
0x93: {  	s2 =	sld [smem:$0x3FFC];
	_ =	sdelay $0x3  }
0x94: {  	_ =	strace s2  }
0x95: {  	s2 =	sld [smem:$0x3FFD];
	_ =	sdelay $0x3  }
0x96: {  	_ =	strace s2  }
0x97: {  	_ =	strace $0x8FFFFFFF  }
0x98: {  	s18 =	sld [smem:$0x3FDB];
	_ =	sdelay $0x1  }
0x99: {  	s19 =	simm.s32 $_scs_section_size  }
0x9a: {  	s4 =	simm.s32 $_size__tile_overlayer_lowered;
	s5 =	simm.s32 $_tile_overlayer_lowered  }
0x9b: {  	s22 =	simm.s32 $0x1BFF;
	s21 =	sshll.u32 s5, $0x1;
	s2 =	sadd.s32 s19, s18  }
0x9c: {  	s6 =	simm.s32 $0x0;
	s20 =	sshll.u32 s4, $0x1;
	s4 =	sadd.s32 s21, s2  }
0x9d: {  	[timem:s6], [sflag:s22] =	dma.local [hbm:s4], s20  }
0x9e: {  	_ =	swait.ge [sflag:s22], s20  }
0x9f: {  	s3 =	ssub.s32 $0x0, s20;
	[sflag:s22] =	ssyncset.done $0x0  }
0xa0: {  	[sflag:s22] =	ssyncadd.s32 s3;
	_ =	sdelay $0x1  }
0xa1: {  	s23 =	simm.s32 $0x1B8B  }
0xa2: {  	_ =	swait.ge [sflag:s23], $0x1  }
0xa3: {  	[sflag:s23] =	ssyncset.done $0x0  }
0xa4: {  	s25 =	simm.s32 $0x1B8E;
	s24 =	sld [smem:$0x3FFE];
	[sflag:s23] =	ssyncadd.s32 $0xFFFFFFFF  }
0xa5: {  	s26 =	simm.s32 $execute0_lowered;
	[smem:$0x3FD2] =	sst s25  }
0xa6: {  	s4 =	sshll.u32 s26, $0x1;
	_ =	strace $0x8000004C;
	[dreg:$0x1] =	wrdreg $0xFFFFFFFF  }
0xa7: {  	s28 =	simm.s32 $_size_execute0_lowered;
	s2 =	sadd.s32 s2, s4;
	[dreg:$0x0] =	wrdreg $0x0  }
0xa8: {  	s4 =	sshll.u32 s28, $0x1;
	[dreg:$0x2] =	wrdreg s2  }
0xa9: {  	[dreg:$0x3] =	wrdreg s4  }
0xaa: {  	[dreg:$0x4] =	wrdreg $0xC0  }
0xab: {  	_ =	task [dreg:s6], $0x5FFFF  }
0xac: {  	[dreg:$0x1] =	wrdreg $0xFFFFFFFF  }
0xad: {  	[dreg:$0x0] =	wrdreg $0x60  }
0xae: {  	[dreg:$0x2] =	wrdreg s24  }
0xaf: {  	[dreg:$0x3] =	wrdreg $0xC0000  }
0xb0: {  	[dreg:$0x4] =	wrdreg $0x9  }
0xb1: {  	_ =	task.clear_ibuf [dreg:s6], $0x5FFFF;
	_ =	strace $0x9000004C  }
0xb2: {  	s29 =	simm.s32 $0x9;
	_ =	strace $0x8000004E  }
0xb3: {  	_ =	swait.ge [sflag:s29], $0x1  }
0xb4: {  	[sflag:s29] =	ssyncadd.s32 $0xFFFFFFFF  }
0xb5: {  	_ =	strace $0x9000004E  }
0xb6: {  	_ =	sfence  }
0xb7: {  	s30 =	sld [smem:$0x0];
	_ =	sdelay $0x2  }
0xb8: {  	s31 =	sshll.u32 s1, $0xD;
	s1 =	sshrl.u32 s1, $0x2  }
0xb9: {  	s3 =	sand.u32 $0x4000, s31;
	s1 =	sadd.s32 s1, s30  }
0xba: {  	s0 =	sor.u32 s3, s0;
	s1 =	sshll.u32 s1, $0x11  }
0xbb: {  	s0 =	sor.u32 s1, s0  }
0xbc: {  	s0 =	sadd.s32 $0x8F2B, s0  }
0xbd: {  	[sflag:s0] =	ssyncadd.remote.s32 $0x1  }
0xbe: {  	_ =	sfence.sel $0xFFFF  }
0xbf: {  	[dreg:$0x0] =	wrdreg $0xFFFFFFFF;
	(pc) =	sbr.abs _section_cstart, $3  }
0xc0: {  	[dreg:$0x1] =	wrdreg $0xFFFFFFFF  }
0xc1: {  	_ =	task.clear_ibuf [dreg:s6], $0x2FFFF;
	_ =	strace $0x9FFFFFFF  }
0xc2: {  	(tm) =	ssettm $0x7FFFFFFF  }
0xc3: {  	_ =	shalt  }
tec
execute0_lowered:
.L_overlay_start_1:
0x0: {  	(tag) =	ssettag $0x1  }
0x1: {  	s0 =	rddreg [dreg:$0x0]  }
0x2: {  	s1 =	rddreg [dreg:$0x1];
	s2 =	srdreg.scid;
	s3 =	simm.s32 $0x0  }
0x3: {  	s30 =	stileid.u32;
	s18 =	simm.s32 $0x2000;
	s19 =	simm.s32 $0x3  }
0x4: {  	s20 =	simm.s32 $0x1000;
	s21 =	simm.s32 $0x50;
	s22 =	simm.s32 $0x4800  }
0x5: {  	s23 =	simm.s32 $0x7000;
	s24 =	simm.s32 $0x9800;
	s25 =	simm.s32 $0x1  }
0x6: {  	s26 =	simm.s32 $0x2;
	s7 =	sand.u32 $0x1, s2;
	s8 =	smul.u32 $0x14000, s30  }
0x7: {  	[smem:$0x7FF] =	sst s3;
	s4 =	sadd.s32 $0x2600, s0;
	s10 =	smul.u32 $0x50000, s30  }
0x8: {  	s5 =	sadd.s32 $0x66C00, s0;
	s11 =	sshll.u32 s30, $0xB;
	s6 =	smul.u32 $0x140000, s7  }
0x9: {  	_ =	strace $0x8000004D;
	s9 =	ssub.s32 $0x2, s7;
	s7 =	sshll.u32 s7, $0xF  }
0xa: {  	s31 =	sshrl.u32 s9, $0x1;
	s10 =	sshrl.u32 s10, $0x2;
	s6 =	sadd.s32 s8, s6  }
0xb: {  	s7 =	sor.u32 s11, s7;
	s17 =	ssub.s32 s9, s31;
	s8 =	sshrl.u32 s6, $0x3  }
0xc: {  	s6 =	sadd.s32 $0x76C00, s0;
	s0 =	sadd.s32 s8, s0;
	s8 =	sadd.s32 s10, s1  }
0xd: {  	s17 =	smax.u32 s17, $0x1;
	s9 =	sadd.s32 $0x2800, s8;
	s10 =	sadd.s32 $0x5000, s8  }
0xe: {  	s11 =	sadd.s32 $0x7800, s8;
	s12 =	sadd.s32 $0xA000, s8;
	s13 =	sadd.s32 $0xC800, s8  }
0xf: {  	v0 =	vimm.f32 $0.0e+00;
	s14 =	sadd.s32 $0xF000, s8;
	s15 =	sadd.s32 $0x11800, s8;
	s16 =	sadd.s32 $0x86C00, s0  }
.LBB2_1:
0x10: {  	s28 =	simm.s32 $0x0;
	s29 =	simm.s32 $0x200  }
.LBB2_2:
0x11: {  	p0 =	sne.s32 s29, $0x9E00;
	[tilespmem:s28+$0x2070] =	vst v0  }
0x12: {  	[tilespmem:s28+$0x2000] =	vst v0  }
0x13: {  	[tilespmem:s28+$0x2010] =	vst v0  }
.Ltmp0:
0x14: {  	[tilespmem:s28+$0x2020] =	vst v0;
	(pc) =	sbr.rel @p0 .LBB2_2-.Ltmp0, $4  }
0x15: {  	[tilespmem:s28+$0x2030] =	vst v0  }
0x16: {  	[tilespmem:s28+$0x2040] =	vst v0  }
0x17: {  	[tilespmem:s28+$0x2050] =	vst v0  }
0x18: {  	[tilespmem:s28+$0x2060] =	vst v0;
	s28 =	sshra.s32 s29, $0x2;
	s29 =	sadd.s32 $0x200, s29  }
0x19: {  	[tilespmem:s28+$0x2070] =	vst v0  }
0x1a: {  	[tilespmem:s28+$0x2000] =	vst v0  }
0x1b: {  	[tilespmem:s28+$0x2010] =	vst v0  }
0x1c: {  	[tilespmem:s28+$0x2020] =	vst v0  }
0x1d: {  	[tilespmem:s28+$0x2030] =	vst v0  }
0x1e: {  	[tilespmem:s28+$0x2040] =	vst v0  }
0x1f: {  	[tilespmem:s28+$0x2050] =	vst v0  }
0x20: {  	[tilespmem:s28+$0x2060] =	vst v0  }
0x21: {  	[spmem:s8] =	stream.linear.scatter [tilespmem:s18], [sflag:$0x3], $0x2800, $0x38;
	v63 =	vld [tilespmem:$0x0]  }
0x22: {  	_ =	swait.ge [sflag:s19], $0x2800  }
0x23: {  	[sflag:s19] =	ssyncset.done $0x0  }
0x24: {  	[sflag:s19] =	ssyncadd.s32 $0xFFFFD800  }
0x25: {  	[spmem:s9] =	stream.linear.scatter [tilespmem:s18], [sflag:$0x3], $0x2800, $0x38;
	v63 =	vld [tilespmem:$0x0]  }
0x26: {  	_ =	swait.ge [sflag:s19], $0x2800  }
0x27: {  	[sflag:s19] =	ssyncset.done $0x0  }
0x28: {  	[sflag:s19] =	ssyncadd.s32 $0xFFFFD800  }
0x29: {  	[spmem:s10] =	stream.linear.scatter [tilespmem:s18], [sflag:$0x3], $0x2800, $0x38;
	v63 =	vld [tilespmem:$0x0]  }
0x2a: {  	_ =	swait.ge [sflag:s19], $0x2800  }
0x2b: {  	[sflag:s19] =	ssyncset.done $0x0  }
0x2c: {  	[sflag:s19] =	ssyncadd.s32 $0xFFFFD800  }
0x2d: {  	[spmem:s11] =	stream.linear.scatter [tilespmem:s18], [sflag:$0x3], $0x2800, $0x38;
	v63 =	vld [tilespmem:$0x0]  }
0x2e: {  	_ =	swait.ge [sflag:s19], $0x2800  }
0x2f: {  	[sflag:s19] =	ssyncset.done $0x0  }
0x30: {  	[sflag:s19] =	ssyncadd.s32 $0xFFFFD800  }
0x31: {  	[spmem:s12] =	stream.linear.scatter [tilespmem:s18], [sflag:$0x3], $0x2800, $0x38;
	v63 =	vld [tilespmem:$0x0]  }
0x32: {  	_ =	swait.ge [sflag:s19], $0x2800  }
0x33: {  	[sflag:s19] =	ssyncset.done $0x0  }
0x34: {  	[sflag:s19] =	ssyncadd.s32 $0xFFFFD800  }
0x35: {  	[spmem:s13] =	stream.linear.scatter [tilespmem:s18], [sflag:$0x3], $0x2800, $0x38;
	v63 =	vld [tilespmem:$0x0]  }
0x36: {  	_ =	swait.ge [sflag:s19], $0x2800  }
0x37: {  	[sflag:s19] =	ssyncset.done $0x0  }
0x38: {  	[sflag:s19] =	ssyncadd.s32 $0xFFFFD800  }
0x39: {  	[spmem:s14] =	stream.linear.scatter [tilespmem:s18], [sflag:$0x3], $0x2800, $0x38;
	v63 =	vld [tilespmem:$0x0]  }
0x3a: {  	_ =	swait.ge [sflag:s19], $0x2800  }
0x3b: {  	[sflag:s19] =	ssyncset.done $0x0  }
0x3c: {  	[sflag:s19] =	ssyncadd.s32 $0xFFFFD800  }
0x3d: {  	[spmem:s15] =	stream.linear.scatter [tilespmem:s18], [sflag:$0x3], $0x2800, $0x38;
	v63 =	vld [tilespmem:$0x0]  }
0x3e: {  	_ =	swait.ge [sflag:s19], $0x2800  }
0x3f: {  	[sflag:s19] =	ssyncset.done $0x0  }
0x40: {  	[sflag:s19] =	ssyncadd.s32 $0xFFFFD800  }
0x41: {  	s28 =	simm.s32 $0x0;
	s29 =	simm.s32 $0x0;
	[bflag:$0x0] =	sbarrier.arrive $0xFFFF  }
.LBB2_4:
0x42: {  	s0 =	sshll.u32 s29, $0x9  }
0x43: {  	s0 =	sadd.s32 s7, s0  }
0x44: {  	s30 =	sadd.s32 s5, s0  }
0x45: {  	[tilespmem:s28], [sflag:$0x3] =	stream.linear.gather [hbm4b:s30+s28], $0x1000, $0x38;
	v63 =	vld [tilespmem:$0x0]  }
0x46: {  	_ =	swait.ge [sflag:s19], $0x1000  }
0x47: {  	[sflag:s19] =	ssyncset.done $0x0  }
0x48: {  	s0 =	sadd.s32 s6, s0;
	[sflag:s19] =	ssyncadd.s32 $0xFFFFF000  }
0x49: {  	[tilespmem:s20], [sflag:$0x3] =	stream.linear.gather [hbm4b:s0+s28], $0x1000, $0x38;
	v63 =	vld [tilespmem:$0x0]  }
0x4a: {  	_ =	swait.ge [sflag:s19], $0x1000  }
0x4b: {  	[sflag:s19] =	ssyncset.done $0x0  }
0x4c: {  	s2 =	simm.s32 $0x0;
	[sflag:s19] =	ssyncadd.s32 $0xFFFFF000  }
0x4d: {  	[tilespmem:s18], [sflag:$0x1] =	stream.indirect.gather [hbm4b:s4+s21], $0x80, s2, s21, $0xb8;
	v63 =	vld [tilespmem:$0x0]  }
0x4e: {  	s2 =	simm.s32 $0x80  }
0x4f: {  	[tilespmem:s22], [sflag:$0x1] =	stream.indirect.gather [hbm4b:s4+s21], $0x80, s2, s21, $0xb8;
	v63 =	vld [tilespmem:$0x0]  }
0x50: {  	s2 =	simm.s32 $0x100  }
0x51: {  	[tilespmem:s23], [sflag:$0x1] =	stream.indirect.gather [hbm4b:s4+s21], $0x80, s2, s21, $0xb8;
	v63 =	vld [tilespmem:$0x0]  }
0x52: {  	s2 =	simm.s32 $0x180  }
0x53: {  	[tilespmem:s24], [sflag:$0x1] =	stream.indirect.gather [hbm4b:s4+s21], $0x80, s2, s21, $0xb8;
	v63 =	vld [tilespmem:$0x0]  }
0x54: {  	_ =	swait.ge [sflag:s25], $0x2800  }
0x55: {  	[sflag:s25] =	ssyncset.done $0x0  }
0x56: {  	s2 =	simm.s32 $0x1000;
	[sflag:s25] =	ssyncadd.s32 $0xFFFFD800  }
0x57: {  	[spmem:s1] =	stream.indirect.scatter.add.f32 [tilespmem:s18], [sflag:$0x2], $0x80, s2, s21, $0xb8;
	v63 =	vld [tilespmem:$0x0]  }
0x58: {  	_ =	swait.ge [sflag:s25], $0x2800  }
0x59: {  	[sflag:s25] =	ssyncset.done $0x0  }
0x5a: {  	s2 =	simm.s32 $0x1080;
	[sflag:s25] =	ssyncadd.s32 $0xFFFFD800  }
0x5b: {  	[spmem:s1] =	stream.indirect.scatter.add.f32 [tilespmem:s22], [sflag:$0x2], $0x80, s2, s21, $0xb8;
	v63 =	vld [tilespmem:$0x0]  }
0x5c: {  	_ =	swait.ge [sflag:s25], $0x2800  }
0x5d: {  	[sflag:s25] =	ssyncset.done $0x0  }
0x5e: {  	s2 =	simm.s32 $0x1100;
	[sflag:s25] =	ssyncadd.s32 $0xFFFFD800  }
0x5f: {  	[spmem:s1] =	stream.indirect.scatter.add.f32 [tilespmem:s23], [sflag:$0x2], $0x80, s2, s21, $0xb8;
	v63 =	vld [tilespmem:$0x0]  }
0x60: {  	_ =	swait.ge [sflag:s25], $0x2800  }
0x61: {  	[sflag:s25] =	ssyncset.done $0x0  }
0x62: {  	s2 =	simm.s32 $0x1180;
	[sflag:s25] =	ssyncadd.s32 $0xFFFFD800  }
0x63: {  	[spmem:s1] =	stream.indirect.scatter.add.f32 [tilespmem:s24], [sflag:$0x2], $0x80, s2, s21, $0xb8;
	v63 =	vld [tilespmem:$0x0]  }
0x64: {  	_ =	swait.ge [sflag:s26], $0x2800  }
0x65: {  	[sflag:s26] =	ssyncset.done $0x0  }
0x66: {  	[sflag:s26] =	ssyncadd.s32 $0xFFFFD800  }
0x67: {  	_ =	swait.ge [sflag:s26], $0x2800  }
0x68: {  	[sflag:s26] =	ssyncset.done $0x0  }
0x69: {  	[sflag:s26] =	ssyncadd.s32 $0xFFFFD800  }
0x6a: {  	_ =	swait.ge [sflag:s26], $0x2800  }
0x6b: {  	[sflag:s26] =	ssyncset.done $0x0  }
0x6c: {  	[sflag:s26] =	ssyncadd.s32 $0xFFFFD800  }
0x6d: {  	_ =	swait.ge [sflag:s26], $0x2800  }
0x6e: {  	s31 =	simm.s32 $0x1000;
	s30 =	simm.s32 $0x800;
	[sflag:s26] =	ssyncset.done $0x0  }
.LBB2_5:
0x6f: {  	s2 =	sshra.s32 s30, $0x2  }
0x70: {  	[sflag:s26] =	ssyncadd.s32 $0xFFFFD800;
	s30 =	smov.u32 s31;
	s0 =	sadd.s32 $0x800, s31  }
0x71: {  	[tilespmem:s18], [sflag:$0x1] =	stream.indirect.gather [hbm4b:s4+s21], $0x80, s2, s21, $0xb8;
	v63 =	vld [tilespmem:$0x0]  }
0x72: {  	p0 =	sne.s32 s31, $0x3800;
	s31 =	sadd.s32 $0x80, s2  }
0x73: {  	[tilespmem:s22], [sflag:$0x1] =	stream.indirect.gather [hbm4b:s4+s21], $0x80, s31, s21, $0xb8;
	v63 =	vld [tilespmem:$0x0]  }
0x74: {  	s31 =	sadd.s32 $0x100, s2  }
0x75: {  	[tilespmem:s23], [sflag:$0x1] =	stream.indirect.gather [hbm4b:s4+s21], $0x80, s31, s21, $0xb8;
	v63 =	vld [tilespmem:$0x0]  }
0x76: {  	s31 =	sadd.s32 $0x180, s2  }
0x77: {  	[tilespmem:s24], [sflag:$0x1] =	stream.indirect.gather [hbm4b:s4+s21], $0x80, s31, s21, $0xb8;
	v63 =	vld [tilespmem:$0x0]  }
0x78: {  	_ =	swait.ge [sflag:s25], $0x2800  }
0x79: {  	[sflag:s25] =	ssyncset.done $0x0  }
0x7a: {  	s31 =	sadd.s32 $0x1000, s2;
	[sflag:s25] =	ssyncadd.s32 $0xFFFFD800  }
0x7b: {  	[spmem:s1] =	stream.indirect.scatter.add.f32 [tilespmem:s18], [sflag:$0x2], $0x80, s31, s21, $0xb8;
	v63 =	vld [tilespmem:$0x0]  }
0x7c: {  	_ =	swait.ge [sflag:s25], $0x2800  }
0x7d: {  	[sflag:s25] =	ssyncset.done $0x0  }
0x7e: {  	s31 =	sadd.s32 $0x1080, s2;
	[sflag:s25] =	ssyncadd.s32 $0xFFFFD800  }
0x7f: {  	[spmem:s1] =	stream.indirect.scatter.add.f32 [tilespmem:s22], [sflag:$0x2], $0x80, s31, s21, $0xb8;
	v63 =	vld [tilespmem:$0x0]  }
0x80: {  	_ =	swait.ge [sflag:s25], $0x2800  }
0x81: {  	[sflag:s25] =	ssyncset.done $0x0  }
0x82: {  	s31 =	sadd.s32 $0x1100, s2;
	[sflag:s25] =	ssyncadd.s32 $0xFFFFD800  }
0x83: {  	[spmem:s1] =	stream.indirect.scatter.add.f32 [tilespmem:s23], [sflag:$0x2], $0x80, s31, s21, $0xb8;
	v63 =	vld [tilespmem:$0x0]  }
0x84: {  	_ =	swait.ge [sflag:s25], $0x2800  }
0x85: {  	[sflag:s25] =	ssyncset.done $0x0  }
0x86: {  	s2 =	sadd.s32 $0x1180, s2;
	[sflag:s25] =	ssyncadd.s32 $0xFFFFD800  }
0x87: {  	[spmem:s1] =	stream.indirect.scatter.add.f32 [tilespmem:s24], [sflag:$0x2], $0x80, s2, s21, $0xb8;
	v63 =	vld [tilespmem:$0x0]  }
0x88: {  	_ =	swait.ge [sflag:s26], $0x2800  }
0x89: {  	[sflag:s26] =	ssyncset.done $0x0  }
0x8a: {  	[sflag:s26] =	ssyncadd.s32 $0xFFFFD800  }
0x8b: {  	_ =	swait.ge [sflag:s26], $0x2800  }
0x8c: {  	[sflag:s26] =	ssyncset.done $0x0  }
0x8d: {  	[sflag:s26] =	ssyncadd.s32 $0xFFFFD800  }
.Ltmp1:
0x8e: {  	_ =	swait.ge [sflag:s26], $0x2800;
	(pc) =	sbr.rel @p0 .LBB2_5-.Ltmp1, $4  }
0x8f: {  	[sflag:s26] =	ssyncset.done $0x0  }
0x90: {  	[sflag:s26] =	ssyncadd.s32 $0xFFFFD800  }
0x91: {  	_ =	swait.ge [sflag:s26], $0x2800  }
0x92: {  	s31 =	smov.u32 s0;
	[sflag:s26] =	ssyncset.done $0x0  }
0x93: {  	s0 =	sshra.s32 s30, $0x2;
	[sflag:s26] =	ssyncadd.s32 $0xFFFFD800  }
0x94: {  	[tilespmem:s18], [sflag:$0x1] =	stream.indirect.gather [hbm4b:s4+s21], $0x80, s0, s21, $0xb8;
	v63 =	vld [tilespmem:$0x0]  }
0x95: {  	s2 =	sadd.s32 $0x80, s0  }
0x96: {  	[tilespmem:s22], [sflag:$0x1] =	stream.indirect.gather [hbm4b:s4+s21], $0x80, s2, s21, $0xb8;
	v63 =	vld [tilespmem:$0x0]  }
0x97: {  	s31 =	sadd.s32 $0x100, s0  }
0x98: {  	[tilespmem:s23], [sflag:$0x1] =	stream.indirect.gather [hbm4b:s4+s21], $0x80, s31, s21, $0xb8;
	v63 =	vld [tilespmem:$0x0]  }
0x99: {  	s30 =	sadd.s32 $0x180, s0  }
0x9a: {  	[tilespmem:s24], [sflag:$0x1] =	stream.indirect.gather [hbm4b:s4+s21], $0x80, s30, s21, $0xb8;
	v63 =	vld [tilespmem:$0x0]  }
0x9b: {  	_ =	swait.ge [sflag:s25], $0x2800  }
0x9c: {  	[sflag:s25] =	ssyncset.done $0x0  }
0x9d: {  	s31 =	sadd.s32 $0x1000, s0;
	[sflag:s25] =	ssyncadd.s32 $0xFFFFD800  }
0x9e: {  	[spmem:s1] =	stream.indirect.scatter.add.f32 [tilespmem:s18], [sflag:$0x2], $0x80, s31, s21, $0xb8;
	v63 =	vld [tilespmem:$0x0]  }
0x9f: {  	_ =	swait.ge [sflag:s25], $0x2800  }
0xa0: {  	[sflag:s25] =	ssyncset.done $0x0  }
0xa1: {  	s30 =	sadd.s32 $0x1080, s0;
	[sflag:s25] =	ssyncadd.s32 $0xFFFFD800  }
0xa2: {  	[spmem:s1] =	stream.indirect.scatter.add.f32 [tilespmem:s22], [sflag:$0x2], $0x80, s30, s21, $0xb8;
	v63 =	vld [tilespmem:$0x0]  }
0xa3: {  	_ =	swait.ge [sflag:s25], $0x2800  }
0xa4: {  	[sflag:s25] =	ssyncset.done $0x0  }
0xa5: {  	s31 =	sadd.s32 $0x1100, s0;
	[sflag:s25] =	ssyncadd.s32 $0xFFFFD800  }
0xa6: {  	[spmem:s1] =	stream.indirect.scatter.add.f32 [tilespmem:s23], [sflag:$0x2], $0x80, s31, s21, $0xb8;
	v63 =	vld [tilespmem:$0x0]  }
0xa7: {  	_ =	swait.ge [sflag:s25], $0x2800  }
0xa8: {  	[sflag:s25] =	ssyncset.done $0x0  }
0xa9: {  	s0 =	sadd.s32 $0x1180, s0;
	[sflag:s25] =	ssyncadd.s32 $0xFFFFD800  }
0xaa: {  	[spmem:s1] =	stream.indirect.scatter.add.f32 [tilespmem:s24], [sflag:$0x2], $0x80, s0, s21, $0xb8;
	v63 =	vld [tilespmem:$0x0]  }
0xab: {  	_ =	swait.ge [sflag:s26], $0x2800  }
0xac: {  	[sflag:s26] =	ssyncset.done $0x0  }
0xad: {  	[sflag:s26] =	ssyncadd.s32 $0xFFFFD800  }
0xae: {  	_ =	swait.ge [sflag:s26], $0x2800  }
0xaf: {  	[sflag:s26] =	ssyncset.done $0x0  }
0xb0: {  	s29 =	sadd.s32 $0x1, s29;
	[sflag:s26] =	ssyncadd.s32 $0xFFFFD800  }
0xb1: {  	p0 =	sne.s32 s29, $0x4;
	_ =	swait.ge [sflag:s26], $0x2800  }
.Ltmp2:
0xb2: {  	[sflag:s26] =	ssyncset.done $0x0;
	(pc) =	sbr.rel @p0 .LBB2_4-.Ltmp2, $4  }
0xb3: {  	[sflag:s26] =	ssyncadd.s32 $0xFFFFD800  }
0xb4: {  	_ =	swait.ge [sflag:s26], $0x2800  }
0xb5: {  	[sflag:s26] =	ssyncset.done $0x0  }
0xb6: {  	[sflag:s26] =	ssyncadd.s32 $0xFFFFD800  }
0xb7: {  	s0 =	stileid.u32;
	s3 =	sadd.s32 $0x1, s3  }
0xb8: {  	[bflag:$0x0] =	sbarrier.arrive $0xFFFF;
	s0 =	sshll.u32 s0, $0x6;
	p0 =	sne.s32 s3, s17  }
.Ltmp3:
0xb9: {  	s2 =	sshrl.u32 s8, $0x3;
	s0 =	sor.u32 $0x1C03, s0;
	(pc) =	sbr.rel @p0 .LBB2_1-.Ltmp3, $4  }
0xba: {  	[hbm:s16], [sflag:s0] =	dma.local [spmem:s2], $0x2800  }
0xbb: {  	_ =	swait.ge [sflag:s19], $0x2800  }
0xbc: {  	[sflag:s19] =	ssyncset.done $0x0  }
0xbd: {  	[sflag:s19] =	ssyncadd.s32 $0xFFFFD800  }
0xbe: {  	_ =	sfence.sel $0x180000  }
0xbf: {  	[bflag:$0x0] =	sbarrier.arrive $0xFFFF  }
0xc0: {  	_ =	strace $0x9000004D  }
0xc1: {  	s0 =	stileid.u32;
	[bflag:$0x2] =	sbarrier.arrive $0xFFFF  }
0xc2: {  	p0 =	sne.s32 s0, $0x0;
	s0 =	rddreg [dreg:$0x2]  }
0xc3: {  	s0 =	sadd.s32 @!p0 $0x100000, s0  }
0xc4: {  	[sflag:s0] =	ssyncadd.tile.s32 @!p0 $0x1;
	_ =	shalt  }
.Lfunc_end2:
_tile_overlayer_lowered:
.L_overlay_start_2:
0xc5: {  	(tag) =	ssettag $0x2  }
0xc6: {  	s0 =	rddreg [dreg:$0x0];
	s2 =	stileid.u32  }
0xc7: {  	s1 =	rddreg [dreg:$0x1];
	p0 =	sne.s32 s2, $0x0  }
0xc8: {  	s3 =	rddreg [dreg:$0x2];
	[bflag:$0x3] =	sbarrier.arrive $0xFFFF;
	s2 =	simm.s32 @!p0 $0x1C03  }
0xc9: {  	[timem:s3], [sflag:s2] =	dma.local @!p0 [hbm:s0], s1  }
0xca: {  	s0 =	simm.s32 @!p0 $0x3  }
0xcb: {  	_ =	swait.ge @!p0 [sflag:s0], s1  }
0xcc: {  	s1 =	ssub.s32 @!p0 $0x0, s1;
	[sflag:s0] =	ssyncset.done @!p0 $0x0  }
0xcd: {  	[sflag:s0] =	ssyncadd.s32 @!p0 s1  }
0xce: {  	[bflag:$0x3] =	sbarrier.arrive $0xFFFF  }
0xcf: {  	_ =	shalt  }

// kernel: kernel.8.cloned.1.call-start
scs
__scs_entry_jumppad:
0x0: {  	(pc) =	sbr.rel $0x88, $3  }
0x1: {  	(tag) =	ssettag $0x0;
	lr =	simm.s32 $0x1  }
0x2: {  	[smem:$0x3F95] =	sst lr;
	_ =	strace $0xD0000000  }
0x3: {  	_ = 	snop  }
0x4: {  	_ = 	snop  }
0x5: {  	_ = 	snop  }
0x6: {  	_ = 	snop  }
0x7: {  	_ = 	snop  }
__scs_overlays_trampoline_lowered:
0x8: {  	[smem:$0x3FA4] =	sst s0  }
0x9: {  	[smem:$0x3FA5] =	sst s1  }
0xa: {  	[smem:$0x3FA6] =	sst s2  }
0xb: {  	[smem:$0x3FA7] =	sst s3  }
0xc: {  	[smem:$0x3FA8] =	sst s4  }
0xd: {  	[smem:$0x3FA9] =	sst s5  }
0xe: {  	[smem:$0x3FAA] =	sst s6  }
0xf: {  	[smem:$0x3FAB] =	sst s7  }
0x10: {  	[smem:$0x3FAC] =	sst s8  }
0x11: {  	[smem:$0x3FAD] =	sst s9;
	s0 =	simm.s32 @!p0 $0x0  }
0x12: {  	s1 =	sld [smem:$0x3F93];
	s0 =	simm.s32 @p0 $0x1  }
0x13: {  	[smem:$0x3FAE] =	sst s0;
	s0 =	simm.s32 @!p1 $0x0  }
0x14: {  	s2 =	sld [smem:$0x3F92];
	s0 =	simm.s32 @p1 $0x1  }
0x15: {  	[smem:$0x3FAF] =	sst s0;
	s0 =	simm.s32 @!p2 $0x0  }
0x16: {  	s3 =	sld [smem:$0x3FDB];
	s0 =	simm.s32 @p2 $0x1  }
0x17: {  	s4 =	simm.s32 $0x1BF5;
	[smem:$0x3FB1] =	sst s0  }
0x18: {  	s0 =	sld [smem:$0x3F94];
	_ =	swait.ge [sflag:s4], $0x0  }
0x19: {  	s7 =	sld [smem:$0x3F95]  }
0x1a: {  	s8 =	sadd.s32 $0xFFFFE003, lr  }
0x1b: {  	s9 =	sadd.s32 $0xFFFFFEF7, lr;
	s5 =	simm.s32 $0xFFFFFFFF;
	p2 =	slt.u32 s8, $0xFFFFF086  }
0x1c: {  	p1 =	slt.u32 s9, $0xF7A;
	s5 =	simm.s32 @!p2 $0x0  }
0x1d: {  	s5 =	simm.s32 @p1 $0x1;
	p0 =	seq.s32 s7, s2  }
0x1e: {  	s7 =	smul.u32 @!p0 $0xF7A, s2;
	p2 =	seq.s32 @!p0 s5, $0x0  }
0x1f: {  	s9 =	smul.u32 $0xF7A, s1;
	s8 =	simm.s32 @!p0 $0x1BF5;
	p2 =	por !p2, p0  }
0x20: {  	[sflag:s8] =	ssyncset.s32 @!p0 $0xFFFFF086;
	s6 =	sadd.s32 @!p0 s3, s7;
	s7 =	simm.s32 @!p0 $0x108  }
0x21: {  	s3 =	sadd.s32 s3, s9;
	s6 =	sadd.s32 @!p0 $0x88, s6;
	s7 =	simm.s32 @p2 $0x1082  }
0x22: {  	[simem:s7], [sflag:s8] =	dma.local @!p0 [hbm:s6], $0xF7A  }
0x23: {  	s9 =	sor.u32 $0xD0000000, s2;
	s6 =	simm.s32 $0x108;
	_ =	swait.ge @!p0 [sflag:s8], $0x0  }
0x24: {  	s3 =	sadd.s32 $0x88, s3;
	s6 =	simm.s32 @!p1 $0x1082;
	[sflag:s4] =	ssyncset.s32 $0xFFFFF086  }
0x25: {  	[simem:s6], [sflag:s4] =	dma.local [hbm:s3], $0xF7A  }
0x26: {  	[smem:$0x3F95] =	sst s1;
	(tag) =	ssettag s2;
	_ =	strace s9  }
0x27: {  	s1 =	sld [smem:$0x3FA5]  }
0x28: {  	s2 =	sld [smem:$0x3FA6]  }
0x29: {  	s4 =	sld [smem:$0x3FA8]  }
0x2a: {  	p0 =	seq.s32 s5, $0x0;
	s5 =	sld [smem:$0x3FA9]  }
0x2b: {  	s6 =	sld [smem:$0x3FAA]  }
0x2c: {  	s7 =	sld [smem:$0x3FAB]  }
0x2d: {  	s3 =	simm.s32 $0x108;
	s8 =	sld [smem:$0x3FAC]  }
0x2e: {  	s3 =	simm.s32 @!p0 $0x1082;
	s9 =	sld [smem:$0x3FAD]  }
0x2f: {  	lr =	sadd.s32 s0, s3;
	s0 =	sld [smem:$0x3FA4]  }
0x30: {  	s3 =	sld [smem:$0x3FA7]  }
0x31: {  	[smem:$0x3FB0] =	sst s10  }
0x32: {  	s10 =	sld [smem:$0x3FAE];
	_ =	sdelay $0x3  }
0x33: {  	p0 =	seq.s32 s10, $0x1;
	s10 =	sld [smem:$0x3FB0];
	_ =	sdelay $0x3  }
0x34: {  	[smem:$0x3FB0] =	sst s10  }
0x35: {  	s10 =	sld [smem:$0x3FAF];
	_ =	sdelay $0x3  }
0x36: {  	p1 =	seq.s32 s10, $0x1;
	s10 =	sld [smem:$0x3FB0];
	_ =	sdelay $0x3  }
0x37: {  	[smem:$0x3FB0] =	sst s10  }
0x38: {  	s10 =	sld [smem:$0x3FB1]  }
0x39: {  	_ = 	snop;
	(pc) =	sbr.ind lr, $3  }
0x3a: {  	_ = 	snop  }
0x3b: {  	_ = 	snop  }
0x3c: {  	p2 =	seq.s32 s10, $0x1;
	s10 =	sld [smem:$0x3FB0]  }
0x3d: {  	_ =	shalt  }
0x3e: {  	_ =	shalt  }
0x3f: {  	_ =	shalt  }
0x40: {  	_ =	shalt  }
0x41: {  	_ =	shalt  }
0x42: {  	_ =	shalt  }
0x43: {  	_ =	shalt  }
0x44: {  	_ =	shalt  }
0x45: {  	_ =	shalt  }
0x46: {  	_ =	shalt  }
0x47: {  	_ =	shalt  }
0x48: {  	_ =	shalt  }
0x49: {  	_ =	shalt  }
0x4a: {  	_ =	shalt  }
0x4b: {  	_ =	shalt  }
0x4c: {  	_ =	shalt  }
0x4d: {  	_ =	shalt  }
0x4e: {  	_ =	shalt  }
0x4f: {  	_ =	shalt  }
0x50: {  	_ =	shalt  }
0x51: {  	_ =	shalt  }
0x52: {  	_ =	shalt  }
0x53: {  	_ =	shalt  }
0x54: {  	_ =	shalt  }
0x55: {  	_ =	shalt  }
0x56: {  	_ =	shalt  }
0x57: {  	_ =	shalt  }
0x58: {  	_ =	shalt  }
0x59: {  	_ =	shalt  }
0x5a: {  	_ =	shalt  }
0x5b: {  	_ =	shalt  }
0x5c: {  	_ =	shalt  }
0x5d: {  	_ =	shalt  }
0x5e: {  	_ =	shalt  }
0x5f: {  	_ =	shalt  }
0x60: {  	_ =	shalt  }
0x61: {  	_ =	shalt  }
0x62: {  	_ =	shalt  }
0x63: {  	_ =	shalt  }
0x64: {  	_ =	shalt  }
0x65: {  	_ =	shalt  }
0x66: {  	_ =	shalt  }
0x67: {  	_ =	shalt  }
0x68: {  	_ =	shalt  }
0x69: {  	_ =	shalt  }
0x6a: {  	_ =	shalt  }
0x6b: {  	_ =	shalt  }
0x6c: {  	_ =	shalt  }
0x6d: {  	_ =	shalt  }
0x6e: {  	_ =	shalt  }
0x6f: {  	_ =	shalt  }
0x70: {  	_ =	shalt  }
0x71: {  	_ =	shalt  }
0x72: {  	_ =	shalt  }
0x73: {  	_ =	shalt  }
0x74: {  	_ =	shalt  }
0x75: {  	_ =	shalt  }
0x76: {  	_ =	shalt  }
0x77: {  	_ =	shalt  }
0x78: {  	_ =	shalt  }
0x79: {  	_ =	shalt  }
0x7a: {  	_ =	shalt  }
0x7b: {  	_ =	shalt  }
0x7c: {  	_ =	shalt  }
0x7d: {  	_ =	shalt  }
0x7e: {  	_ =	shalt  }
0x7f: {  	_ =	shalt  }
0x80: {  	_ =	shalt  }
0x81: {  	_ =	shalt  }
0x82: {  	_ =	shalt  }
0x83: {  	_ =	shalt  }
0x84: {  	_ =	shalt  }
0x85: {  	_ =	shalt  }
0x86: {  	_ =	shalt  }
0x87: {  	_ =	shalt  }
.Lfunc_end0:
.L_simem_size_0:
called_computation_lowered:
.L_overlay_start_0:
0x88: {  	s2 =	sld [smem:$0x3FD9]  }
0x89: {  	s3 =	sld [smem:$0x3FFE];
	_ =	sdelay $0x1  }
0x8a: {  	s1 =	srdreg.scid  }
0x8b: {  	s0 =	sand.u32 $0x1, s1  }
0x8c: {  	s16 =	sshll.u32 s0, $0xA;
	s2 =	sadd.s32 s3, s2  }
0x8d: {  	s2 =	sadd.s32 s2, s16  }
0x8e: {  	[smem:$0x3FBC] =	sst s2  }
0x8f: {  	_ = 	snop  }
0x90: {  	(tm) =	ssettm $0x1  }
0x91: {  	s17 =	sld [smem:$0x3FFB];
	_ =	sdelay $0x3  }
0x92: {  	_ =	strace s17  }
0x93: {  	s2 =	sld [smem:$0x3FFC];
	_ =	sdelay $0x3  }
0x94: {  	_ =	strace s2  }
0x95: {  	s2 =	sld [smem:$0x3FFD];
	_ =	sdelay $0x3  }
0x96: {  	_ =	strace s2  }
0x97: {  	_ =	strace $0x8FFFFFFF  }
0x98: {  	s18 =	sld [smem:$0x3FDB];
	_ =	sdelay $0x1  }
0x99: {  	s19 =	simm.s32 $_scs_section_size  }
0x9a: {  	s4 =	simm.s32 $_size__tile_overlayer_lowered;
	s5 =	simm.s32 $_tile_overlayer_lowered  }
0x9b: {  	s22 =	simm.s32 $0x1BFF;
	s21 =	sshll.u32 s5, $0x1;
	s2 =	sadd.s32 s19, s18  }
0x9c: {  	s6 =	simm.s32 $0x0;
	s20 =	sshll.u32 s4, $0x1;
	s4 =	sadd.s32 s21, s2  }
0x9d: {  	[timem:s6], [sflag:s22] =	dma.local [hbm:s4], s20  }
0x9e: {  	_ =	swait.ge [sflag:s22], s20  }
0x9f: {  	s3 =	ssub.s32 $0x0, s20;
	[sflag:s22] =	ssyncset.done $0x0  }
0xa0: {  	[sflag:s22] =	ssyncadd.s32 s3;
	_ =	sdelay $0x1  }
0xa1: {  	s23 =	simm.s32 $0x1B8B  }
0xa2: {  	_ =	swait.ge [sflag:s23], $0x1  }
0xa3: {  	[sflag:s23] =	ssyncset.done $0x0  }
0xa4: {  	s25 =	simm.s32 $0x1B8E;
	s24 =	sld [smem:$0x3FFE];
	[sflag:s23] =	ssyncadd.s32 $0xFFFFFFFF  }
0xa5: {  	s26 =	simm.s32 $execute0_lowered;
	[smem:$0x3FD2] =	sst s25  }
0xa6: {  	s4 =	sshll.u32 s26, $0x1;
	_ =	strace $0x80000046;
	[dreg:$0x1] =	wrdreg $0xFFFFFFFF  }
0xa7: {  	s28 =	simm.s32 $_size_execute0_lowered;
	s2 =	sadd.s32 s2, s4;
	[dreg:$0x0] =	wrdreg $0x0  }
0xa8: {  	s4 =	sshll.u32 s28, $0x1;
	[dreg:$0x2] =	wrdreg s2  }
0xa9: {  	[dreg:$0x3] =	wrdreg s4  }
0xaa: {  	[dreg:$0x4] =	wrdreg $0xC0  }
0xab: {  	_ =	task [dreg:s6], $0x5FFFF  }
0xac: {  	[dreg:$0x1] =	wrdreg $0xFFFFFFFF  }
0xad: {  	[dreg:$0x0] =	wrdreg $0x60  }
0xae: {  	[dreg:$0x2] =	wrdreg s24  }
0xaf: {  	[dreg:$0x3] =	wrdreg $0x49800  }
0xb0: {  	[dreg:$0x4] =	wrdreg $0x9  }
0xb1: {  	_ =	task.clear_ibuf [dreg:s6], $0x5FFFF;
	_ =	strace $0x90000046  }
0xb2: {  	s29 =	simm.s32 $0x9;
	_ =	strace $0x80000048  }
0xb3: {  	_ =	swait.ge [sflag:s29], $0x1  }
0xb4: {  	[sflag:s29] =	ssyncadd.s32 $0xFFFFFFFF  }
0xb5: {  	_ =	strace $0x90000048  }
0xb6: {  	_ =	sfence  }
0xb7: {  	s30 =	sld [smem:$0x0];
	_ =	sdelay $0x2  }
0xb8: {  	s31 =	sshll.u32 s1, $0xD;
	s1 =	sshrl.u32 s1, $0x2  }
0xb9: {  	s3 =	sand.u32 $0x4000, s31;
	s1 =	sadd.s32 s1, s30  }
0xba: {  	s0 =	sor.u32 s3, s0;
	s1 =	sshll.u32 s1, $0x11  }
0xbb: {  	s0 =	sor.u32 s1, s0  }
0xbc: {  	s0 =	sadd.s32 $0x8F2B, s0  }
0xbd: {  	[sflag:s0] =	ssyncadd.remote.s32 $0x1  }
0xbe: {  	_ =	sfence.sel $0xFFFF  }
0xbf: {  	[dreg:$0x0] =	wrdreg $0xFFFFFFFF;
	(pc) =	sbr.abs _section_cstart, $3  }
0xc0: {  	[dreg:$0x1] =	wrdreg $0xFFFFFFFF  }
0xc1: {  	_ =	task.clear_ibuf [dreg:s6], $0x2FFFF;
	_ =	strace $0x9FFFFFFF  }
0xc2: {  	(tm) =	ssettm $0x7FFFFFFF  }
0xc3: {  	_ =	shalt  }
tec
execute0_lowered:
.L_overlay_start_1:
0x0: {  	(tag) =	ssettag $0x1  }
0x1: {  	s0 =	rddreg [dreg:$0x0]  }
0x2: {  	s2 =	rddreg [dreg:$0x1]  }
0x3: {  	s4 =	srdreg.scid;
	s1 =	stileid.u32  }
0x4: {  	s3 =	simm.s32 $0x0;
	s22 =	simm.s32 $0x1;
	s23 =	simm.s32 $0x1400  }
0x5: {  	s24 =	simm.s32 $0x80;
	s25 =	simm.s32 $0x2800;
	s26 =	simm.s32 $0x2880  }
0x6: {  	s28 =	simm.s32 $0x2900;
	s5 =	sand.u32 $0x1, s4;
	s6 =	smul.u32 $0x28000, s1  }
0x7: {  	[smem:$0x7FF] =	sst s3;
	s4 =	sadd.s32 $0xC600, s0;
	s19 =	sadd.s32 $0x2600, s0  }
0x8: {  	s29 =	smul.u32 $0x50000, s1;
	s20 =	sadd.s32 $0xCC00, s0;
	s9 =	sshll.u32 s1, $0x1  }
0x9: {  	s7 =	sshll.u32 s5, $0x7;
	_ =	strace $0x80000047;
	s30 =	ssub.s32 $0x2, s5  }
0xa: {  	s11 =	sor.u32 s5, s9;
	s6 =	sor.u32 s7, s6;
	s8 =	sshrl.u32 s30, $0x1  }
0xb: {  	s7 =	sshrl.u32 s29, $0x2;
	s17 =	smul.u32 $0x2800, s11;
	s6 =	sshrl.u32 s6, $0x3  }
0xc: {  	s16 =	ssub.s32 s30, s8;
	s5 =	sadd.s32 s7, s2;
	s0 =	sadd.s32 s6, s0  }
0xd: {  	s6 =	sadd.s32 $0x2000, s5;
	s7 =	sadd.s32 $0x4000, s5;
	s8 =	sadd.s32 $0x6000, s5  }
0xe: {  	s9 =	sadd.s32 $0x8000, s5;
	s10 =	sadd.s32 $0xA000, s5;
	s11 =	sadd.s32 $0xC000, s5  }
0xf: {  	s12 =	sadd.s32 $0xE000, s5;
	s13 =	sadd.s32 $0x10000, s5;
	s14 =	sadd.s32 $0x12000, s5  }
0x10: {  	s31 =	sshrl.u32 s17, $0x3;
	s16 =	smax.u32 s16, $0x1;
	s15 =	sadd.s32 $0x16C00, s0  }
0x11: {  	s17 =	sadd.s32 s19, s31;
	s21 =	sadd.s32 $0x280, s31;
	s18 =	sadd.s32 s20, s31  }
0x12: {  	v0 =	vimm.f32 $0.0e+00;
	v1 =	vimm.f32 $1.000000000e+00;
	s19 =	sadd.s32 s19, s21;
	s20 =	sadd.s32 s20, s21;
	s21 =	simm.s32 $0x2980  }
.LBB2_1:
0x13: {  	s0 =	simm.s32 $0x40;
	s29 =	simm.s32 $0x0  }
.LBB2_2:
0x14: {  	p0 =	sne.s32 s0, $0x7FC0;
	[tilespmem:s29+$0x2980] =	vst v0;
	s29 =	smov.u32 s0;
	s0 =	sadd.s32 $0x40, s0  }
.Ltmp0:
0x15: {  	(pc) =	sbr.rel @p0 .LBB2_2-.Ltmp0, $2  }
0x16: {  	_ =	sdelay $0x2  }
0x17: {  	s29 =	sshra.s32 s29, $0x2  }
0x18: {  	[tilespmem:s29+$0x2980] =	vst v0  }
0x19: {  	[tilespmem:$0x2900] =	vst v1  }
0x1a: {  	[tilespmem:$0x2910] =	vst v1  }
0x1b: {  	[tilespmem:$0x2920] =	vst v1  }
0x1c: {  	[tilespmem:$0x2930] =	vst v1  }
0x1d: {  	[tilespmem:$0x2940] =	vst v1  }
0x1e: {  	[tilespmem:$0x2950] =	vst v1  }
0x1f: {  	[tilespmem:$0x2960] =	vst v1  }
0x20: {  	[tilespmem:$0x2970] =	vst v1  }
0x21: {  	[spmem:s5] =	stream.linear.scatter [tilespmem:s21], [sflag:$0x1], $0x2000, $0x38;
	[tilespmem:$0x18980] =	vst v63  }
0x22: {  	_ =	swait.ge [sflag:s22], $0x2000  }
0x23: {  	[sflag:s22] =	ssyncset.done $0x0  }
0x24: {  	[sflag:s22] =	ssyncadd.s32 $0xFFFFE000  }
0x25: {  	[spmem:s6] =	stream.linear.scatter [tilespmem:s21], [sflag:$0x1], $0x2000, $0x38;
	[tilespmem:$0x18980] =	vst v63  }
0x26: {  	_ =	swait.ge [sflag:s22], $0x2000  }
0x27: {  	[sflag:s22] =	ssyncset.done $0x0  }
0x28: {  	[sflag:s22] =	ssyncadd.s32 $0xFFFFE000  }
0x29: {  	[spmem:s7] =	stream.linear.scatter [tilespmem:s21], [sflag:$0x1], $0x2000, $0x38;
	[tilespmem:$0x18980] =	vst v63  }
0x2a: {  	_ =	swait.ge [sflag:s22], $0x2000  }
0x2b: {  	[sflag:s22] =	ssyncset.done $0x0  }
0x2c: {  	[sflag:s22] =	ssyncadd.s32 $0xFFFFE000  }
0x2d: {  	[spmem:s8] =	stream.linear.scatter [tilespmem:s21], [sflag:$0x1], $0x2000, $0x38;
	[tilespmem:$0x18980] =	vst v63  }
0x2e: {  	_ =	swait.ge [sflag:s22], $0x2000  }
0x2f: {  	[sflag:s22] =	ssyncset.done $0x0  }
0x30: {  	[sflag:s22] =	ssyncadd.s32 $0xFFFFE000  }
0x31: {  	[spmem:s9] =	stream.linear.scatter [tilespmem:s21], [sflag:$0x1], $0x2000, $0x38;
	[tilespmem:$0x18980] =	vst v63  }
0x32: {  	_ =	swait.ge [sflag:s22], $0x2000  }
0x33: {  	[sflag:s22] =	ssyncset.done $0x0  }
0x34: {  	[sflag:s22] =	ssyncadd.s32 $0xFFFFE000  }
0x35: {  	[spmem:s10] =	stream.linear.scatter [tilespmem:s21], [sflag:$0x1], $0x2000, $0x38;
	[tilespmem:$0x18980] =	vst v63  }
0x36: {  	_ =	swait.ge [sflag:s22], $0x2000  }
0x37: {  	[sflag:s22] =	ssyncset.done $0x0  }
0x38: {  	[sflag:s22] =	ssyncadd.s32 $0xFFFFE000  }
0x39: {  	[spmem:s11] =	stream.linear.scatter [tilespmem:s21], [sflag:$0x1], $0x2000, $0x38;
	[tilespmem:$0x18980] =	vst v63  }
0x3a: {  	_ =	swait.ge [sflag:s22], $0x2000  }
0x3b: {  	[sflag:s22] =	ssyncset.done $0x0  }
0x3c: {  	[sflag:s22] =	ssyncadd.s32 $0xFFFFE000  }
0x3d: {  	[spmem:s12] =	stream.linear.scatter [tilespmem:s21], [sflag:$0x1], $0x2000, $0x38;
	[tilespmem:$0x18980] =	vst v63  }
0x3e: {  	_ =	swait.ge [sflag:s22], $0x2000  }
0x3f: {  	[sflag:s22] =	ssyncset.done $0x0  }
0x40: {  	[sflag:s22] =	ssyncadd.s32 $0xFFFFE000  }
0x41: {  	[spmem:s13] =	stream.linear.scatter [tilespmem:s21], [sflag:$0x1], $0x2000, $0x38;
	[tilespmem:$0x18980] =	vst v63  }
0x42: {  	_ =	swait.ge [sflag:s22], $0x2000  }
0x43: {  	[sflag:s22] =	ssyncset.done $0x0  }
0x44: {  	[sflag:s22] =	ssyncadd.s32 $0xFFFFE000  }
0x45: {  	[spmem:s14] =	stream.linear.scatter [tilespmem:s21], [sflag:$0x1], $0x2000, $0x38;
	[tilespmem:$0x18980] =	vst v63  }
0x46: {  	_ =	swait.ge [sflag:s22], $0x2000  }
0x47: {  	[sflag:s22] =	ssyncset.done $0x0  }
0x48: {  	[sflag:s22] =	ssyncadd.s32 $0xFFFFE000  }
0x49: {  	s0 =	simm.s32 $0x0;
	[bflag:$0x0] =	sbarrier.arrive $0xFFFF  }
0x4a: {  	[tilespmem:s0], [sflag:$0x1] =	stream.linear.gather [hbm4b:s17+s0], $0x1400, $0x38;
	[tilespmem:$0x18980] =	vst v63  }
0x4b: {  	_ =	swait.ge [sflag:s22], $0x1400  }
0x4c: {  	[sflag:s22] =	ssyncset.done $0x0  }
0x4d: {  	[sflag:s22] =	ssyncadd.s32 $0xFFFFEC00  }
0x4e: {  	[tilespmem:s23], [sflag:$0x1] =	stream.linear.gather [hbm4b:s18+s0], $0x1400, $0x38;
	[tilespmem:$0x18980] =	vst v63  }
0x4f: {  	_ =	swait.ge [sflag:s22], $0x1400  }
0x50: {  	[sflag:s22] =	ssyncset.done $0x0  }
0x51: {  	s30 =	simm.s32 $0x0;
	[sflag:s22] =	ssyncadd.s32 $0xFFFFEC00  }
0x52: {  	[tilespmem:s25], [sflag:$0x1] =	stream.indirect.gather [hbm4b:s4+s24], $0x1, s30, s24, $0xb8;
	[tilespmem:$0x18980] =	vst v63  }
0x53: {  	_ =	swait.ge [sflag:s22], $0x80  }
0x54: {  	[sflag:s22] =	ssyncset.done $0x0  }
0x55: {  	[sflag:s22] =	ssyncadd.s32 $0xFFFFFF80  }
0x56: {  	v2 =	vld [tilespmem:s30+$0x1400]  }
0x57: {  	v3 =	vld [tilespmem:$0x2800];
	_ =	sdelay $0x3  }
0x58: {  	v2 =	vshll.u32 v2, $0x7  }
0x59: {  	v2 =	vadd.s32 v3, v2  }
0x5a: {  	[tilespmem:$0x2880] =	vst v2  }
0x5b: {  	v2 =	vld [tilespmem:s30+$0x1410]  }
0x5c: {  	v3 =	vld [tilespmem:$0x2810];
	_ =	sdelay $0x3  }
0x5d: {  	v2 =	vshll.u32 v2, $0x7  }
0x5e: {  	v2 =	vadd.s32 v3, v2  }
0x5f: {  	[tilespmem:$0x2890] =	vst v2  }
0x60: {  	v2 =	vld [tilespmem:s30+$0x1420]  }
0x61: {  	v3 =	vld [tilespmem:$0x2820];
	_ =	sdelay $0x3  }
0x62: {  	v2 =	vshll.u32 v2, $0x7  }
0x63: {  	v2 =	vadd.s32 v3, v2  }
0x64: {  	[tilespmem:$0x28A0] =	vst v2  }
0x65: {  	v2 =	vld [tilespmem:s30+$0x1430]  }
0x66: {  	v3 =	vld [tilespmem:$0x2830];
	_ =	sdelay $0x3  }
0x67: {  	v2 =	vshll.u32 v2, $0x7  }
0x68: {  	v2 =	vadd.s32 v3, v2  }
0x69: {  	[tilespmem:$0x28B0] =	vst v2  }
0x6a: {  	v2 =	vld [tilespmem:s30+$0x1440]  }
0x6b: {  	v3 =	vld [tilespmem:$0x2840];
	_ =	sdelay $0x3  }
0x6c: {  	v2 =	vshll.u32 v2, $0x7  }
0x6d: {  	v2 =	vadd.s32 v3, v2  }
0x6e: {  	[tilespmem:$0x28C0] =	vst v2  }
0x6f: {  	v2 =	vld [tilespmem:s30+$0x1450]  }
0x70: {  	v3 =	vld [tilespmem:$0x2850];
	_ =	sdelay $0x3  }
0x71: {  	v2 =	vshll.u32 v2, $0x7  }
0x72: {  	v2 =	vadd.s32 v3, v2  }
0x73: {  	[tilespmem:$0x28D0] =	vst v2  }
0x74: {  	v2 =	vld [tilespmem:s30+$0x1460]  }
0x75: {  	v3 =	vld [tilespmem:$0x2860];
	_ =	sdelay $0x3  }
0x76: {  	v2 =	vshll.u32 v2, $0x7  }
0x77: {  	v2 =	vadd.s32 v3, v2  }
0x78: {  	[tilespmem:$0x28E0] =	vst v2  }
0x79: {  	v2 =	vld [tilespmem:s30+$0x1470]  }
0x7a: {  	v3 =	vld [tilespmem:$0x2870];
	_ =	sdelay $0x3  }
0x7b: {  	v2 =	vshll.u32 v2, $0x7  }
0x7c: {  	v2 =	vadd.s32 v3, v2  }
0x7d: {  	[tilespmem:$0x28F0] =	vst v2  }
0x7e: {  	[spmem:s2] =	stream.indirect.scatter.add.f32 [tilespmem:s28], [sflag:$0x1], $0x1, s26, s24, $0xb8;
	[tilespmem:$0x18980] =	vst v63  }
0x7f: {  	_ =	swait.ge [sflag:s22], $0x80  }
0x80: {  	s31 =	simm.s32 $0x200;
	s0 =	simm.s32 $0x400;
	[sflag:s22] =	ssyncset.done $0x0  }
.LBB2_4:
0x81: {  	s29 =	sshra.s32 s31, $0x2  }
0x82: {  	[sflag:s22] =	ssyncadd.s32 $0xFFFFFF80;
	s31 =	smov.u32 s0;
	s30 =	sadd.s32 $0x200, s0  }
0x83: {  	[tilespmem:s25], [sflag:$0x1] =	stream.indirect.gather [hbm4b:s4+s24], $0x1, s29, s24, $0xb8;
	[tilespmem:$0x18980] =	vst v63  }
0x84: {  	p0 =	sne.s32 s0, $0x4E00;
	_ =	swait.ge [sflag:s22], $0x80  }
0x85: {  	[sflag:s22] =	ssyncset.done $0x0  }
0x86: {  	[sflag:s22] =	ssyncadd.s32 $0xFFFFFF80  }
0x87: {  	v2 =	vld [tilespmem:s29+$0x1400]  }
0x88: {  	v3 =	vld [tilespmem:$0x2800];
	_ =	sdelay $0x3  }
0x89: {  	v2 =	vshll.u32 v2, $0x7  }
0x8a: {  	v2 =	vadd.s32 v3, v2  }
0x8b: {  	[tilespmem:$0x2880] =	vst v2  }
0x8c: {  	v2 =	vld [tilespmem:s29+$0x1410]  }
0x8d: {  	v3 =	vld [tilespmem:$0x2810];
	_ =	sdelay $0x3  }
0x8e: {  	v2 =	vshll.u32 v2, $0x7  }
0x8f: {  	v2 =	vadd.s32 v3, v2  }
0x90: {  	[tilespmem:$0x2890] =	vst v2  }
0x91: {  	v2 =	vld [tilespmem:s29+$0x1420]  }
0x92: {  	v3 =	vld [tilespmem:$0x2820];
	_ =	sdelay $0x3  }
0x93: {  	v2 =	vshll.u32 v2, $0x7  }
0x94: {  	v2 =	vadd.s32 v3, v2  }
0x95: {  	[tilespmem:$0x28A0] =	vst v2  }
0x96: {  	v2 =	vld [tilespmem:s29+$0x1430]  }
0x97: {  	v3 =	vld [tilespmem:$0x2830];
	_ =	sdelay $0x3  }
0x98: {  	v2 =	vshll.u32 v2, $0x7  }
0x99: {  	v2 =	vadd.s32 v3, v2  }
0x9a: {  	[tilespmem:$0x28B0] =	vst v2  }
0x9b: {  	v2 =	vld [tilespmem:s29+$0x1440]  }
0x9c: {  	v3 =	vld [tilespmem:$0x2840];
	_ =	sdelay $0x3  }
0x9d: {  	v2 =	vshll.u32 v2, $0x7  }
0x9e: {  	v2 =	vadd.s32 v3, v2  }
0x9f: {  	[tilespmem:$0x28C0] =	vst v2  }
0xa0: {  	v2 =	vld [tilespmem:s29+$0x1450]  }
0xa1: {  	v3 =	vld [tilespmem:$0x2850];
	_ =	sdelay $0x3  }
0xa2: {  	v2 =	vshll.u32 v2, $0x7  }
0xa3: {  	v2 =	vadd.s32 v3, v2  }
0xa4: {  	[tilespmem:$0x28D0] =	vst v2  }
0xa5: {  	v2 =	vld [tilespmem:s29+$0x1460]  }
0xa6: {  	v3 =	vld [tilespmem:$0x2860];
	_ =	sdelay $0x3  }
0xa7: {  	v2 =	vshll.u32 v2, $0x7  }
0xa8: {  	v2 =	vadd.s32 v3, v2  }
0xa9: {  	[tilespmem:$0x28E0] =	vst v2  }
0xaa: {  	v2 =	vld [tilespmem:s29+$0x1470]  }
0xab: {  	v3 =	vld [tilespmem:$0x2870];
	_ =	sdelay $0x3  }
0xac: {  	v2 =	vshll.u32 v2, $0x7  }
.Ltmp1:
0xad: {  	v2 =	vadd.s32 v3, v2;
	(pc) =	sbr.rel @p0 .LBB2_4-.Ltmp1, $4  }
0xae: {  	[tilespmem:$0x28F0] =	vst v2  }
0xaf: {  	[spmem:s2] =	stream.indirect.scatter.add.f32 [tilespmem:s28], [sflag:$0x1], $0x1, s26, s24, $0xb8;
	[tilespmem:$0x18980] =	vst v63  }
0xb0: {  	_ =	swait.ge [sflag:s22], $0x80  }
0xb1: {  	s0 =	smov.u32 s30;
	[sflag:s22] =	ssyncset.done $0x0  }
0xb2: {  	s0 =	sshra.s32 s31, $0x2;
	[sflag:s22] =	ssyncadd.s32 $0xFFFFFF80  }
0xb3: {  	[tilespmem:s25], [sflag:$0x1] =	stream.indirect.gather [hbm4b:s4+s24], $0x1, s0, s24, $0xb8;
	[tilespmem:$0x18980] =	vst v63  }
0xb4: {  	_ =	swait.ge [sflag:s22], $0x80  }
0xb5: {  	[sflag:s22] =	ssyncset.done $0x0  }
0xb6: {  	[sflag:s22] =	ssyncadd.s32 $0xFFFFFF80  }
0xb7: {  	v2 =	vld [tilespmem:s0+$0x1400]  }
0xb8: {  	v3 =	vld [tilespmem:$0x2800];
	_ =	sdelay $0x3  }
0xb9: {  	v2 =	vshll.u32 v2, $0x7  }
0xba: {  	v2 =	vadd.s32 v3, v2  }
0xbb: {  	[tilespmem:$0x2880] =	vst v2  }
0xbc: {  	v2 =	vld [tilespmem:s0+$0x1410]  }
0xbd: {  	v3 =	vld [tilespmem:$0x2810];
	_ =	sdelay $0x3  }
0xbe: {  	v2 =	vshll.u32 v2, $0x7  }
0xbf: {  	v2 =	vadd.s32 v3, v2  }
0xc0: {  	[tilespmem:$0x2890] =	vst v2  }
0xc1: {  	v2 =	vld [tilespmem:s0+$0x1420]  }
0xc2: {  	v3 =	vld [tilespmem:$0x2820];
	_ =	sdelay $0x3  }
0xc3: {  	v2 =	vshll.u32 v2, $0x7  }
0xc4: {  	v2 =	vadd.s32 v3, v2  }
0xc5: {  	[tilespmem:$0x28A0] =	vst v2  }
0xc6: {  	v2 =	vld [tilespmem:s0+$0x1430]  }
0xc7: {  	v3 =	vld [tilespmem:$0x2830];
	_ =	sdelay $0x3  }
0xc8: {  	v2 =	vshll.u32 v2, $0x7  }
0xc9: {  	v2 =	vadd.s32 v3, v2  }
0xca: {  	[tilespmem:$0x28B0] =	vst v2  }
0xcb: {  	v2 =	vld [tilespmem:s0+$0x1440]  }
0xcc: {  	v3 =	vld [tilespmem:$0x2840];
	_ =	sdelay $0x3  }
0xcd: {  	v2 =	vshll.u32 v2, $0x7  }
0xce: {  	v2 =	vadd.s32 v3, v2  }
0xcf: {  	[tilespmem:$0x28C0] =	vst v2  }
0xd0: {  	v2 =	vld [tilespmem:s0+$0x1450]  }
0xd1: {  	v3 =	vld [tilespmem:$0x2850];
	_ =	sdelay $0x3  }
0xd2: {  	v2 =	vshll.u32 v2, $0x7  }
0xd3: {  	v2 =	vadd.s32 v3, v2  }
0xd4: {  	[tilespmem:$0x28D0] =	vst v2  }
0xd5: {  	v2 =	vld [tilespmem:s0+$0x1460]  }
0xd6: {  	v3 =	vld [tilespmem:$0x2860];
	_ =	sdelay $0x3  }
0xd7: {  	v2 =	vshll.u32 v2, $0x7  }
0xd8: {  	v2 =	vadd.s32 v3, v2  }
0xd9: {  	[tilespmem:$0x28E0] =	vst v2  }
0xda: {  	v2 =	vld [tilespmem:s0+$0x1470]  }
0xdb: {  	v3 =	vld [tilespmem:$0x2870];
	_ =	sdelay $0x3  }
0xdc: {  	v2 =	vshll.u32 v2, $0x7  }
0xdd: {  	v2 =	vadd.s32 v3, v2  }
0xde: {  	[tilespmem:$0x28F0] =	vst v2  }
0xdf: {  	[spmem:s2] =	stream.indirect.scatter.add.f32 [tilespmem:s28], [sflag:$0x1], $0x1, s26, s24, $0xb8;
	[tilespmem:$0x18980] =	vst v63  }
0xe0: {  	_ =	swait.ge [sflag:s22], $0x80  }
0xe1: {  	[sflag:s22] =	ssyncset.done $0x0  }
0xe2: {  	s29 =	simm.s32 $0x0;
	[sflag:s22] =	ssyncadd.s32 $0xFFFFFF80  }
0xe3: {  	[tilespmem:s29], [sflag:$0x1] =	stream.linear.gather [hbm4b:s19+s29], $0x1400, $0x38;
	[tilespmem:$0x18980] =	vst v63  }
0xe4: {  	_ =	swait.ge [sflag:s22], $0x1400  }
0xe5: {  	[sflag:s22] =	ssyncset.done $0x0  }
0xe6: {  	[sflag:s22] =	ssyncadd.s32 $0xFFFFEC00  }
0xe7: {  	[tilespmem:s23], [sflag:$0x1] =	stream.linear.gather [hbm4b:s20+s29], $0x1400, $0x38;
	[tilespmem:$0x18980] =	vst v63  }
0xe8: {  	_ =	swait.ge [sflag:s22], $0x1400  }
0xe9: {  	[sflag:s22] =	ssyncset.done $0x0  }
0xea: {  	s29 =	simm.s32 $0x0;
	[sflag:s22] =	ssyncadd.s32 $0xFFFFEC00  }
0xeb: {  	[tilespmem:s25], [sflag:$0x1] =	stream.indirect.gather [hbm4b:s4+s24], $0x1, s29, s24, $0xb8;
	[tilespmem:$0x18980] =	vst v63  }
0xec: {  	_ =	swait.ge [sflag:s22], $0x80  }
0xed: {  	[sflag:s22] =	ssyncset.done $0x0  }
0xee: {  	[sflag:s22] =	ssyncadd.s32 $0xFFFFFF80  }
0xef: {  	v2 =	vld [tilespmem:s29+$0x1400]  }
0xf0: {  	v3 =	vld [tilespmem:$0x2800];
	_ =	sdelay $0x3  }
0xf1: {  	v2 =	vshll.u32 v2, $0x7  }
0xf2: {  	v2 =	vadd.s32 v3, v2  }
0xf3: {  	[tilespmem:$0x2880] =	vst v2  }
0xf4: {  	v2 =	vld [tilespmem:s29+$0x1410]  }
0xf5: {  	v3 =	vld [tilespmem:$0x2810];
	_ =	sdelay $0x3  }
0xf6: {  	v2 =	vshll.u32 v2, $0x7  }
0xf7: {  	v2 =	vadd.s32 v3, v2  }
0xf8: {  	[tilespmem:$0x2890] =	vst v2  }
0xf9: {  	v2 =	vld [tilespmem:s29+$0x1420]  }
0xfa: {  	v3 =	vld [tilespmem:$0x2820];
	_ =	sdelay $0x3  }
0xfb: {  	v2 =	vshll.u32 v2, $0x7  }
0xfc: {  	v2 =	vadd.s32 v3, v2  }
0xfd: {  	[tilespmem:$0x28A0] =	vst v2  }
0xfe: {  	v2 =	vld [tilespmem:s29+$0x1430]  }
0xff: {  	v3 =	vld [tilespmem:$0x2830];
	_ =	sdelay $0x3  }
0x100: {  	v2 =	vshll.u32 v2, $0x7  }
0x101: {  	v2 =	vadd.s32 v3, v2  }
0x102: {  	[tilespmem:$0x28B0] =	vst v2  }
0x103: {  	v2 =	vld [tilespmem:s29+$0x1440]  }
0x104: {  	v3 =	vld [tilespmem:$0x2840];
	_ =	sdelay $0x3  }
0x105: {  	v2 =	vshll.u32 v2, $0x7  }
0x106: {  	v2 =	vadd.s32 v3, v2  }
0x107: {  	[tilespmem:$0x28C0] =	vst v2  }
0x108: {  	v2 =	vld [tilespmem:s29+$0x1450]  }
0x109: {  	v3 =	vld [tilespmem:$0x2850];
	_ =	sdelay $0x3  }
0x10a: {  	v2 =	vshll.u32 v2, $0x7  }
0x10b: {  	v2 =	vadd.s32 v3, v2  }
0x10c: {  	[tilespmem:$0x28D0] =	vst v2  }
0x10d: {  	v2 =	vld [tilespmem:s29+$0x1460]  }
0x10e: {  	v3 =	vld [tilespmem:$0x2860];
	_ =	sdelay $0x3  }
0x10f: {  	v2 =	vshll.u32 v2, $0x7  }
0x110: {  	v2 =	vadd.s32 v3, v2  }
0x111: {  	[tilespmem:$0x28E0] =	vst v2  }
0x112: {  	v2 =	vld [tilespmem:s29+$0x1470]  }
0x113: {  	v3 =	vld [tilespmem:$0x2870];
	_ =	sdelay $0x3  }
0x114: {  	v2 =	vshll.u32 v2, $0x7  }
0x115: {  	v2 =	vadd.s32 v3, v2  }
0x116: {  	[tilespmem:$0x28F0] =	vst v2  }
0x117: {  	[spmem:s2] =	stream.indirect.scatter.add.f32 [tilespmem:s28], [sflag:$0x1], $0x1, s26, s24, $0xb8;
	[tilespmem:$0x18980] =	vst v63  }
0x118: {  	_ =	swait.ge [sflag:s22], $0x80  }
0x119: {  	s31 =	simm.s32 $0x200;
	s30 =	simm.s32 $0x400;
	[sflag:s22] =	ssyncset.done $0x0  }
.LBB2_6:
0x11a: {  	s29 =	sshra.s32 s31, $0x2  }
0x11b: {  	[sflag:s22] =	ssyncadd.s32 $0xFFFFFF80;
	s31 =	smov.u32 s30;
	s0 =	sadd.s32 $0x200, s30  }
0x11c: {  	[tilespmem:s25], [sflag:$0x1] =	stream.indirect.gather [hbm4b:s4+s24], $0x1, s29, s24, $0xb8;
	[tilespmem:$0x18980] =	vst v63  }
0x11d: {  	p0 =	sne.s32 s30, $0x4E00;
	_ =	swait.ge [sflag:s22], $0x80  }
0x11e: {  	[sflag:s22] =	ssyncset.done $0x0  }
0x11f: {  	[sflag:s22] =	ssyncadd.s32 $0xFFFFFF80  }
0x120: {  	v2 =	vld [tilespmem:s29+$0x1400]  }
0x121: {  	v3 =	vld [tilespmem:$0x2800];
	_ =	sdelay $0x3  }
0x122: {  	v2 =	vshll.u32 v2, $0x7  }
0x123: {  	v2 =	vadd.s32 v3, v2  }
0x124: {  	[tilespmem:$0x2880] =	vst v2  }
0x125: {  	v2 =	vld [tilespmem:s29+$0x1410]  }
0x126: {  	v3 =	vld [tilespmem:$0x2810];
	_ =	sdelay $0x3  }
0x127: {  	v2 =	vshll.u32 v2, $0x7  }
0x128: {  	v2 =	vadd.s32 v3, v2  }
0x129: {  	[tilespmem:$0x2890] =	vst v2  }
0x12a: {  	v2 =	vld [tilespmem:s29+$0x1420]  }
0x12b: {  	v3 =	vld [tilespmem:$0x2820];
	_ =	sdelay $0x3  }
0x12c: {  	v2 =	vshll.u32 v2, $0x7  }
0x12d: {  	v2 =	vadd.s32 v3, v2  }
0x12e: {  	[tilespmem:$0x28A0] =	vst v2  }
0x12f: {  	v2 =	vld [tilespmem:s29+$0x1430]  }
0x130: {  	v3 =	vld [tilespmem:$0x2830];
	_ =	sdelay $0x3  }
0x131: {  	v2 =	vshll.u32 v2, $0x7  }
0x132: {  	v2 =	vadd.s32 v3, v2  }
0x133: {  	[tilespmem:$0x28B0] =	vst v2  }
0x134: {  	v2 =	vld [tilespmem:s29+$0x1440]  }
0x135: {  	v3 =	vld [tilespmem:$0x2840];
	_ =	sdelay $0x3  }
0x136: {  	v2 =	vshll.u32 v2, $0x7  }
0x137: {  	v2 =	vadd.s32 v3, v2  }
0x138: {  	[tilespmem:$0x28C0] =	vst v2  }
0x139: {  	v2 =	vld [tilespmem:s29+$0x1450]  }
0x13a: {  	v3 =	vld [tilespmem:$0x2850];
	_ =	sdelay $0x3  }
0x13b: {  	v2 =	vshll.u32 v2, $0x7  }
0x13c: {  	v2 =	vadd.s32 v3, v2  }
0x13d: {  	[tilespmem:$0x28D0] =	vst v2  }
0x13e: {  	v2 =	vld [tilespmem:s29+$0x1460]  }
0x13f: {  	v3 =	vld [tilespmem:$0x2860];
	_ =	sdelay $0x3  }
0x140: {  	v2 =	vshll.u32 v2, $0x7  }
0x141: {  	v2 =	vadd.s32 v3, v2  }
0x142: {  	[tilespmem:$0x28E0] =	vst v2  }
0x143: {  	v2 =	vld [tilespmem:s29+$0x1470]  }
0x144: {  	v3 =	vld [tilespmem:$0x2870];
	_ =	sdelay $0x3  }
0x145: {  	v2 =	vshll.u32 v2, $0x7  }
.Ltmp2:
0x146: {  	v2 =	vadd.s32 v3, v2;
	(pc) =	sbr.rel @p0 .LBB2_6-.Ltmp2, $4  }
0x147: {  	[tilespmem:$0x28F0] =	vst v2  }
0x148: {  	[spmem:s2] =	stream.indirect.scatter.add.f32 [tilespmem:s28], [sflag:$0x1], $0x1, s26, s24, $0xb8;
	[tilespmem:$0x18980] =	vst v63  }
0x149: {  	_ =	swait.ge [sflag:s22], $0x80  }
0x14a: {  	s30 =	smov.u32 s0;
	[sflag:s22] =	ssyncset.done $0x0  }
0x14b: {  	s0 =	sshra.s32 s31, $0x2;
	[sflag:s22] =	ssyncadd.s32 $0xFFFFFF80  }
0x14c: {  	[tilespmem:s25], [sflag:$0x1] =	stream.indirect.gather [hbm4b:s4+s24], $0x1, s0, s24, $0xb8;
	[tilespmem:$0x18980] =	vst v63  }
0x14d: {  	_ =	swait.ge [sflag:s22], $0x80  }
0x14e: {  	[sflag:s22] =	ssyncset.done $0x0  }
0x14f: {  	[sflag:s22] =	ssyncadd.s32 $0xFFFFFF80  }
0x150: {  	v2 =	vld [tilespmem:s0+$0x1400]  }
0x151: {  	v3 =	vld [tilespmem:$0x2800];
	_ =	sdelay $0x3  }
0x152: {  	v2 =	vshll.u32 v2, $0x7  }
0x153: {  	v2 =	vadd.s32 v3, v2  }
0x154: {  	[tilespmem:$0x2880] =	vst v2  }
0x155: {  	v2 =	vld [tilespmem:s0+$0x1410]  }
0x156: {  	v3 =	vld [tilespmem:$0x2810];
	_ =	sdelay $0x3  }
0x157: {  	v2 =	vshll.u32 v2, $0x7  }
0x158: {  	v2 =	vadd.s32 v3, v2  }
0x159: {  	[tilespmem:$0x2890] =	vst v2  }
0x15a: {  	v2 =	vld [tilespmem:s0+$0x1420]  }
0x15b: {  	v3 =	vld [tilespmem:$0x2820];
	_ =	sdelay $0x3  }
0x15c: {  	v2 =	vshll.u32 v2, $0x7  }
0x15d: {  	v2 =	vadd.s32 v3, v2  }
0x15e: {  	[tilespmem:$0x28A0] =	vst v2  }
0x15f: {  	v2 =	vld [tilespmem:s0+$0x1430]  }
0x160: {  	v3 =	vld [tilespmem:$0x2830];
	_ =	sdelay $0x3  }
0x161: {  	v2 =	vshll.u32 v2, $0x7  }
0x162: {  	v2 =	vadd.s32 v3, v2  }
0x163: {  	[tilespmem:$0x28B0] =	vst v2  }
0x164: {  	v2 =	vld [tilespmem:s0+$0x1440]  }
0x165: {  	v3 =	vld [tilespmem:$0x2840];
	_ =	sdelay $0x3  }
0x166: {  	v2 =	vshll.u32 v2, $0x7  }
0x167: {  	v2 =	vadd.s32 v3, v2  }
0x168: {  	[tilespmem:$0x28C0] =	vst v2  }
0x169: {  	v2 =	vld [tilespmem:s0+$0x1450]  }
0x16a: {  	v3 =	vld [tilespmem:$0x2850];
	_ =	sdelay $0x3  }
0x16b: {  	v2 =	vshll.u32 v2, $0x7  }
0x16c: {  	v2 =	vadd.s32 v3, v2  }
0x16d: {  	[tilespmem:$0x28D0] =	vst v2  }
0x16e: {  	v2 =	vld [tilespmem:s0+$0x1460]  }
0x16f: {  	v3 =	vld [tilespmem:$0x2860];
	_ =	sdelay $0x3  }
0x170: {  	v2 =	vshll.u32 v2, $0x7  }
0x171: {  	v2 =	vadd.s32 v3, v2  }
0x172: {  	[tilespmem:$0x28E0] =	vst v2  }
0x173: {  	v2 =	vld [tilespmem:s0+$0x1470]  }
0x174: {  	v3 =	vld [tilespmem:$0x2870];
	_ =	sdelay $0x3  }
0x175: {  	v2 =	vshll.u32 v2, $0x7  }
0x176: {  	v2 =	vadd.s32 v3, v2  }
0x177: {  	[tilespmem:$0x28F0] =	vst v2  }
0x178: {  	[spmem:s2] =	stream.indirect.scatter.add.f32 [tilespmem:s28], [sflag:$0x1], $0x1, s26, s24, $0xb8;
	[tilespmem:$0x18980] =	vst v63  }
0x179: {  	s31 =	sshll.u32 s1, $0x6;
	s29 =	sshrl.u32 s5, $0x3;
	_ =	swait.ge [sflag:s22], $0x80  }
0x17a: {  	s30 =	simm.s32 $0x20;
	s3 =	sadd.s32 $0x1, s3;
	[sflag:s22] =	ssyncset.done $0x0  }
0x17b: {  	p0 =	sne.s32 s3, s16;
	s0 =	sor.u32 $0x1C01, s31;
	[sflag:s22] =	ssyncadd.s32 $0xFFFFFF80  }
.Ltmp3:
0x17c: {  	s31 =	simm.s32 $0x10;
	[bflag:$0x0] =	sbarrier.arrive $0xFFFF;
	(pc) =	sbr.rel @p0 .LBB2_1-.Ltmp3, $4  }
0x17d: {  	[hbm:s15@s30], [sflag:s0] =	dma.strided [spmem:s29@s31], $0x2800, s22, $0x10   }
0x17e: {  	_ =	swait.ge [sflag:s22], $0x2800  }
0x17f: {  	[sflag:s22] =	ssyncset.done $0x0  }
0x180: {  	[sflag:s22] =	ssyncadd.s32 $0xFFFFD800  }
0x181: {  	_ =	sfence.sel $0x180000  }
0x182: {  	[bflag:$0x0] =	sbarrier.arrive $0xFFFF  }
0x183: {  	_ =	strace $0x90000047  }
0x184: {  	[bflag:$0x2] =	sbarrier.arrive $0xFFFF  }
0x185: {  	p0 =	sne.s32 s1, $0x0;
	s0 =	rddreg [dreg:$0x2]  }
0x186: {  	s0 =	sadd.s32 @!p0 $0x100000, s0  }
0x187: {  	[sflag:s0] =	ssyncadd.tile.s32 @!p0 $0x1;
	_ =	shalt  }
.Lfunc_end2:
_tile_overlayer_lowered:
.L_overlay_start_2:
0x188: {  	(tag) =	ssettag $0x2  }
0x189: {  	s0 =	rddreg [dreg:$0x0];
	s2 =	stileid.u32  }
0x18a: {  	s1 =	rddreg [dreg:$0x1];
	p0 =	sne.s32 s2, $0x0  }
0x18b: {  	s3 =	rddreg [dreg:$0x2];
	[bflag:$0x3] =	sbarrier.arrive $0xFFFF;
	s2 =	simm.s32 @!p0 $0x1C01  }
0x18c: {  	[timem:s3], [sflag:s2] =	dma.local @!p0 [hbm:s0], s1  }
0x18d: {  	s0 =	simm.s32 @!p0 $0x1  }
0x18e: {  	_ =	swait.ge @!p0 [sflag:s0], s1  }
0x18f: {  	s1 =	ssub.s32 @!p0 $0x0, s1;
	[sflag:s0] =	ssyncset.done @!p0 $0x0  }
0x190: {  	[sflag:s0] =	ssyncadd.s32 @!p0 s1  }
0x191: {  	[bflag:$0x3] =	sbarrier.arrive $0xFFFF  }
0x192: {  	_ =	shalt  }

</sc_bundles>
